<compile_context>
chip_gen: v7x
topology: tpu7x:2x2x1
jax: 0.10.2.dev20260603
libtpu: 0.0.44.dev20260713+nightly
codegen_flags: <defaults>
</compile_context>

<pallas_src>
import functools

import jax
import jax.numpy as jnp
from jax import lax
from jax.experimental import pallas as pl
from jax.experimental.pallas import tpu as pltpu
from jax.experimental.pallas import tpu_sc as plsc

N_NODES = 10000
N_EDGES = 160000
D = 256
H = 512
NUM_GRAPHS = 64

_NC, _NS, _NL = 2, 16, 16
_NW = _NC * _NS

CHUNK = 32
NBUF = 5
E_PAD = 163840
E_HALF = E_PAD // 2

E_BLK = 1280
N_BLK = 1000


def _make_sc_gather_body(per_w):
    chunks_per_w = per_w // CHUNK

    def body(x_hbm, src_hbm, dst_hbm, batch_hbm,
             gs_hbm, gd_hbm, ge_hbm,
             batch_v, si_all, di_all, *ring):
        gsb = ring[:NBUF]
        gdb = ring[NBUF:2 * NBUF]
        geb = ring[2 * NBUF:3 * NBUF]
        sg = ring[3 * NBUF:4 * NBUF]
        sw = ring[4 * NBUF:5 * NBUF]

        wid = lax.axis_index("s") * _NC + lax.axis_index("c")
        span = wid * per_w
        pltpu.sync_copy(batch_hbm, batch_v)
        pltpu.sync_copy(src_hbm.at[pl.ds(span, per_w)], si_all)
        pltpu.sync_copy(dst_hbm.at[pl.ds(span, per_w)], di_all)

        def start(k, b):
            off = pl.multiple_of(k * CHUNK, CHUNK)
            pltpu.async_copy(x_hbm.at[si_all.at[pl.ds(off, CHUNK)]],
                             gsb[b], sg[b])
            pltpu.async_copy(x_hbm.at[di_all.at[pl.ds(off, CHUNK)]],
                             gdb[b], sg[b])

        def wait_gathers(k, b):
            off = pl.multiple_of(k * CHUNK, CHUNK)
            pltpu.make_async_copy(
                x_hbm.at[si_all.at[pl.ds(off, CHUNK)]], gsb[b], sg[b]).wait()
            pltpu.make_async_copy(
                x_hbm.at[di_all.at[pl.ds(off, CHUNK)]], gdb[b], sg[b]).wait()

        def write(k, b):
            base = pl.multiple_of(span + k * CHUNK, CHUNK)
            pltpu.async_copy(gsb[b], gs_hbm.at[pl.ds(base, CHUNK)], sw[b])
            pltpu.async_copy(gdb[b], gd_hbm.at[pl.ds(base, CHUNK)], sw[b])
            pltpu.async_copy(geb[b], ge_hbm.at[pl.ds(base, CHUNK)], sw[b])

        def wait_writes(b):
            pltpu.make_async_copy(
                gsb[b], gs_hbm.at[pl.ds(span, CHUNK)], sw[b]).wait()
            pltpu.make_async_copy(
                gdb[b], gd_hbm.at[pl.ds(span, CHUNK)], sw[b]).wait()
            pltpu.make_async_copy(
                geb[b], ge_hbm.at[pl.ds(span, CHUNK)], sw[b]).wait()

        for b in range(NBUF - 1):
            start(b, b)

        def loop(p, carry):
            for b in range(NBUF):
                k = p * NBUF + b
                kn = k + NBUF - 1
                bn = (b + NBUF - 1) % NBUF

                @pl.when(kn < chunks_per_w)
                def _():
                    @pl.when(kn >= NBUF)
                    def _():
                        wait_writes(bn)
                    start(kn, bn)

                for j in range(CHUNK // _NL):
                    idx = si_all[pl.ds(k * CHUNK + j * _NL, _NL)]
                    geb[b][pl.ds(j * _NL, _NL)] = plsc.load_gather(
                        batch_v, [idx])
                wait_gathers(k, b)
                write(k, b)
            return carry

        lax.fori_loop(0, chunks_per_w // NBUF, loop, 0)
        for b in range(NBUF):
            wait_writes(b)

    return body


@functools.cache
def _sc_gather_kernel(n_edges):
    per_w = n_edges // _NW
    return functools.partial(
        pl.kernel,
        mesh=plsc.VectorSubcoreMesh(core_axis_name="c", subcore_axis_name="s"),
        compiler_params=pltpu.CompilerParams(needs_layout_passes=False),
        out_type=[
            jax.ShapeDtypeStruct((n_edges, D), jnp.float32),
            jax.ShapeDtypeStruct((n_edges, D), jnp.float32),
            jax.ShapeDtypeStruct((n_edges,), jnp.int32),
        ],
        scratch_types=(
            [pltpu.VMEM((N_NODES,), jnp.int32),
             pltpu.VMEM((per_w,), jnp.int32),
             pltpu.VMEM((per_w,), jnp.int32)]
            + [pltpu.VMEM((CHUNK, D), jnp.float32)] * (2 * NBUF)
            + [pltpu.VMEM((CHUNK,), jnp.int32)] * NBUF
            + [pltpu.SemaphoreType.DMA] * (2 * NBUF)
        ),
    )(_make_sc_gather_body(per_w))


def _tc_edge_body(gs_ref, gd_ref, ge_ref,
                  w1a_ref, w1b_ref, w2_ref, w3_ref,
                  b1_ref, b2_ref, b3_ref, wg_ref, acc_ref):
    i = pl.program_id(0)

    @pl.when(i == 0)
    def _init():
        acc_ref[...] = jnp.zeros_like(acc_ref)

    f32 = jnp.float32
    prec = jax.lax.Precision.HIGHEST
    h1 = jnp.maximum(
        jnp.dot(gs_ref[...], w1a_ref[...], preferred_element_type=f32,
                precision=prec)
        + jnp.dot(gd_ref[...], w1b_ref[...], preferred_element_type=f32,
                  precision=prec)
        + b1_ref[...], 0.0)
    h2 = jnp.maximum(
        jnp.dot(h1, w2_ref[...], preferred_element_type=f32, precision=prec)
        + b2_ref[...], 0.0)

    wgb = wg_ref[...][:, D:]
    vrow = jnp.sum(w3_ref[...] * wgb, axis=1)[None, :]
    c = jnp.sum(b3_ref[...] * wgb)
    s_col = jnp.sum(h2 * vrow, axis=1, keepdims=True) + c

    ge = ge_ref[0]
    iota_e = lax.broadcasted_iota(jnp.int32, (E_BLK, 128), 1)
    mask_e = iota_e == ge
    edge_part = jnp.sum(jnp.where(mask_e, s_col, 0.0), axis=0)

    acc_ref[0:1, :] = acc_ref[0:1, :] + edge_part[None, :]


@functools.cache
def _tc_edge_kernel(nblocks):
    return pl.pallas_call(
        _tc_edge_body,
        grid=(nblocks,),
        in_specs=[
            pl.BlockSpec((E_BLK, D), lambda i: (i, 0)),
            pl.BlockSpec((E_BLK, D), lambda i: (i, 0)),
            pl.BlockSpec((1, E_BLK, 1), lambda i: (i, 0, 0)),
            pl.BlockSpec((D, H), lambda i: (0, 0)),
            pl.BlockSpec((D, H), lambda i: (0, 0)),
            pl.BlockSpec((H, H), lambda i: (0, 0)),
            pl.BlockSpec((H, D), lambda i: (0, 0)),
            pl.BlockSpec((1, H), lambda i: (0, 0)),
            pl.BlockSpec((1, H), lambda i: (0, 0)),
            pl.BlockSpec((1, D), lambda i: (0, 0)),
            pl.BlockSpec((1, 2 * D), lambda i: (0, 0)),
        ],
        out_specs=pl.BlockSpec((8, 128), lambda i: (0, 0)),
        out_shape=jax.ShapeDtypeStruct((8, 128), jnp.float32),
    )


def _tc_node_body(x_ref, b_ref, wg_ref, acc_ref):
    i = pl.program_id(0)

    @pl.when(i == 0)
    def _init():
        acc_ref[...] = jnp.zeros_like(acc_ref)

    f32 = jnp.float32
    wga = wg_ref[...][:, :D]
    t_col = jnp.sum(x_ref[...] * wga, axis=1, keepdims=True)
    bt = b_ref[0]
    iota_n = lax.broadcasted_iota(jnp.int32, (N_BLK, 128), 1)
    mask_n = iota_n == bt
    node_part = jnp.sum(jnp.where(mask_n, t_col, 0.0), axis=0)
    cnt_part = jnp.sum(mask_n.astype(f32), axis=0)

    acc_ref[1:2, :] = acc_ref[1:2, :] + node_part[None, :]
    acc_ref[2:3, :] = acc_ref[2:3, :] + cnt_part[None, :]


_tc_node_kernel = pl.pallas_call(
    _tc_node_body,
    grid=(N_NODES // N_BLK,),
    in_specs=[
        pl.BlockSpec((N_BLK, D), lambda i: (i, 0)),
        pl.BlockSpec((1, N_BLK, 1), lambda i: (i, 0, 0)),
        pl.BlockSpec((1, 2 * D), lambda i: (0, 0)),
    ],
    out_specs=pl.BlockSpec((8, 128), lambda i: (0, 0)),
    out_shape=jax.ShapeDtypeStruct((8, 128), jnp.float32),
)


def kernel(x, edge_index, batch, W1, b1, W2, b2, W3, b3, Wg, bg):
    src = edge_index[0].astype(jnp.int32)
    dst = edge_index[1].astype(jnp.int32)
    srcp = jnp.pad(src, (0, E_PAD - N_EDGES))
    dstp = jnp.pad(dst, (0, E_PAD - N_EDGES))
    batch32 = batch.astype(jnp.int32)
    wg_row = Wg.reshape(1, 2 * D)

    weights = (W1[:D], W1[D:], W2, W3,
               b1.reshape(1, H), b2.reshape(1, H), b3.reshape(1, D), wg_row)

    accs = []
    for h in range(2):
        lo = h * E_HALF
        n_real = min(N_EDGES - lo, E_HALF)
        nblocks = n_real // E_BLK
        gs, gd, ge = _sc_gather_kernel(E_HALF)(
            x, lax.slice(srcp, (lo,), (lo + E_HALF,)),
            lax.slice(dstp, (lo,), (lo + E_HALF,)), batch32)
        ge3 = ge[:n_real].reshape(nblocks, E_BLK, 1)
        accs.append(_tc_edge_kernel(nblocks)(gs, gd, ge3, *weights))

    batch3 = batch32.reshape(N_NODES // N_BLK, N_BLK, 1)
    accs.append(_tc_node_kernel(x, batch3, wg_row))

    acc = accs[0] + accs[1] + accs[2]
    cnt = acc[2, :NUM_GRAPHS]
    sums = acc[0, :NUM_GRAPHS] + acc[1, :NUM_GRAPHS] + cnt * bg[0]
    return (sums / jnp.maximum(cnt, 1.0))[:, None]

# --- scband reference (transcript-rebuilt; emitter-appended) ---
"""Pipeline reference for scband-classical-geo-gnn-52656299049058 (READ-ONLY COPY).

The authoritative reference and input builder live on the scoring server;
editing this copy changes nothing except your own understanding.
"""

import jax, jax.numpy as jnp
import numpy as np

N_NODES = 10000
N_EDGES = 160000
D = 256
NUM_GRAPHS = 64


def setup_inputs(seed: int = 0) -> dict:
    key = jax.random.key(seed)
    ks = jax.random.split(key, 12)
    x = jax.random.normal(ks[0], (N_NODES, D), dtype=jnp.float32)
    edge_index = jax.random.randint(ks[1], (2, N_EDGES), 0, N_NODES, dtype=jnp.int64)
    batch = jnp.sort(jax.random.randint(ks[2], (N_NODES,), 0, NUM_GRAPHS, dtype=jnp.int64))
    # phi: ClassicalMLP(in=2D, out=D, hidden=2D, num_layers=2)
    # Linear(2D->2D) -> ReLU -> Linear(2D->2D) -> ReLU -> Linear(2D->D)
    h = 2 * D
    W1 = jax.random.normal(ks[3], (2 * D, h), dtype=jnp.float32) * (1.0 / np.sqrt(2 * D))
    b1 = jnp.zeros((h,), dtype=jnp.float32)
    W2 = jax.random.normal(ks[4], (h, h), dtype=jnp.float32) * (1.0 / np.sqrt(h))
    b2 = jnp.zeros((h,), dtype=jnp.float32)
    W3 = jax.random.normal(ks[5], (h, D), dtype=jnp.float32) * (1.0 / np.sqrt(h))
    b3 = jnp.zeros((D,), dtype=jnp.float32)
    # gamma: ClassicalMLP(in=2D, out=1, hidden=0, num_layers=0) -> single Linear(2D->1)
    Wg = jax.random.normal(ks[6], (2 * D, 1), dtype=jnp.float32) * (1.0 / np.sqrt(2 * D))
    bg = jnp.zeros((1,), dtype=jnp.float32)
    return {"x": x, "edge_index": edge_index, "batch": batch,
            "W1": W1, "b1": b1, "W2": W2, "b2": b2, "W3": W3, "b3": b3,
            "Wg": Wg, "bg": bg}


def reference(x, edge_index, batch, W1, b1, W2, b2, W3, b3, Wg, bg):
    # flow='target_to_source': i = edge_index[0], j = edge_index[1];
    # messages aggregated at node i.
    src = edge_index[0]
    dst = edge_index[1]
    x_i = jnp.take(x, src, axis=0)
    x_j = jnp.take(x, dst, axis=0)
    m = jnp.concatenate([x_i, x_j], axis=-1)
    m = jax.nn.relu(m @ W1 + b1)
    m = jax.nn.relu(m @ W2 + b2)
    m = m @ W3 + b3
    aggr = jax.ops.segment_sum(m, src, num_segments=N_NODES)
    upd = jnp.concatenate([x, aggr], axis=-1) @ Wg + bg  # [N, 1]
    # global_mean_pool over batch segment ids
    sums = jax.ops.segment_sum(upd, batch, num_segments=NUM_GRAPHS)
    counts = jax.ops.segment_sum(jnp.ones((N_NODES,), dtype=jnp.float32), batch, num_segments=NUM_GRAPHS)
    counts = jnp.maximum(counts, 1.0)
    return sums / counts[:, None]

if __name__ == "__main__":
    import jax
    _d = setup_inputs()
    print(jax.jit(kernel)(*tuple(_d.values())))

</pallas_src>

<mosaic_0001>
#map = affine_map<(d0, d1) -> (0, 0)>
#map1 = affine_map<(d0, d1) -> (0)>
module attributes {stable_mosaic.version = 14 : i64} {
  func.func @body(%arg0: i32, %arg1: i32, %arg2: memref<10000x256xf32, #tpu.memory_space<hbm>>, %arg3: memref<81920xi32, #tpu.memory_space<hbm>>, %arg4: memref<81920xi32, #tpu.memory_space<hbm>>, %arg5: memref<10000xi32, #tpu.memory_space<hbm>>, %arg6: memref<81920x256xf32, #tpu.memory_space<hbm>>, %arg7: memref<81920x256xf32, #tpu.memory_space<hbm>>, %arg8: memref<81920xi32, #tpu.memory_space<hbm>>, %arg9: memref<10000xi32, #tpu.memory_space<vmem>>, %arg10: memref<2560xi32, #tpu.memory_space<vmem>>, %arg11: memref<2560xi32, #tpu.memory_space<vmem>>, %arg12: memref<32x256xf32, #tpu.memory_space<vmem>>, %arg13: memref<32x256xf32, #tpu.memory_space<vmem>>, %arg14: memref<32x256xf32, #tpu.memory_space<vmem>>, %arg15: memref<32x256xf32, #tpu.memory_space<vmem>>, %arg16: memref<32x256xf32, #tpu.memory_space<vmem>>, %arg17: memref<32x256xf32, #tpu.memory_space<vmem>>, %arg18: memref<32x256xf32, #tpu.memory_space<vmem>>, %arg19: memref<32x256xf32, #tpu.memory_space<vmem>>, %arg20: memref<32x256xf32, #tpu.memory_space<vmem>>, %arg21: memref<32x256xf32, #tpu.memory_space<vmem>>, %arg22: memref<32xi32, #tpu.memory_space<vmem>>, %arg23: memref<32xi32, #tpu.memory_space<vmem>>, %arg24: memref<32xi32, #tpu.memory_space<vmem>>, %arg25: memref<32xi32, #tpu.memory_space<vmem>>, %arg26: memref<32xi32, #tpu.memory_space<vmem>>, %arg27: memref<!tpu.dma_semaphore, #tpu.memory_space<semaphore_mem>>, %arg28: memref<!tpu.dma_semaphore, #tpu.memory_space<semaphore_mem>>, %arg29: memref<!tpu.dma_semaphore, #tpu.memory_space<semaphore_mem>>, %arg30: memref<!tpu.dma_semaphore, #tpu.memory_space<semaphore_mem>>, %arg31: memref<!tpu.dma_semaphore, #tpu.memory_space<semaphore_mem>>, %arg32: memref<!tpu.dma_semaphore, #tpu.memory_space<semaphore_mem>>, %arg33: memref<!tpu.dma_semaphore, #tpu.memory_space<semaphore_mem>>, %arg34: memref<!tpu.dma_semaphore, #tpu.memory_space<semaphore_mem>>, %arg35: memref<!tpu.dma_semaphore, #tpu.memory_space<semaphore_mem>>, %arg36: memref<!tpu.dma_semaphore, #tpu.memory_space<semaphore_mem>>) attributes {dimension_semantics = [#tpu.dimension_semantics<core_parallel>, #tpu.dimension_semantics<subcore_parallel>], iteration_bounds = array<i64: 2, 16>, scalar_prefetch = 0 : i64, scratch_operands = 28 : i64, tpu.core_type = #tpu.core_type<sc_vector_subcore>, window_params = [{transform_indices = #map}, {transform_indices = #map1}, {transform_indices = #map1}, {transform_indices = #map1}, {transform_indices = #map}, {transform_indices = #map}, {transform_indices = #map1}]} {
    %mul3A = arith.constant 2 : i32
    %mul3A_0 = arith.muli %arg1, %mul3A : i32
    %add3A = arith.addi %mul3A_0, %arg0 : i32
    %mul3A_1 = arith.constant 2560 : i32
    %mul3A_2 = arith.muli %add3A, %mul3A_1 : i32
    "tpu.region"() ({
      %run_scoped3A = tpu.sem_alloc : memref<!tpu.dma_semaphore, #tpu.memory_space<semaphore_mem>>
      tpu.enqueue_dma source(%arg5 : memref<10000xi32, #tpu.memory_space<hbm>>) target(%arg9 : memref<10000xi32, #tpu.memory_space<vmem>>) target_semaphore(%run_scoped3A : memref<!tpu.dma_semaphore, #tpu.memory_space<semaphore_mem>>)
      tpu.wait_dma2 semaphore(%run_scoped3A : memref<!tpu.dma_semaphore, #tpu.memory_space<semaphore_mem>>) src(%arg5 : memref<10000xi32, #tpu.memory_space<hbm>>) dst(%arg9 : memref<10000xi32, #tpu.memory_space<vmem>>)
      tpu.yield
    }) : () -> ()
    "tpu.region"() ({
      %run_scoped3A = tpu.sem_alloc : memref<!tpu.dma_semaphore, #tpu.memory_space<semaphore_mem>>
      %dma_start3A_95 = tpu.memref_slice %arg3[%mul3A_2] : memref<81920xi32, #tpu.memory_space<hbm>> -> memref<2560xi32, #tpu.memory_space<hbm>>
      %dma_start3A_96 = tpu.memref_slice %arg3[%mul3A_2] : memref<81920xi32, #tpu.memory_space<hbm>> -> memref<2560xi32, #tpu.memory_space<hbm>>
      tpu.enqueue_dma source(%dma_start3A_96 : memref<2560xi32, #tpu.memory_space<hbm>>) target(%arg10 : memref<2560xi32, #tpu.memory_space<vmem>>) target_semaphore(%run_scoped3A : memref<!tpu.dma_semaphore, #tpu.memory_space<semaphore_mem>>)
      %dma_wait3A_97 = tpu.memref_slice %arg3[%mul3A_2] : memref<81920xi32, #tpu.memory_space<hbm>> -> memref<2560xi32, #tpu.memory_space<hbm>>
      %dma_wait3A_98 = tpu.memref_slice %arg3[%mul3A_2] : memref<81920xi32, #tpu.memory_space<hbm>> -> memref<2560xi32, #tpu.memory_space<hbm>>
      tpu.wait_dma2 semaphore(%run_scoped3A : memref<!tpu.dma_semaphore, #tpu.memory_space<semaphore_mem>>) src(%dma_wait3A_98 : memref<2560xi32, #tpu.memory_space<hbm>>) dst(%arg10 : memref<2560xi32, #tpu.memory_space<vmem>>)
      tpu.yield
    }) : () -> ()
    "tpu.region"() ({
      %run_scoped3A = tpu.sem_alloc : memref<!tpu.dma_semaphore, #tpu.memory_space<semaphore_mem>>
      %dma_start3A_95 = tpu.memref_slice %arg4[%mul3A_2] : memref<81920xi32, #tpu.memory_space<hbm>> -> memref<2560xi32, #tpu.memory_space<hbm>>
      %dma_start3A_96 = tpu.memref_slice %arg4[%mul3A_2] : memref<81920xi32, #tpu.memory_space<hbm>> -> memref<2560xi32, #tpu.memory_space<hbm>>
      tpu.enqueue_dma source(%dma_start3A_96 : memref<2560xi32, #tpu.memory_space<hbm>>) target(%arg11 : memref<2560xi32, #tpu.memory_space<vmem>>) target_semaphore(%run_scoped3A : memref<!tpu.dma_semaphore, #tpu.memory_space<semaphore_mem>>)
      %dma_wait3A_97 = tpu.memref_slice %arg4[%mul3A_2] : memref<81920xi32, #tpu.memory_space<hbm>> -> memref<2560xi32, #tpu.memory_space<hbm>>
      %dma_wait3A_98 = tpu.memref_slice %arg4[%mul3A_2] : memref<81920xi32, #tpu.memory_space<hbm>> -> memref<2560xi32, #tpu.memory_space<hbm>>
      tpu.wait_dma2 semaphore(%run_scoped3A : memref<!tpu.dma_semaphore, #tpu.memory_space<semaphore_mem>>) src(%dma_wait3A_98 : memref<2560xi32, #tpu.memory_space<hbm>>) dst(%arg11 : memref<2560xi32, #tpu.memory_space<vmem>>)
      tpu.yield
    }) : () -> ()
    %multiple_of3A = arith.constant 0 : i32
    %multiple_of3A_3 = tpu.assume_multiple %multiple_of3A, 32 : i32
    %dma_start3A = tpu.memref_slice %arg10[%multiple_of3A_3] : memref<2560xi32, #tpu.memory_space<vmem>> -> memref<32xi32, #tpu.memory_space<vmem>>
    %dma_start3A_4 = arith.constant 0 : i32
    %dma_start3A_5 = arith.constant 0 : i32
    %dma_start3A_6 = tpu.memref_slice %arg2[%dma_start3A_4, %dma_start3A_5] : memref<10000x256xf32, #tpu.memory_space<hbm>> -> memref<10000x256xf32, #tpu.memory_space<hbm>>
    tpu.enqueue_indirect_dma source(%dma_start3A_6 : memref<10000x256xf32, #tpu.memory_space<hbm>>) target(%arg12 : memref<32x256xf32, #tpu.memory_space<vmem>>) offsets(%dma_start3A : memref<32xi32, #tpu.memory_space<vmem>>) semaphore(%arg27 : memref<!tpu.dma_semaphore, #tpu.memory_space<semaphore_mem>>)
    %dma_start3A_7 = tpu.memref_slice %arg11[%multiple_of3A_3] : memref<2560xi32, #tpu.memory_space<vmem>> -> memref<32xi32, #tpu.memory_space<vmem>>
    %dma_start3A_8 = arith.constant 0 : i32
    %dma_start3A_9 = arith.constant 0 : i32
    %dma_start3A_10 = tpu.memref_slice %arg2[%dma_start3A_8, %dma_start3A_9] : memref<10000x256xf32, #tpu.memory_space<hbm>> -> memref<10000x256xf32, #tpu.memory_space<hbm>>
    tpu.enqueue_indirect_dma source(%dma_start3A_10 : memref<10000x256xf32, #tpu.memory_space<hbm>>) target(%arg17 : memref<32x256xf32, #tpu.memory_space<vmem>>) offsets(%dma_start3A_7 : memref<32xi32, #tpu.memory_space<vmem>>) semaphore(%arg27 : memref<!tpu.dma_semaphore, #tpu.memory_space<semaphore_mem>>)
    %multiple_of3A_11 = arith.constant 32 : i32
    %multiple_of3A_12 = tpu.assume_multiple %multiple_of3A_11, 32 : i32
    %dma_start3A_13 = tpu.memref_slice %arg10[%multiple_of3A_12] : memref<2560xi32, #tpu.memory_space<vmem>> -> memref<32xi32, #tpu.memory_space<vmem>>
    %dma_start3A_14 = arith.constant 0 : i32
    %dma_start3A_15 = arith.constant 0 : i32
    %dma_start3A_16 = tpu.memref_slice %arg2[%dma_start3A_14, %dma_start3A_15] : memref<10000x256xf32, #tpu.memory_space<hbm>> -> memref<10000x256xf32, #tpu.memory_space<hbm>>
    tpu.enqueue_indirect_dma source(%dma_start3A_16 : memref<10000x256xf32, #tpu.memory_space<hbm>>) target(%arg13 : memref<32x256xf32, #tpu.memory_space<vmem>>) offsets(%dma_start3A_13 : memref<32xi32, #tpu.memory_space<vmem>>) semaphore(%arg28 : memref<!tpu.dma_semaphore, #tpu.memory_space<semaphore_mem>>)
    %dma_start3A_17 = tpu.memref_slice %arg11[%multiple_of3A_12] : memref<2560xi32, #tpu.memory_space<vmem>> -> memref<32xi32, #tpu.memory_space<vmem>>
    %dma_start3A_18 = arith.constant 0 : i32
    %dma_start3A_19 = arith.constant 0 : i32
    %dma_start3A_20 = tpu.memref_slice %arg2[%dma_start3A_18, %dma_start3A_19] : memref<10000x256xf32, #tpu.memory_space<hbm>> -> memref<10000x256xf32, #tpu.memory_space<hbm>>
    tpu.enqueue_indirect_dma source(%dma_start3A_20 : memref<10000x256xf32, #tpu.memory_space<hbm>>) target(%arg18 : memref<32x256xf32, #tpu.memory_space<vmem>>) offsets(%dma_start3A_17 : memref<32xi32, #tpu.memory_space<vmem>>) semaphore(%arg28 : memref<!tpu.dma_semaphore, #tpu.memory_space<semaphore_mem>>)
    %multiple_of3A_21 = arith.constant 64 : i32
    %multiple_of3A_22 = tpu.assume_multiple %multiple_of3A_21, 32 : i32
    %dma_start3A_23 = tpu.memref_slice %arg10[%multiple_of3A_22] : memref<2560xi32, #tpu.memory_space<vmem>> -> memref<32xi32, #tpu.memory_space<vmem>>
    %dma_start3A_24 = arith.constant 0 : i32
    %dma_start3A_25 = arith.constant 0 : i32
    %dma_start3A_26 = tpu.memref_slice %arg2[%dma_start3A_24, %dma_start3A_25] : memref<10000x256xf32, #tpu.memory_space<hbm>> -> memref<10000x256xf32, #tpu.memory_space<hbm>>
    tpu.enqueue_indirect_dma source(%dma_start3A_26 : memref<10000x256xf32, #tpu.memory_space<hbm>>) target(%arg14 : memref<32x256xf32, #tpu.memory_space<vmem>>) offsets(%dma_start3A_23 : memref<32xi32, #tpu.memory_space<vmem>>) semaphore(%arg29 : memref<!tpu.dma_semaphore, #tpu.memory_space<semaphore_mem>>)
    %dma_start3A_27 = tpu.memref_slice %arg11[%multiple_of3A_22] : memref<2560xi32, #tpu.memory_space<vmem>> -> memref<32xi32, #tpu.memory_space<vmem>>
    %dma_start3A_28 = arith.constant 0 : i32
    %dma_start3A_29 = arith.constant 0 : i32
    %dma_start3A_30 = tpu.memref_slice %arg2[%dma_start3A_28, %dma_start3A_29] : memref<10000x256xf32, #tpu.memory_space<hbm>> -> memref<10000x256xf32, #tpu.memory_space<hbm>>
    tpu.enqueue_indirect_dma source(%dma_start3A_30 : memref<10000x256xf32, #tpu.memory_space<hbm>>) target(%arg19 : memref<32x256xf32, #tpu.memory_space<vmem>>) offsets(%dma_start3A_27 : memref<32xi32, #tpu.memory_space<vmem>>) semaphore(%arg29 : memref<!tpu.dma_semaphore, #tpu.memory_space<semaphore_mem>>)
    %multiple_of3A_31 = arith.constant 96 : i32
    %multiple_of3A_32 = tpu.assume_multiple %multiple_of3A_31, 32 : i32
    %dma_start3A_33 = tpu.memref_slice %arg10[%multiple_of3A_32] : memref<2560xi32, #tpu.memory_space<vmem>> -> memref<32xi32, #tpu.memory_space<vmem>>
    %dma_start3A_34 = arith.constant 0 : i32
    %dma_start3A_35 = arith.constant 0 : i32
    %dma_start3A_36 = tpu.memref_slice %arg2[%dma_start3A_34, %dma_start3A_35] : memref<10000x256xf32, #tpu.memory_space<hbm>> -> memref<10000x256xf32, #tpu.memory_space<hbm>>
    tpu.enqueue_indirect_dma source(%dma_start3A_36 : memref<10000x256xf32, #tpu.memory_space<hbm>>) target(%arg15 : memref<32x256xf32, #tpu.memory_space<vmem>>) offsets(%dma_start3A_33 : memref<32xi32, #tpu.memory_space<vmem>>) semaphore(%arg30 : memref<!tpu.dma_semaphore, #tpu.memory_space<semaphore_mem>>)
    %dma_start3A_37 = tpu.memref_slice %arg11[%multiple_of3A_32] : memref<2560xi32, #tpu.memory_space<vmem>> -> memref<32xi32, #tpu.memory_space<vmem>>
    %dma_start3A_38 = arith.constant 0 : i32
    %dma_start3A_39 = arith.constant 0 : i32
    %dma_start3A_40 = tpu.memref_slice %arg2[%dma_start3A_38, %dma_start3A_39] : memref<10000x256xf32, #tpu.memory_space<hbm>> -> memref<10000x256xf32, #tpu.memory_space<hbm>>
    tpu.enqueue_indirect_dma source(%dma_start3A_40 : memref<10000x256xf32, #tpu.memory_space<hbm>>) target(%arg20 : memref<32x256xf32, #tpu.memory_space<vmem>>) offsets(%dma_start3A_37 : memref<32xi32, #tpu.memory_space<vmem>>) semaphore(%arg30 : memref<!tpu.dma_semaphore, #tpu.memory_space<semaphore_mem>>)
    %scan3A = arith.constant 0 : i32
    %scan3A_41 = arith.constant 0 : i32
    %scan3A_42 = arith.constant 16 : i32
    %scan3A_43 = arith.addi %scan3A_41, %scan3A_42 : i32
    %scan3A_44 = arith.constant 1 : i32
    scf.for %scan3A_95 = %scan3A_41 to %scan3A_43 step %scan3A_44  : i32 {
      %mul3A_96 = arith.constant 5 : i32
      %mul3A_97 = arith.muli %scan3A_95, %mul3A_96 : i32
      %add3A_98 = arith.constant 0 : i32
      %add3A_99 = arith.addi %mul3A_97, %add3A_98 : i32
      %add3A_100 = arith.constant 5 : i32
      %add3A_101 = arith.addi %add3A_99, %add3A_100 : i32
      %sub3A = arith.constant 1 : i32
      %sub3A_102 = arith.subi %add3A_101, %sub3A : i32
      %lt3A = arith.constant 80 : i32
      %lt3A_103 = arith.cmpi slt, %sub3A_102, %lt3A : i32
      %convert_element_type3A = arith.extui %lt3A_103 : i1 to i32
      %cond3A = arith.constant 0 : i32
      %cond3A_104 = arith.cmpi ne, %convert_element_type3A, %cond3A : i32
      scf.if %cond3A_104 {
        %ge3A = arith.constant 5 : i32
        %ge3A_369 = arith.cmpi sge, %sub3A_102, %ge3A : i32
        %convert_element_type3A_370 = arith.extui %ge3A_369 : i1 to i32
        %cond3A_371 = arith.constant 0 : i32
        %cond3A_372 = arith.cmpi ne, %convert_element_type3A_370, %cond3A_371 : i32
        scf.if %cond3A_372 {
          %dma_wait3A_384 = arith.constant 0 : i32
          %dma_wait3A_385 = tpu.memref_slice %arg6[%mul3A_2, %dma_wait3A_384] : memref<81920x256xf32, #tpu.memory_space<hbm>> -> memref<32x256xf32, #tpu.memory_space<hbm>>
          %dma_wait3A_386 = arith.constant 0 : i32
          %dma_wait3A_387 = tpu.memref_slice %arg6[%mul3A_2, %dma_wait3A_386] : memref<81920x256xf32, #tpu.memory_space<hbm>> -> memref<32x256xf32, #tpu.memory_space<hbm>>
          tpu.wait_dma2 semaphore(%arg36 : memref<!tpu.dma_semaphore, #tpu.memory_space<semaphore_mem>>) src(%arg16 : memref<32x256xf32, #tpu.memory_space<vmem>>) dst(%dma_wait3A_387 : memref<32x256xf32, #tpu.memory_space<hbm>>)
          %dma_wait3A_388 = arith.constant 0 : i32
          %dma_wait3A_389 = tpu.memref_slice %arg7[%mul3A_2, %dma_wait3A_388] : memref<81920x256xf32, #tpu.memory_space<hbm>> -> memref<32x256xf32, #tpu.memory_space<hbm>>
          %dma_wait3A_390 = arith.constant 0 : i32
          %dma_wait3A_391 = tpu.memref_slice %arg7[%mul3A_2, %dma_wait3A_390] : memref<81920x256xf32, #tpu.memory_space<hbm>> -> memref<32x256xf32, #tpu.memory_space<hbm>>
          tpu.wait_dma2 semaphore(%arg36 : memref<!tpu.dma_semaphore, #tpu.memory_space<semaphore_mem>>) src(%arg21 : memref<32x256xf32, #tpu.memory_space<vmem>>) dst(%dma_wait3A_391 : memref<32x256xf32, #tpu.memory_space<hbm>>)
          %dma_wait3A_392 = tpu.memref_slice %arg8[%mul3A_2] : memref<81920xi32, #tpu.memory_space<hbm>> -> memref<32xi32, #tpu.memory_space<hbm>>
          %dma_wait3A_393 = tpu.memref_slice %arg8[%mul3A_2] : memref<81920xi32, #tpu.memory_space<hbm>> -> memref<32xi32, #tpu.memory_space<hbm>>
          tpu.wait_dma2 semaphore(%arg36 : memref<!tpu.dma_semaphore, #tpu.memory_space<semaphore_mem>>) src(%arg26 : memref<32xi32, #tpu.memory_space<vmem>>) dst(%dma_wait3A_393 : memref<32xi32, #tpu.memory_space<hbm>>)
        } else {
        }
        %mul3A_373 = arith.constant 32 : i32
        %mul3A_374 = arith.muli %sub3A_102, %mul3A_373 : i32
        %multiple_of3A_375 = tpu.assume_multiple %mul3A_374, 32 : i32
        %dma_start3A_376 = tpu.memref_slice %arg10[%multiple_of3A_375] : memref<2560xi32, #tpu.memory_space<vmem>> -> memref<32xi32, #tpu.memory_space<vmem>>
        %dma_start3A_377 = arith.constant 0 : i32
        %dma_start3A_378 = arith.constant 0 : i32
        %dma_start3A_379 = tpu.memref_slice %arg2[%dma_start3A_377, %dma_start3A_378] : memref<10000x256xf32, #tpu.memory_space<hbm>> -> memref<10000x256xf32, #tpu.memory_space<hbm>>
        tpu.enqueue_indirect_dma source(%dma_start3A_379 : memref<10000x256xf32, #tpu.memory_space<hbm>>) target(%arg16 : memref<32x256xf32, #tpu.memory_space<vmem>>) offsets(%dma_start3A_376 : memref<32xi32, #tpu.memory_space<vmem>>) semaphore(%arg31 : memref<!tpu.dma_semaphore, #tpu.memory_space<semaphore_mem>>)
        %dma_start3A_380 = tpu.memref_slice %arg11[%multiple_of3A_375] : memref<2560xi32, #tpu.memory_space<vmem>> -> memref<32xi32, #tpu.memory_space<vmem>>
        %dma_start3A_381 = arith.constant 0 : i32
        %dma_start3A_382 = arith.constant 0 : i32
        %dma_start3A_383 = tpu.memref_slice %arg2[%dma_start3A_381, %dma_start3A_382] : memref<10000x256xf32, #tpu.memory_space<hbm>> -> memref<10000x256xf32, #tpu.memory_space<hbm>>
        tpu.enqueue_indirect_dma source(%dma_start3A_383 : memref<10000x256xf32, #tpu.memory_space<hbm>>) target(%arg21 : memref<32x256xf32, #tpu.memory_space<vmem>>) offsets(%dma_start3A_380 : memref<32xi32, #tpu.memory_space<vmem>>) semaphore(%arg31 : memref<!tpu.dma_semaphore, #tpu.memory_space<semaphore_mem>>)
      } else {
      }
      %mul3A_105 = arith.constant 32 : i32
      %mul3A_106 = arith.muli %add3A_99, %mul3A_105 : i32
      %add3A_107 = arith.constant 0 : i32
      %add3A_108 = arith.addi %mul3A_106, %add3A_107 : i32
      %get3A = arith.index_cast %add3A_108 : i32 to index
      %get3A_109 = tpu.vector_load %arg10[%get3A] {strides = array<i32>} : memref<2560xi32, #tpu.memory_space<vmem>>, vector<16xi32>,
      %gather3A = tpu.vector_load_idx %arg9[%get3A_109] : memref<10000xi32, #tpu.memory_space<vmem>>[vector<16xi32>], vector<16xi32>,
      %swap3A = arith.constant 0 : index
      %swap3A_110 = tpu.vector_load %arg22[%swap3A] {strides = array<i32>} : memref<32xi32, #tpu.memory_space<vmem>>, vector<16xi32>,
      tpu.vector_store %arg22[%swap3A], %gather3A {strides = array<i32>} : memref<32xi32, #tpu.memory_space<vmem>>, vector<16xi32>,
      %mul3A_111 = arith.constant 32 : i32
      %mul3A_112 = arith.muli %add3A_99, %mul3A_111 : i32
      %add3A_113 = arith.constant 16 : i32
      %add3A_114 = arith.addi %mul3A_112, %add3A_113 : i32
      %get3A_115 = arith.index_cast %add3A_114 : i32 to index
      %get3A_116 = tpu.vector_load %arg10[%get3A_115] {strides = array<i32>} : memref<2560xi32, #tpu.memory_space<vmem>>, vector<16xi32>,
      %gather3A_117 = tpu.vector_load_idx %arg9[%get3A_116] : memref<10000xi32, #tpu.memory_space<vmem>>[vector<16xi32>], vector<16xi32>,
      %swap3A_118 = arith.constant 16 : index
      %swap3A_119 = tpu.vector_load %arg22[%swap3A_118] {strides = array<i32>} : memref<32xi32, #tpu.memory_space<vmem>>, vector<16xi32>,
      tpu.vector_store %arg22[%swap3A_118], %gather3A_117 {strides = array<i32>} : memref<32xi32, #tpu.memory_space<vmem>>, vector<16xi32>,
      %mul3A_120 = arith.constant 32 : i32
      %mul3A_121 = arith.muli %add3A_99, %mul3A_120 : i32
      %multiple_of3A_122 = tpu.assume_multiple %mul3A_121, 32 : i32
      %dma_wait3A_123 = tpu.memref_slice %arg10[%multiple_of3A_122] : memref<2560xi32, #tpu.memory_space<vmem>> -> memref<32xi32, #tpu.memory_space<vmem>>
      %dma_wait3A_124 = arith.constant 0 : i32
      %dma_wait3A_125 = arith.constant 0 : i32
      %dma_wait3A_126 = tpu.memref_slice %arg2[%dma_wait3A_124, %dma_wait3A_125] : memref<10000x256xf32, #tpu.memory_space<hbm>> -> memref<10000x256xf32, #tpu.memory_space<hbm>>
      tpu.wait_indirect_dma semaphore(%arg27 : memref<!tpu.dma_semaphore, #tpu.memory_space<semaphore_mem>>) src(%dma_wait3A_126 : memref<10000x256xf32, #tpu.memory_space<hbm>>) dst(%arg12 : memref<32x256xf32, #tpu.memory_space<vmem>>)
      %dma_wait3A_127 = tpu.memref_slice %arg11[%multiple_of3A_122] : memref<2560xi32, #tpu.memory_space<vmem>> -> memref<32xi32, #tpu.memory_space<vmem>>
      %dma_wait3A_128 = arith.constant 0 : i32
      %dma_wait3A_129 = arith.constant 0 : i32
      %dma_wait3A_130 = tpu.memref_slice %arg2[%dma_wait3A_128, %dma_wait3A_129] : memref<10000x256xf32, #tpu.memory_space<hbm>> -> memref<10000x256xf32, #tpu.memory_space<hbm>>
      tpu.wait_indirect_dma semaphore(%arg27 : memref<!tpu.dma_semaphore, #tpu.memory_space<semaphore_mem>>) src(%dma_wait3A_130 : memref<10000x256xf32, #tpu.memory_space<hbm>>) dst(%arg17 : memref<32x256xf32, #tpu.memory_space<vmem>>)
      %mul3A_131 = arith.constant 32 : i32
      %mul3A_132 = arith.muli %add3A_99, %mul3A_131 : i32
      %add3A_133 = arith.addi %mul3A_2, %mul3A_132 : i32
      %multiple_of3A_134 = tpu.assume_multiple %add3A_133, 32 : i32
      %dma_start3A_135 = arith.constant 0 : i32
      %dma_start3A_136 = tpu.memref_slice %arg6[%multiple_of3A_134, %dma_start3A_135] : memref<81920x256xf32, #tpu.memory_space<hbm>> -> memref<32x256xf32, #tpu.memory_space<hbm>>
      %dma_start3A_137 = arith.constant 0 : i32
      %dma_start3A_138 = tpu.memref_slice %arg6[%multiple_of3A_134, %dma_start3A_137] : memref<81920x256xf32, #tpu.memory_space<hbm>> -> memref<32x256xf32, #tpu.memory_space<hbm>>
      tpu.enqueue_dma source(%arg12 : memref<32x256xf32, #tpu.memory_space<vmem>>) target(%dma_start3A_138 : memref<32x256xf32, #tpu.memory_space<hbm>>) target_semaphore(%arg32 : memref<!tpu.dma_semaphore, #tpu.memory_space<semaphore_mem>>)
      %dma_start3A_139 = arith.constant 0 : i32
      %dma_start3A_140 = tpu.memref_slice %arg7[%multiple_of3A_134, %dma_start3A_139] : memref<81920x256xf32, #tpu.memory_space<hbm>> -> memref<32x256xf32, #tpu.memory_space<hbm>>
      %dma_start3A_141 = arith.constant 0 : i32
      %dma_start3A_142 = tpu.memref_slice %arg7[%multiple_of3A_134, %dma_start3A_141] : memref<81920x256xf32, #tpu.memory_space<hbm>> -> memref<32x256xf32, #tpu.memory_space<hbm>>
      tpu.enqueue_dma source(%arg17 : memref<32x256xf32, #tpu.memory_space<vmem>>) target(%dma_start3A_142 : memref<32x256xf32, #tpu.memory_space<hbm>>) target_semaphore(%arg32 : memref<!tpu.dma_semaphore, #tpu.memory_space<semaphore_mem>>)
      %dma_start3A_143 = tpu.memref_slice %arg8[%multiple_of3A_134] : memref<81920xi32, #tpu.memory_space<hbm>> -> memref<32xi32, #tpu.memory_space<hbm>>
      %dma_start3A_144 = tpu.memref_slice %arg8[%multiple_of3A_134] : memref<81920xi32, #tpu.memory_space<hbm>> -> memref<32xi32, #tpu.memory_space<hbm>>
      tpu.enqueue_dma source(%arg22 : memref<32xi32, #tpu.memory_space<vmem>>) target(%dma_start3A_144 : memref<32xi32, #tpu.memory_space<hbm>>) target_semaphore(%arg32 : memref<!tpu.dma_semaphore, #tpu.memory_space<semaphore_mem>>)
      %mul3A_145 = arith.constant 5 : i32
      %mul3A_146 = arith.muli %scan3A_95, %mul3A_145 : i32
      %add3A_147 = arith.constant 1 : i32
      %add3A_148 = arith.addi %mul3A_146, %add3A_147 : i32
      %add3A_149 = arith.constant 5 : i32
      %add3A_150 = arith.addi %add3A_148, %add3A_149 : i32
      %sub3A_151 = arith.constant 1 : i32
      %sub3A_152 = arith.subi %add3A_150, %sub3A_151 : i32
      %lt3A_153 = arith.constant 80 : i32
      %lt3A_154 = arith.cmpi slt, %sub3A_152, %lt3A_153 : i32
      %convert_element_type3A_155 = arith.extui %lt3A_154 : i1 to i32
      %cond3A_156 = arith.constant 0 : i32
      %cond3A_157 = arith.cmpi ne, %convert_element_type3A_155, %cond3A_156 : i32
      scf.if %cond3A_157 {
        %ge3A = arith.constant 5 : i32
        %ge3A_369 = arith.cmpi sge, %sub3A_152, %ge3A : i32
        %convert_element_type3A_370 = arith.extui %ge3A_369 : i1 to i32
        %cond3A_371 = arith.constant 0 : i32
        %cond3A_372 = arith.cmpi ne, %convert_element_type3A_370, %cond3A_371 : i32
        scf.if %cond3A_372 {
          %dma_wait3A_384 = arith.constant 0 : i32
          %dma_wait3A_385 = tpu.memref_slice %arg6[%mul3A_2, %dma_wait3A_384] : memref<81920x256xf32, #tpu.memory_space<hbm>> -> memref<32x256xf32, #tpu.memory_space<hbm>>
          %dma_wait3A_386 = arith.constant 0 : i32
          %dma_wait3A_387 = tpu.memref_slice %arg6[%mul3A_2, %dma_wait3A_386] : memref<81920x256xf32, #tpu.memory_space<hbm>> -> memref<32x256xf32, #tpu.memory_space<hbm>>
          tpu.wait_dma2 semaphore(%arg32 : memref<!tpu.dma_semaphore, #tpu.memory_space<semaphore_mem>>) src(%arg12 : memref<32x256xf32, #tpu.memory_space<vmem>>) dst(%dma_wait3A_387 : memref<32x256xf32, #tpu.memory_space<hbm>>)
          %dma_wait3A_388 = arith.constant 0 : i32
          %dma_wait3A_389 = tpu.memref_slice %arg7[%mul3A_2, %dma_wait3A_388] : memref<81920x256xf32, #tpu.memory_space<hbm>> -> memref<32x256xf32, #tpu.memory_space<hbm>>
          %dma_wait3A_390 = arith.constant 0 : i32
          %dma_wait3A_391 = tpu.memref_slice %arg7[%mul3A_2, %dma_wait3A_390] : memref<81920x256xf32, #tpu.memory_space<hbm>> -> memref<32x256xf32, #tpu.memory_space<hbm>>
          tpu.wait_dma2 semaphore(%arg32 : memref<!tpu.dma_semaphore, #tpu.memory_space<semaphore_mem>>) src(%arg17 : memref<32x256xf32, #tpu.memory_space<vmem>>) dst(%dma_wait3A_391 : memref<32x256xf32, #tpu.memory_space<hbm>>)
          %dma_wait3A_392 = tpu.memref_slice %arg8[%mul3A_2] : memref<81920xi32, #tpu.memory_space<hbm>> -> memref<32xi32, #tpu.memory_space<hbm>>
          %dma_wait3A_393 = tpu.memref_slice %arg8[%mul3A_2] : memref<81920xi32, #tpu.memory_space<hbm>> -> memref<32xi32, #tpu.memory_space<hbm>>
          tpu.wait_dma2 semaphore(%arg32 : memref<!tpu.dma_semaphore, #tpu.memory_space<semaphore_mem>>) src(%arg22 : memref<32xi32, #tpu.memory_space<vmem>>) dst(%dma_wait3A_393 : memref<32xi32, #tpu.memory_space<hbm>>)
        } else {
        }
        %mul3A_373 = arith.constant 32 : i32
        %mul3A_374 = arith.muli %sub3A_152, %mul3A_373 : i32
        %multiple_of3A_375 = tpu.assume_multiple %mul3A_374, 32 : i32
        %dma_start3A_376 = tpu.memref_slice %arg10[%multiple_of3A_375] : memref<2560xi32, #tpu.memory_space<vmem>> -> memref<32xi32, #tpu.memory_space<vmem>>
        %dma_start3A_377 = arith.constant 0 : i32
        %dma_start3A_378 = arith.constant 0 : i32
        %dma_start3A_379 = tpu.memref_slice %arg2[%dma_start3A_377, %dma_start3A_378] : memref<10000x256xf32, #tpu.memory_space<hbm>> -> memref<10000x256xf32, #tpu.memory_space<hbm>>
        tpu.enqueue_indirect_dma source(%dma_start3A_379 : memref<10000x256xf32, #tpu.memory_space<hbm>>) target(%arg12 : memref<32x256xf32, #tpu.memory_space<vmem>>) offsets(%dma_start3A_376 : memref<32xi32, #tpu.memory_space<vmem>>) semaphore(%arg27 : memref<!tpu.dma_semaphore, #tpu.memory_space<semaphore_mem>>)
        %dma_start3A_380 = tpu.memref_slice %arg11[%multiple_of3A_375] : memref<2560xi32, #tpu.memory_space<vmem>> -> memref<32xi32, #tpu.memory_space<vmem>>
        %dma_start3A_381 = arith.constant 0 : i32
        %dma_start3A_382 = arith.constant 0 : i32
        %dma_start3A_383 = tpu.memref_slice %arg2[%dma_start3A_381, %dma_start3A_382] : memref<10000x256xf32, #tpu.memory_space<hbm>> -> memref<10000x256xf32, #tpu.memory_space<hbm>>
        tpu.enqueue_indirect_dma source(%dma_start3A_383 : memref<10000x256xf32, #tpu.memory_space<hbm>>) target(%arg17 : memref<32x256xf32, #tpu.memory_space<vmem>>) offsets(%dma_start3A_380 : memref<32xi32, #tpu.memory_space<vmem>>) semaphore(%arg27 : memref<!tpu.dma_semaphore, #tpu.memory_space<semaphore_mem>>)
      } else {
      }
      %mul3A_158 = arith.constant 32 : i32
      %mul3A_159 = arith.muli %add3A_148, %mul3A_158 : i32
      %add3A_160 = arith.constant 0 : i32
      %add3A_161 = arith.addi %mul3A_159, %add3A_160 : i32
      %get3A_162 = arith.index_cast %add3A_161 : i32 to index
      %get3A_163 = tpu.vector_load %arg10[%get3A_162] {strides = array<i32>} : memref<2560xi32, #tpu.memory_space<vmem>>, vector<16xi32>,
      %gather3A_164 = tpu.vector_load_idx %arg9[%get3A_163] : memref<10000xi32, #tpu.memory_space<vmem>>[vector<16xi32>], vector<16xi32>,
      %swap3A_165 = arith.constant 0 : index
      %swap3A_166 = tpu.vector_load %arg23[%swap3A_165] {strides = array<i32>} : memref<32xi32, #tpu.memory_space<vmem>>, vector<16xi32>,
      tpu.vector_store %arg23[%swap3A_165], %gather3A_164 {strides = array<i32>} : memref<32xi32, #tpu.memory_space<vmem>>, vector<16xi32>,
      %mul3A_167 = arith.constant 32 : i32
      %mul3A_168 = arith.muli %add3A_148, %mul3A_167 : i32
      %add3A_169 = arith.constant 16 : i32
      %add3A_170 = arith.addi %mul3A_168, %add3A_169 : i32
      %get3A_171 = arith.index_cast %add3A_170 : i32 to index
      %get3A_172 = tpu.vector_load %arg10[%get3A_171] {strides = array<i32>} : memref<2560xi32, #tpu.memory_space<vmem>>, vector<16xi32>,
      %gather3A_173 = tpu.vector_load_idx %arg9[%get3A_172] : memref<10000xi32, #tpu.memory_space<vmem>>[vector<16xi32>], vector<16xi32>,
      %swap3A_174 = arith.constant 16 : index
      %swap3A_175 = tpu.vector_load %arg23[%swap3A_174] {strides = array<i32>} : memref<32xi32, #tpu.memory_space<vmem>>, vector<16xi32>,
      tpu.vector_store %arg23[%swap3A_174], %gather3A_173 {strides = array<i32>} : memref<32xi32, #tpu.memory_space<vmem>>, vector<16xi32>,
      %mul3A_176 = arith.constant 32 : i32
      %mul3A_177 = arith.muli %add3A_148, %mul3A_176 : i32
      %multiple_of3A_178 = tpu.assume_multiple %mul3A_177, 32 : i32
      %dma_wait3A_179 = tpu.memref_slice %arg10[%multiple_of3A_178] : memref<2560xi32, #tpu.memory_space<vmem>> -> memref<32xi32, #tpu.memory_space<vmem>>
      %dma_wait3A_180 = arith.constant 0 : i32
      %dma_wait3A_181 = arith.constant 0 : i32
      %dma_wait3A_182 = tpu.memref_slice %arg2[%dma_wait3A_180, %dma_wait3A_181] : memref<10000x256xf32, #tpu.memory_space<hbm>> -> memref<10000x256xf32, #tpu.memory_space<hbm>>
      tpu.wait_indirect_dma semaphore(%arg28 : memref<!tpu.dma_semaphore, #tpu.memory_space<semaphore_mem>>) src(%dma_wait3A_182 : memref<10000x256xf32, #tpu.memory_space<hbm>>) dst(%arg13 : memref<32x256xf32, #tpu.memory_space<vmem>>)
      %dma_wait3A_183 = tpu.memref_slice %arg11[%multiple_of3A_178] : memref<2560xi32, #tpu.memory_space<vmem>> -> memref<32xi32, #tpu.memory_space<vmem>>
      %dma_wait3A_184 = arith.constant 0 : i32
      %dma_wait3A_185 = arith.constant 0 : i32
      %dma_wait3A_186 = tpu.memref_slice %arg2[%dma_wait3A_184, %dma_wait3A_185] : memref<10000x256xf32, #tpu.memory_space<hbm>> -> memref<10000x256xf32, #tpu.memory_space<hbm>>
      tpu.wait_indirect_dma semaphore(%arg28 : memref<!tpu.dma_semaphore, #tpu.memory_space<semaphore_mem>>) src(%dma_wait3A_186 : memref<10000x256xf32, #tpu.memory_space<hbm>>) dst(%arg18 : memref<32x256xf32, #tpu.memory_space<vmem>>)
      %mul3A_187 = arith.constant 32 : i32
      %mul3A_188 = arith.muli %add3A_148, %mul3A_187 : i32
      %add3A_189 = arith.addi %mul3A_2, %mul3A_188 : i32
      %multiple_of3A_190 = tpu.assume_multiple %add3A_189, 32 : i32
      %dma_start3A_191 = arith.constant 0 : i32
      %dma_start3A_192 = tpu.memref_slice %arg6[%multiple_of3A_190, %dma_start3A_191] : memref<81920x256xf32, #tpu.memory_space<hbm>> -> memref<32x256xf32, #tpu.memory_space<hbm>>
      %dma_start3A_193 = arith.constant 0 : i32
      %dma_start3A_194 = tpu.memref_slice %arg6[%multiple_of3A_190, %dma_start3A_193] : memref<81920x256xf32, #tpu.memory_space<hbm>> -> memref<32x256xf32, #tpu.memory_space<hbm>>
      tpu.enqueue_dma source(%arg13 : memref<32x256xf32, #tpu.memory_space<vmem>>) target(%dma_start3A_194 : memref<32x256xf32, #tpu.memory_space<hbm>>) target_semaphore(%arg33 : memref<!tpu.dma_semaphore, #tpu.memory_space<semaphore_mem>>)
      %dma_start3A_195 = arith.constant 0 : i32
      %dma_start3A_196 = tpu.memref_slice %arg7[%multiple_of3A_190, %dma_start3A_195] : memref<81920x256xf32, #tpu.memory_space<hbm>> -> memref<32x256xf32, #tpu.memory_space<hbm>>
      %dma_start3A_197 = arith.constant 0 : i32
      %dma_start3A_198 = tpu.memref_slice %arg7[%multiple_of3A_190, %dma_start3A_197] : memref<81920x256xf32, #tpu.memory_space<hbm>> -> memref<32x256xf32, #tpu.memory_space<hbm>>
      tpu.enqueue_dma source(%arg18 : memref<32x256xf32, #tpu.memory_space<vmem>>) target(%dma_start3A_198 : memref<32x256xf32, #tpu.memory_space<hbm>>) target_semaphore(%arg33 : memref<!tpu.dma_semaphore, #tpu.memory_space<semaphore_mem>>)
      %dma_start3A_199 = tpu.memref_slice %arg8[%multiple_of3A_190] : memref<81920xi32, #tpu.memory_space<hbm>> -> memref<32xi32, #tpu.memory_space<hbm>>
      %dma_start3A_200 = tpu.memref_slice %arg8[%multiple_of3A_190] : memref<81920xi32, #tpu.memory_space<hbm>> -> memref<32xi32, #tpu.memory_space<hbm>>
      tpu.enqueue_dma source(%arg23 : memref<32xi32, #tpu.memory_space<vmem>>) target(%dma_start3A_200 : memref<32xi32, #tpu.memory_space<hbm>>) target_semaphore(%arg33 : memref<!tpu.dma_semaphore, #tpu.memory_space<semaphore_mem>>)
      %mul3A_201 = arith.constant 5 : i32
      %mul3A_202 = arith.muli %scan3A_95, %mul3A_201 : i32
      %add3A_203 = arith.constant 2 : i32
      %add3A_204 = arith.addi %mul3A_202, %add3A_203 : i32
      %add3A_205 = arith.constant 5 : i32
      %add3A_206 = arith.addi %add3A_204, %add3A_205 : i32
      %sub3A_207 = arith.constant 1 : i32
      %sub3A_208 = arith.subi %add3A_206, %sub3A_207 : i32
      %lt3A_209 = arith.constant 80 : i32
      %lt3A_210 = arith.cmpi slt, %sub3A_208, %lt3A_209 : i32
      %convert_element_type3A_211 = arith.extui %lt3A_210 : i1 to i32
      %cond3A_212 = arith.constant 0 : i32
      %cond3A_213 = arith.cmpi ne, %convert_element_type3A_211, %cond3A_212 : i32
      scf.if %cond3A_213 {
        %ge3A = arith.constant 5 : i32
        %ge3A_369 = arith.cmpi sge, %sub3A_208, %ge3A : i32
        %convert_element_type3A_370 = arith.extui %ge3A_369 : i1 to i32
        %cond3A_371 = arith.constant 0 : i32
        %cond3A_372 = arith.cmpi ne, %convert_element_type3A_370, %cond3A_371 : i32
        scf.if %cond3A_372 {
          %dma_wait3A_384 = arith.constant 0 : i32
          %dma_wait3A_385 = tpu.memref_slice %arg6[%mul3A_2, %dma_wait3A_384] : memref<81920x256xf32, #tpu.memory_space<hbm>> -> memref<32x256xf32, #tpu.memory_space<hbm>>
          %dma_wait3A_386 = arith.constant 0 : i32
          %dma_wait3A_387 = tpu.memref_slice %arg6[%mul3A_2, %dma_wait3A_386] : memref<81920x256xf32, #tpu.memory_space<hbm>> -> memref<32x256xf32, #tpu.memory_space<hbm>>
          tpu.wait_dma2 semaphore(%arg33 : memref<!tpu.dma_semaphore, #tpu.memory_space<semaphore_mem>>) src(%arg13 : memref<32x256xf32, #tpu.memory_space<vmem>>) dst(%dma_wait3A_387 : memref<32x256xf32, #tpu.memory_space<hbm>>)
          %dma_wait3A_388 = arith.constant 0 : i32
          %dma_wait3A_389 = tpu.memref_slice %arg7[%mul3A_2, %dma_wait3A_388] : memref<81920x256xf32, #tpu.memory_space<hbm>> -> memref<32x256xf32, #tpu.memory_space<hbm>>
          %dma_wait3A_390 = arith.constant 0 : i32
          %dma_wait3A_391 = tpu.memref_slice %arg7[%mul3A_2, %dma_wait3A_390] : memref<81920x256xf32, #tpu.memory_space<hbm>> -> memref<32x256xf32, #tpu.memory_space<hbm>>
          tpu.wait_dma2 semaphore(%arg33 : memref<!tpu.dma_semaphore, #tpu.memory_space<semaphore_mem>>) src(%arg18 : memref<32x256xf32, #tpu.memory_space<vmem>>) dst(%dma_wait3A_391 : memref<32x256xf32, #tpu.memory_space<hbm>>)
          %dma_wait3A_392 = tpu.memref_slice %arg8[%mul3A_2] : memref<81920xi32, #tpu.memory_space<hbm>> -> memref<32xi32, #tpu.memory_space<hbm>>
          %dma_wait3A_393 = tpu.memref_slice %arg8[%mul3A_2] : memref<81920xi32, #tpu.memory_space<hbm>> -> memref<32xi32, #tpu.memory_space<hbm>>
          tpu.wait_dma2 semaphore(%arg33 : memref<!tpu.dma_semaphore, #tpu.memory_space<semaphore_mem>>) src(%arg23 : memref<32xi32, #tpu.memory_space<vmem>>) dst(%dma_wait3A_393 : memref<32xi32, #tpu.memory_space<hbm>>)
        } else {
        }
        %mul3A_373 = arith.constant 32 : i32
        %mul3A_374 = arith.muli %sub3A_208, %mul3A_373 : i32
        %multiple_of3A_375 = tpu.assume_multiple %mul3A_374, 32 : i32
        %dma_start3A_376 = tpu.memref_slice %arg10[%multiple_of3A_375] : memref<2560xi32, #tpu.memory_space<vmem>> -> memref<32xi32, #tpu.memory_space<vmem>>
        %dma_start3A_377 = arith.constant 0 : i32
        %dma_start3A_378 = arith.constant 0 : i32
        %dma_start3A_379 = tpu.memref_slice %arg2[%dma_start3A_377, %dma_start3A_378] : memref<10000x256xf32, #tpu.memory_space<hbm>> -> memref<10000x256xf32, #tpu.memory_space<hbm>>
        tpu.enqueue_indirect_dma source(%dma_start3A_379 : memref<10000x256xf32, #tpu.memory_space<hbm>>) target(%arg13 : memref<32x256xf32, #tpu.memory_space<vmem>>) offsets(%dma_start3A_376 : memref<32xi32, #tpu.memory_space<vmem>>) semaphore(%arg28 : memref<!tpu.dma_semaphore, #tpu.memory_space<semaphore_mem>>)
        %dma_start3A_380 = tpu.memref_slice %arg11[%multiple_of3A_375] : memref<2560xi32, #tpu.memory_space<vmem>> -> memref<32xi32, #tpu.memory_space<vmem>>
        %dma_start3A_381 = arith.constant 0 : i32
        %dma_start3A_382 = arith.constant 0 : i32
        %dma_start3A_383 = tpu.memref_slice %arg2[%dma_start3A_381, %dma_start3A_382] : memref<10000x256xf32, #tpu.memory_space<hbm>> -> memref<10000x256xf32, #tpu.memory_space<hbm>>
        tpu.enqueue_indirect_dma source(%dma_start3A_383 : memref<10000x256xf32, #tpu.memory_space<hbm>>) target(%arg18 : memref<32x256xf32, #tpu.memory_space<vmem>>) offsets(%dma_start3A_380 : memref<32xi32, #tpu.memory_space<vmem>>) semaphore(%arg28 : memref<!tpu.dma_semaphore, #tpu.memory_space<semaphore_mem>>)
      } else {
      }
      %mul3A_214 = arith.constant 32 : i32
      %mul3A_215 = arith.muli %add3A_204, %mul3A_214 : i32
      %add3A_216 = arith.constant 0 : i32
      %add3A_217 = arith.addi %mul3A_215, %add3A_216 : i32
      %get3A_218 = arith.index_cast %add3A_217 : i32 to index
      %get3A_219 = tpu.vector_load %arg10[%get3A_218] {strides = array<i32>} : memref<2560xi32, #tpu.memory_space<vmem>>, vector<16xi32>,
      %gather3A_220 = tpu.vector_load_idx %arg9[%get3A_219] : memref<10000xi32, #tpu.memory_space<vmem>>[vector<16xi32>], vector<16xi32>,
      %swap3A_221 = arith.constant 0 : index
      %swap3A_222 = tpu.vector_load %arg24[%swap3A_221] {strides = array<i32>} : memref<32xi32, #tpu.memory_space<vmem>>, vector<16xi32>,
      tpu.vector_store %arg24[%swap3A_221], %gather3A_220 {strides = array<i32>} : memref<32xi32, #tpu.memory_space<vmem>>, vector<16xi32>,
      %mul3A_223 = arith.constant 32 : i32
      %mul3A_224 = arith.muli %add3A_204, %mul3A_223 : i32
      %add3A_225 = arith.constant 16 : i32
      %add3A_226 = arith.addi %mul3A_224, %add3A_225 : i32
      %get3A_227 = arith.index_cast %add3A_226 : i32 to index
      %get3A_228 = tpu.vector_load %arg10[%get3A_227] {strides = array<i32>} : memref<2560xi32, #tpu.memory_space<vmem>>, vector<16xi32>,
      %gather3A_229 = tpu.vector_load_idx %arg9[%get3A_228] : memref<10000xi32, #tpu.memory_space<vmem>>[vector<16xi32>], vector<16xi32>,
      %swap3A_230 = arith.constant 16 : index
      %swap3A_231 = tpu.vector_load %arg24[%swap3A_230] {strides = array<i32>} : memref<32xi32, #tpu.memory_space<vmem>>, vector<16xi32>,
      tpu.vector_store %arg24[%swap3A_230], %gather3A_229 {strides = array<i32>} : memref<32xi32, #tpu.memory_space<vmem>>, vector<16xi32>,
      %mul3A_232 = arith.constant 32 : i32
      %mul3A_233 = arith.muli %add3A_204, %mul3A_232 : i32
      %multiple_of3A_234 = tpu.assume_multiple %mul3A_233, 32 : i32
      %dma_wait3A_235 = tpu.memref_slice %arg10[%multiple_of3A_234] : memref<2560xi32, #tpu.memory_space<vmem>> -> memref<32xi32, #tpu.memory_space<vmem>>
      %dma_wait3A_236 = arith.constant 0 : i32
      %dma_wait3A_237 = arith.constant 0 : i32
      %dma_wait3A_238 = tpu.memref_slice %arg2[%dma_wait3A_236, %dma_wait3A_237] : memref<10000x256xf32, #tpu.memory_space<hbm>> -> memref<10000x256xf32, #tpu.memory_space<hbm>>
      tpu.wait_indirect_dma semaphore(%arg29 : memref<!tpu.dma_semaphore, #tpu.memory_space<semaphore_mem>>) src(%dma_wait3A_238 : memref<10000x256xf32, #tpu.memory_space<hbm>>) dst(%arg14 : memref<32x256xf32, #tpu.memory_space<vmem>>)
      %dma_wait3A_239 = tpu.memref_slice %arg11[%multiple_of3A_234] : memref<2560xi32, #tpu.memory_space<vmem>> -> memref<32xi32, #tpu.memory_space<vmem>>
      %dma_wait3A_240 = arith.constant 0 : i32
      %dma_wait3A_241 = arith.constant 0 : i32
      %dma_wait3A_242 = tpu.memref_slice %arg2[%dma_wait3A_240, %dma_wait3A_241] : memref<10000x256xf32, #tpu.memory_space<hbm>> -> memref<10000x256xf32, #tpu.memory_space<hbm>>
      tpu.wait_indirect_dma semaphore(%arg29 : memref<!tpu.dma_semaphore, #tpu.memory_space<semaphore_mem>>) src(%dma_wait3A_242 : memref<10000x256xf32, #tpu.memory_space<hbm>>) dst(%arg19 : memref<32x256xf32, #tpu.memory_space<vmem>>)
      %mul3A_243 = arith.constant 32 : i32
      %mul3A_244 = arith.muli %add3A_204, %mul3A_243 : i32
      %add3A_245 = arith.addi %mul3A_2, %mul3A_244 : i32
      %multiple_of3A_246 = tpu.assume_multiple %add3A_245, 32 : i32
      %dma_start3A_247 = arith.constant 0 : i32
      %dma_start3A_248 = tpu.memref_slice %arg6[%multiple_of3A_246, %dma_start3A_247] : memref<81920x256xf32, #tpu.memory_space<hbm>> -> memref<32x256xf32, #tpu.memory_space<hbm>>
      %dma_start3A_249 = arith.constant 0 : i32
      %dma_start3A_250 = tpu.memref_slice %arg6[%multiple_of3A_246, %dma_start3A_249] : memref<81920x256xf32, #tpu.memory_space<hbm>> -> memref<32x256xf32, #tpu.memory_space<hbm>>
      tpu.enqueue_dma source(%arg14 : memref<32x256xf32, #tpu.memory_space<vmem>>) target(%dma_start3A_250 : memref<32x256xf32, #tpu.memory_space<hbm>>) target_semaphore(%arg34 : memref<!tpu.dma_semaphore, #tpu.memory_space<semaphore_mem>>)
      %dma_start3A_251 = arith.constant 0 : i32
      %dma_start3A_252 = tpu.memref_slice %arg7[%multiple_of3A_246, %dma_start3A_251] : memref<81920x256xf32, #tpu.memory_space<hbm>> -> memref<32x256xf32, #tpu.memory_space<hbm>>
      %dma_start3A_253 = arith.constant 0 : i32
      %dma_start3A_254 = tpu.memref_slice %arg7[%multiple_of3A_246, %dma_start3A_253] : memref<81920x256xf32, #tpu.memory_space<hbm>> -> memref<32x256xf32, #tpu.memory_space<hbm>>
      tpu.enqueue_dma source(%arg19 : memref<32x256xf32, #tpu.memory_space<vmem>>) target(%dma_start3A_254 : memref<32x256xf32, #tpu.memory_space<hbm>>) target_semaphore(%arg34 : memref<!tpu.dma_semaphore, #tpu.memory_space<semaphore_mem>>)
      %dma_start3A_255 = tpu.memref_slice %arg8[%multiple_of3A_246] : memref<81920xi32, #tpu.memory_space<hbm>> -> memref<32xi32, #tpu.memory_space<hbm>>
      %dma_start3A_256 = tpu.memref_slice %arg8[%multiple_of3A_246] : memref<81920xi32, #tpu.memory_space<hbm>> -> memref<32xi32, #tpu.memory_space<hbm>>
      tpu.enqueue_dma source(%arg24 : memref<32xi32, #tpu.memory_space<vmem>>) target(%dma_start3A_256 : memref<32xi32, #tpu.memory_space<hbm>>) target_semaphore(%arg34 : memref<!tpu.dma_semaphore, #tpu.memory_space<semaphore_mem>>)
      %mul3A_257 = arith.constant 5 : i32
      %mul3A_258 = arith.muli %scan3A_95, %mul3A_257 : i32
      %add3A_259 = arith.constant 3 : i32
      %add3A_260 = arith.addi %mul3A_258, %add3A_259 : i32
      %add3A_261 = arith.constant 5 : i32
      %add3A_262 = arith.addi %add3A_260, %add3A_261 : i32
      %sub3A_263 = arith.constant 1 : i32
      %sub3A_264 = arith.subi %add3A_262, %sub3A_263 : i32
      %lt3A_265 = arith.constant 80 : i32
      %lt3A_266 = arith.cmpi slt, %sub3A_264, %lt3A_265 : i32
      %convert_element_type3A_267 = arith.extui %lt3A_266 : i1 to i32
      %cond3A_268 = arith.constant 0 : i32
      %cond3A_269 = arith.cmpi ne, %convert_element_type3A_267, %cond3A_268 : i32
      scf.if %cond3A_269 {
        %ge3A = arith.constant 5 : i32
        %ge3A_369 = arith.cmpi sge, %sub3A_264, %ge3A : i32
        %convert_element_type3A_370 = arith.extui %ge3A_369 : i1 to i32
        %cond3A_371 = arith.constant 0 : i32
        %cond3A_372 = arith.cmpi ne, %convert_element_type3A_370, %cond3A_371 : i32
        scf.if %cond3A_372 {
          %dma_wait3A_384 = arith.constant 0 : i32
          %dma_wait3A_385 = tpu.memref_slice %arg6[%mul3A_2, %dma_wait3A_384] : memref<81920x256xf32, #tpu.memory_space<hbm>> -> memref<32x256xf32, #tpu.memory_space<hbm>>
          %dma_wait3A_386 = arith.constant 0 : i32
          %dma_wait3A_387 = tpu.memref_slice %arg6[%mul3A_2, %dma_wait3A_386] : memref<81920x256xf32, #tpu.memory_space<hbm>> -> memref<32x256xf32, #tpu.memory_space<hbm>>
          tpu.wait_dma2 semaphore(%arg34 : memref<!tpu.dma_semaphore, #tpu.memory_space<semaphore_mem>>) src(%arg14 : memref<32x256xf32, #tpu.memory_space<vmem>>) dst(%dma_wait3A_387 : memref<32x256xf32, #tpu.memory_space<hbm>>)
          %dma_wait3A_388 = arith.constant 0 : i32
          %dma_wait3A_389 = tpu.memref_slice %arg7[%mul3A_2, %dma_wait3A_388] : memref<81920x256xf32, #tpu.memory_space<hbm>> -> memref<32x256xf32, #tpu.memory_space<hbm>>
          %dma_wait3A_390 = arith.constant 0 : i32
          %dma_wait3A_391 = tpu.memref_slice %arg7[%mul3A_2, %dma_wait3A_390] : memref<81920x256xf32, #tpu.memory_space<hbm>> -> memref<32x256xf32, #tpu.memory_space<hbm>>
          tpu.wait_dma2 semaphore(%arg34 : memref<!tpu.dma_semaphore, #tpu.memory_space<semaphore_mem>>) src(%arg19 : memref<32x256xf32, #tpu.memory_space<vmem>>) dst(%dma_wait3A_391 : memref<32x256xf32, #tpu.memory_space<hbm>>)
          %dma_wait3A_392 = tpu.memref_slice %arg8[%mul3A_2] : memref<81920xi32, #tpu.memory_space<hbm>> -> memref<32xi32, #tpu.memory_space<hbm>>
          %dma_wait3A_393 = tpu.memref_slice %arg8[%mul3A_2] : memref<81920xi32, #tpu.memory_space<hbm>> -> memref<32xi32, #tpu.memory_space<hbm>>
          tpu.wait_dma2 semaphore(%arg34 : memref<!tpu.dma_semaphore, #tpu.memory_space<semaphore_mem>>) src(%arg24 : memref<32xi32, #tpu.memory_space<vmem>>) dst(%dma_wait3A_393 : memref<32xi32, #tpu.memory_space<hbm>>)
        } else {
        }
        %mul3A_373 = arith.constant 32 : i32
        %mul3A_374 = arith.muli %sub3A_264, %mul3A_373 : i32
        %multiple_of3A_375 = tpu.assume_multiple %mul3A_374, 32 : i32
        %dma_start3A_376 = tpu.memref_slice %arg10[%multiple_of3A_375] : memref<2560xi32, #tpu.memory_space<vmem>> -> memref<32xi32, #tpu.memory_space<vmem>>
        %dma_start3A_377 = arith.constant 0 : i32
        %dma_start3A_378 = arith.constant 0 : i32
        %dma_start3A_379 = tpu.memref_slice %arg2[%dma_start3A_377, %dma_start3A_378] : memref<10000x256xf32, #tpu.memory_space<hbm>> -> memref<10000x256xf32, #tpu.memory_space<hbm>>
        tpu.enqueue_indirect_dma source(%dma_start3A_379 : memref<10000x256xf32, #tpu.memory_space<hbm>>) target(%arg14 : memref<32x256xf32, #tpu.memory_space<vmem>>) offsets(%dma_start3A_376 : memref<32xi32, #tpu.memory_space<vmem>>) semaphore(%arg29 : memref<!tpu.dma_semaphore, #tpu.memory_space<semaphore_mem>>)
        %dma_start3A_380 = tpu.memref_slice %arg11[%multiple_of3A_375] : memref<2560xi32, #tpu.memory_space<vmem>> -> memref<32xi32, #tpu.memory_space<vmem>>
        %dma_start3A_381 = arith.constant 0 : i32
        %dma_start3A_382 = arith.constant 0 : i32
        %dma_start3A_383 = tpu.memref_slice %arg2[%dma_start3A_381, %dma_start3A_382] : memref<10000x256xf32, #tpu.memory_space<hbm>> -> memref<10000x256xf32, #tpu.memory_space<hbm>>
        tpu.enqueue_indirect_dma source(%dma_start3A_383 : memref<10000x256xf32, #tpu.memory_space<hbm>>) target(%arg19 : memref<32x256xf32, #tpu.memory_space<vmem>>) offsets(%dma_start3A_380 : memref<32xi32, #tpu.memory_space<vmem>>) semaphore(%arg29 : memref<!tpu.dma_semaphore, #tpu.memory_space<semaphore_mem>>)
      } else {
      }
      %mul3A_270 = arith.constant 32 : i32
      %mul3A_271 = arith.muli %add3A_260, %mul3A_270 : i32
      %add3A_272 = arith.constant 0 : i32
      %add3A_273 = arith.addi %mul3A_271, %add3A_272 : i32
      %get3A_274 = arith.index_cast %add3A_273 : i32 to index
      %get3A_275 = tpu.vector_load %arg10[%get3A_274] {strides = array<i32>} : memref<2560xi32, #tpu.memory_space<vmem>>, vector<16xi32>,
      %gather3A_276 = tpu.vector_load_idx %arg9[%get3A_275] : memref<10000xi32, #tpu.memory_space<vmem>>[vector<16xi32>], vector<16xi32>,
      %swap3A_277 = arith.constant 0 : index
      %swap3A_278 = tpu.vector_load %arg25[%swap3A_277] {strides = array<i32>} : memref<32xi32, #tpu.memory_space<vmem>>, vector<16xi32>,
      tpu.vector_store %arg25[%swap3A_277], %gather3A_276 {strides = array<i32>} : memref<32xi32, #tpu.memory_space<vmem>>, vector<16xi32>,
      %mul3A_279 = arith.constant 32 : i32
      %mul3A_280 = arith.muli %add3A_260, %mul3A_279 : i32
      %add3A_281 = arith.constant 16 : i32
      %add3A_282 = arith.addi %mul3A_280, %add3A_281 : i32
      %get3A_283 = arith.index_cast %add3A_282 : i32 to index
      %get3A_284 = tpu.vector_load %arg10[%get3A_283] {strides = array<i32>} : memref<2560xi32, #tpu.memory_space<vmem>>, vector<16xi32>,
      %gather3A_285 = tpu.vector_load_idx %arg9[%get3A_284] : memref<10000xi32, #tpu.memory_space<vmem>>[vector<16xi32>], vector<16xi32>,
      %swap3A_286 = arith.constant 16 : index
      %swap3A_287 = tpu.vector_load %arg25[%swap3A_286] {strides = array<i32>} : memref<32xi32, #tpu.memory_space<vmem>>, vector<16xi32>,
      tpu.vector_store %arg25[%swap3A_286], %gather3A_285 {strides = array<i32>} : memref<32xi32, #tpu.memory_space<vmem>>, vector<16xi32>,
      %mul3A_288 = arith.constant 32 : i32
      %mul3A_289 = arith.muli %add3A_260, %mul3A_288 : i32
      %multiple_of3A_290 = tpu.assume_multiple %mul3A_289, 32 : i32
      %dma_wait3A_291 = tpu.memref_slice %arg10[%multiple_of3A_290] : memref<2560xi32, #tpu.memory_space<vmem>> -> memref<32xi32, #tpu.memory_space<vmem>>
      %dma_wait3A_292 = arith.constant 0 : i32
      %dma_wait3A_293 = arith.constant 0 : i32
      %dma_wait3A_294 = tpu.memref_slice %arg2[%dma_wait3A_292, %dma_wait3A_293] : memref<10000x256xf32, #tpu.memory_space<hbm>> -> memref<10000x256xf32, #tpu.memory_space<hbm>>
      tpu.wait_indirect_dma semaphore(%arg30 : memref<!tpu.dma_semaphore, #tpu.memory_space<semaphore_mem>>) src(%dma_wait3A_294 : memref<10000x256xf32, #tpu.memory_space<hbm>>) dst(%arg15 : memref<32x256xf32, #tpu.memory_space<vmem>>)
      %dma_wait3A_295 = tpu.memref_slice %arg11[%multiple_of3A_290] : memref<2560xi32, #tpu.memory_space<vmem>> -> memref<32xi32, #tpu.memory_space<vmem>>
      %dma_wait3A_296 = arith.constant 0 : i32
      %dma_wait3A_297 = arith.constant 0 : i32
      %dma_wait3A_298 = tpu.memref_slice %arg2[%dma_wait3A_296, %dma_wait3A_297] : memref<10000x256xf32, #tpu.memory_space<hbm>> -> memref<10000x256xf32, #tpu.memory_space<hbm>>
      tpu.wait_indirect_dma semaphore(%arg30 : memref<!tpu.dma_semaphore, #tpu.memory_space<semaphore_mem>>) src(%dma_wait3A_298 : memref<10000x256xf32, #tpu.memory_space<hbm>>) dst(%arg20 : memref<32x256xf32, #tpu.memory_space<vmem>>)
      %mul3A_299 = arith.constant 32 : i32
      %mul3A_300 = arith.muli %add3A_260, %mul3A_299 : i32
      %add3A_301 = arith.addi %mul3A_2, %mul3A_300 : i32
      %multiple_of3A_302 = tpu.assume_multiple %add3A_301, 32 : i32
      %dma_start3A_303 = arith.constant 0 : i32
      %dma_start3A_304 = tpu.memref_slice %arg6[%multiple_of3A_302, %dma_start3A_303] : memref<81920x256xf32, #tpu.memory_space<hbm>> -> memref<32x256xf32, #tpu.memory_space<hbm>>
      %dma_start3A_305 = arith.constant 0 : i32
      %dma_start3A_306 = tpu.memref_slice %arg6[%multiple_of3A_302, %dma_start3A_305] : memref<81920x256xf32, #tpu.memory_space<hbm>> -> memref<32x256xf32, #tpu.memory_space<hbm>>
      tpu.enqueue_dma source(%arg15 : memref<32x256xf32, #tpu.memory_space<vmem>>) target(%dma_start3A_306 : memref<32x256xf32, #tpu.memory_space<hbm>>) target_semaphore(%arg35 : memref<!tpu.dma_semaphore, #tpu.memory_space<semaphore_mem>>)
      %dma_start3A_307 = arith.constant 0 : i32
      %dma_start3A_308 = tpu.memref_slice %arg7[%multiple_of3A_302, %dma_start3A_307] : memref<81920x256xf32, #tpu.memory_space<hbm>> -> memref<32x256xf32, #tpu.memory_space<hbm>>
      %dma_start3A_309 = arith.constant 0 : i32
      %dma_start3A_310 = tpu.memref_slice %arg7[%multiple_of3A_302, %dma_start3A_309] : memref<81920x256xf32, #tpu.memory_space<hbm>> -> memref<32x256xf32, #tpu.memory_space<hbm>>
      tpu.enqueue_dma source(%arg20 : memref<32x256xf32, #tpu.memory_space<vmem>>) target(%dma_start3A_310 : memref<32x256xf32, #tpu.memory_space<hbm>>) target_semaphore(%arg35 : memref<!tpu.dma_semaphore, #tpu.memory_space<semaphore_mem>>)
      %dma_start3A_311 = tpu.memref_slice %arg8[%multiple_of3A_302] : memref<81920xi32, #tpu.memory_space<hbm>> -> memref<32xi32, #tpu.memory_space<hbm>>
      %dma_start3A_312 = tpu.memref_slice %arg8[%multiple_of3A_302] : memref<81920xi32, #tpu.memory_space<hbm>> -> memref<32xi32, #tpu.memory_space<hbm>>
      tpu.enqueue_dma source(%arg25 : memref<32xi32, #tpu.memory_space<vmem>>) target(%dma_start3A_312 : memref<32xi32, #tpu.memory_space<hbm>>) target_semaphore(%arg35 : memref<!tpu.dma_semaphore, #tpu.memory_space<semaphore_mem>>)
      %mul3A_313 = arith.constant 5 : i32
      %mul3A_314 = arith.muli %scan3A_95, %mul3A_313 : i32
      %add3A_315 = arith.constant 4 : i32
      %add3A_316 = arith.addi %mul3A_314, %add3A_315 : i32
      %add3A_317 = arith.constant 5 : i32
      %add3A_318 = arith.addi %add3A_316, %add3A_317 : i32
      %sub3A_319 = arith.constant 1 : i32
      %sub3A_320 = arith.subi %add3A_318, %sub3A_319 : i32
      %lt3A_321 = arith.constant 80 : i32
      %lt3A_322 = arith.cmpi slt, %sub3A_320, %lt3A_321 : i32
      %convert_element_type3A_323 = arith.extui %lt3A_322 : i1 to i32
      %cond3A_324 = arith.constant 0 : i32
      %cond3A_325 = arith.cmpi ne, %convert_element_type3A_323, %cond3A_324 : i32
      scf.if %cond3A_325 {
        %ge3A = arith.constant 5 : i32
        %ge3A_369 = arith.cmpi sge, %sub3A_320, %ge3A : i32
        %convert_element_type3A_370 = arith.extui %ge3A_369 : i1 to i32
        %cond3A_371 = arith.constant 0 : i32
        %cond3A_372 = arith.cmpi ne, %convert_element_type3A_370, %cond3A_371 : i32
        scf.if %cond3A_372 {
          %dma_wait3A_384 = arith.constant 0 : i32
          %dma_wait3A_385 = tpu.memref_slice %arg6[%mul3A_2, %dma_wait3A_384] : memref<81920x256xf32, #tpu.memory_space<hbm>> -> memref<32x256xf32, #tpu.memory_space<hbm>>
          %dma_wait3A_386 = arith.constant 0 : i32
          %dma_wait3A_387 = tpu.memref_slice %arg6[%mul3A_2, %dma_wait3A_386] : memref<81920x256xf32, #tpu.memory_space<hbm>> -> memref<32x256xf32, #tpu.memory_space<hbm>>
          tpu.wait_dma2 semaphore(%arg35 : memref<!tpu.dma_semaphore, #tpu.memory_space<semaphore_mem>>) src(%arg15 : memref<32x256xf32, #tpu.memory_space<vmem>>) dst(%dma_wait3A_387 : memref<32x256xf32, #tpu.memory_space<hbm>>)
          %dma_wait3A_388 = arith.constant 0 : i32
          %dma_wait3A_389 = tpu.memref_slice %arg7[%mul3A_2, %dma_wait3A_388] : memref<81920x256xf32, #tpu.memory_space<hbm>> -> memref<32x256xf32, #tpu.memory_space<hbm>>
          %dma_wait3A_390 = arith.constant 0 : i32
          %dma_wait3A_391 = tpu.memref_slice %arg7[%mul3A_2, %dma_wait3A_390] : memref<81920x256xf32, #tpu.memory_space<hbm>> -> memref<32x256xf32, #tpu.memory_space<hbm>>
          tpu.wait_dma2 semaphore(%arg35 : memref<!tpu.dma_semaphore, #tpu.memory_space<semaphore_mem>>) src(%arg20 : memref<32x256xf32, #tpu.memory_space<vmem>>) dst(%dma_wait3A_391 : memref<32x256xf32, #tpu.memory_space<hbm>>)
          %dma_wait3A_392 = tpu.memref_slice %arg8[%mul3A_2] : memref<81920xi32, #tpu.memory_space<hbm>> -> memref<32xi32, #tpu.memory_space<hbm>>
          %dma_wait3A_393 = tpu.memref_slice %arg8[%mul3A_2] : memref<81920xi32, #tpu.memory_space<hbm>> -> memref<32xi32, #tpu.memory_space<hbm>>
          tpu.wait_dma2 semaphore(%arg35 : memref<!tpu.dma_semaphore, #tpu.memory_space<semaphore_mem>>) src(%arg25 : memref<32xi32, #tpu.memory_space<vmem>>) dst(%dma_wait3A_393 : memref<32xi32, #tpu.memory_space<hbm>>)
        } else {
        }
        %mul3A_373 = arith.constant 32 : i32
        %mul3A_374 = arith.muli %sub3A_320, %mul3A_373 : i32
        %multiple_of3A_375 = tpu.assume_multiple %mul3A_374, 32 : i32
        %dma_start3A_376 = tpu.memref_slice %arg10[%multiple_of3A_375] : memref<2560xi32, #tpu.memory_space<vmem>> -> memref<32xi32, #tpu.memory_space<vmem>>
        %dma_start3A_377 = arith.constant 0 : i32
        %dma_start3A_378 = arith.constant 0 : i32
        %dma_start3A_379 = tpu.memref_slice %arg2[%dma_start3A_377, %dma_start3A_378] : memref<10000x256xf32, #tpu.memory_space<hbm>> -> memref<10000x256xf32, #tpu.memory_space<hbm>>
        tpu.enqueue_indirect_dma source(%dma_start3A_379 : memref<10000x256xf32, #tpu.memory_space<hbm>>) target(%arg15 : memref<32x256xf32, #tpu.memory_space<vmem>>) offsets(%dma_start3A_376 : memref<32xi32, #tpu.memory_space<vmem>>) semaphore(%arg30 : memref<!tpu.dma_semaphore, #tpu.memory_space<semaphore_mem>>)
        %dma_start3A_380 = tpu.memref_slice %arg11[%multiple_of3A_375] : memref<2560xi32, #tpu.memory_space<vmem>> -> memref<32xi32, #tpu.memory_space<vmem>>
        %dma_start3A_381 = arith.constant 0 : i32
        %dma_start3A_382 = arith.constant 0 : i32
        %dma_start3A_383 = tpu.memref_slice %arg2[%dma_start3A_381, %dma_start3A_382] : memref<10000x256xf32, #tpu.memory_space<hbm>> -> memref<10000x256xf32, #tpu.memory_space<hbm>>
        tpu.enqueue_indirect_dma source(%dma_start3A_383 : memref<10000x256xf32, #tpu.memory_space<hbm>>) target(%arg20 : memref<32x256xf32, #tpu.memory_space<vmem>>) offsets(%dma_start3A_380 : memref<32xi32, #tpu.memory_space<vmem>>) semaphore(%arg30 : memref<!tpu.dma_semaphore, #tpu.memory_space<semaphore_mem>>)
      } else {
      }
      %mul3A_326 = arith.constant 32 : i32
      %mul3A_327 = arith.muli %add3A_316, %mul3A_326 : i32
      %add3A_328 = arith.constant 0 : i32
      %add3A_329 = arith.addi %mul3A_327, %add3A_328 : i32
      %get3A_330 = arith.index_cast %add3A_329 : i32 to index
      %get3A_331 = tpu.vector_load %arg10[%get3A_330] {strides = array<i32>} : memref<2560xi32, #tpu.memory_space<vmem>>, vector<16xi32>,
      %gather3A_332 = tpu.vector_load_idx %arg9[%get3A_331] : memref<10000xi32, #tpu.memory_space<vmem>>[vector<16xi32>], vector<16xi32>,
      %swap3A_333 = arith.constant 0 : index
      %swap3A_334 = tpu.vector_load %arg26[%swap3A_333] {strides = array<i32>} : memref<32xi32, #tpu.memory_space<vmem>>, vector<16xi32>,
      tpu.vector_store %arg26[%swap3A_333], %gather3A_332 {strides = array<i32>} : memref<32xi32, #tpu.memory_space<vmem>>, vector<16xi32>,
      %mul3A_335 = arith.constant 32 : i32
      %mul3A_336 = arith.muli %add3A_316, %mul3A_335 : i32
      %add3A_337 = arith.constant 16 : i32
      %add3A_338 = arith.addi %mul3A_336, %add3A_337 : i32
      %get3A_339 = arith.index_cast %add3A_338 : i32 to index
      %get3A_340 = tpu.vector_load %arg10[%get3A_339] {strides = array<i32>} : memref<2560xi32, #tpu.memory_space<vmem>>, vector<16xi32>,
      %gather3A_341 = tpu.vector_load_idx %arg9[%get3A_340] : memref<10000xi32, #tpu.memory_space<vmem>>[vector<16xi32>], vector<16xi32>,
      %swap3A_342 = arith.constant 16 : index
      %swap3A_343 = tpu.vector_load %arg26[%swap3A_342] {strides = array<i32>} : memref<32xi32, #tpu.memory_space<vmem>>, vector<16xi32>,
      tpu.vector_store %arg26[%swap3A_342], %gather3A_341 {strides = array<i32>} : memref<32xi32, #tpu.memory_space<vmem>>, vector<16xi32>,
      %mul3A_344 = arith.constant 32 : i32
      %mul3A_345 = arith.muli %add3A_316, %mul3A_344 : i32
      %multiple_of3A_346 = tpu.assume_multiple %mul3A_345, 32 : i32
      %dma_wait3A_347 = tpu.memref_slice %arg10[%multiple_of3A_346] : memref<2560xi32, #tpu.memory_space<vmem>> -> memref<32xi32, #tpu.memory_space<vmem>>
      %dma_wait3A_348 = arith.constant 0 : i32
      %dma_wait3A_349 = arith.constant 0 : i32
      %dma_wait3A_350 = tpu.memref_slice %arg2[%dma_wait3A_348, %dma_wait3A_349] : memref<10000x256xf32, #tpu.memory_space<hbm>> -> memref<10000x256xf32, #tpu.memory_space<hbm>>
      tpu.wait_indirect_dma semaphore(%arg31 : memref<!tpu.dma_semaphore, #tpu.memory_space<semaphore_mem>>) src(%dma_wait3A_350 : memref<10000x256xf32, #tpu.memory_space<hbm>>) dst(%arg16 : memref<32x256xf32, #tpu.memory_space<vmem>>)
      %dma_wait3A_351 = tpu.memref_slice %arg11[%multiple_of3A_346] : memref<2560xi32, #tpu.memory_space<vmem>> -> memref<32xi32, #tpu.memory_space<vmem>>
      %dma_wait3A_352 = arith.constant 0 : i32
      %dma_wait3A_353 = arith.constant 0 : i32
      %dma_wait3A_354 = tpu.memref_slice %arg2[%dma_wait3A_352, %dma_wait3A_353] : memref<10000x256xf32, #tpu.memory_space<hbm>> -> memref<10000x256xf32, #tpu.memory_space<hbm>>
      tpu.wait_indirect_dma semaphore(%arg31 : memref<!tpu.dma_semaphore, #tpu.memory_space<semaphore_mem>>) src(%dma_wait3A_354 : memref<10000x256xf32, #tpu.memory_space<hbm>>) dst(%arg21 : memref<32x256xf32, #tpu.memory_space<vmem>>)
      %mul3A_355 = arith.constant 32 : i32
      %mul3A_356 = arith.muli %add3A_316, %mul3A_355 : i32
      %add3A_357 = arith.addi %mul3A_2, %mul3A_356 : i32
      %multiple_of3A_358 = tpu.assume_multiple %add3A_357, 32 : i32
      %dma_start3A_359 = arith.constant 0 : i32
      %dma_start3A_360 = tpu.memref_slice %arg6[%multiple_of3A_358, %dma_start3A_359] : memref<81920x256xf32, #tpu.memory_space<hbm>> -> memref<32x256xf32, #tpu.memory_space<hbm>>
      %dma_start3A_361 = arith.constant 0 : i32
      %dma_start3A_362 = tpu.memref_slice %arg6[%multiple_of3A_358, %dma_start3A_361] : memref<81920x256xf32, #tpu.memory_space<hbm>> -> memref<32x256xf32, #tpu.memory_space<hbm>>
      tpu.enqueue_dma source(%arg16 : memref<32x256xf32, #tpu.memory_space<vmem>>) target(%dma_start3A_362 : memref<32x256xf32, #tpu.memory_space<hbm>>) target_semaphore(%arg36 : memref<!tpu.dma_semaphore, #tpu.memory_space<semaphore_mem>>)
      %dma_start3A_363 = arith.constant 0 : i32
      %dma_start3A_364 = tpu.memref_slice %arg7[%multiple_of3A_358, %dma_start3A_363] : memref<81920x256xf32, #tpu.memory_space<hbm>> -> memref<32x256xf32, #tpu.memory_space<hbm>>
      %dma_start3A_365 = arith.constant 0 : i32
      %dma_start3A_366 = tpu.memref_slice %arg7[%multiple_of3A_358, %dma_start3A_365] : memref<81920x256xf32, #tpu.memory_space<hbm>> -> memref<32x256xf32, #tpu.memory_space<hbm>>
      tpu.enqueue_dma source(%arg21 : memref<32x256xf32, #tpu.memory_space<vmem>>) target(%dma_start3A_366 : memref<32x256xf32, #tpu.memory_space<hbm>>) target_semaphore(%arg36 : memref<!tpu.dma_semaphore, #tpu.memory_space<semaphore_mem>>)
      %dma_start3A_367 = tpu.memref_slice %arg8[%multiple_of3A_358] : memref<81920xi32, #tpu.memory_space<hbm>> -> memref<32xi32, #tpu.memory_space<hbm>>
      %dma_start3A_368 = tpu.memref_slice %arg8[%multiple_of3A_358] : memref<81920xi32, #tpu.memory_space<hbm>> -> memref<32xi32, #tpu.memory_space<hbm>>
      tpu.enqueue_dma source(%arg26 : memref<32xi32, #tpu.memory_space<vmem>>) target(%dma_start3A_368 : memref<32xi32, #tpu.memory_space<hbm>>) target_semaphore(%arg36 : memref<!tpu.dma_semaphore, #tpu.memory_space<semaphore_mem>>)
    }
    %scan3A_45 = arith.constant 16 : i32
    %dma_wait3A = arith.constant 0 : i32
    %dma_wait3A_46 = tpu.memref_slice %arg6[%mul3A_2, %dma_wait3A] : memref<81920x256xf32, #tpu.memory_space<hbm>> -> memref<32x256xf32, #tpu.memory_space<hbm>>
    %dma_wait3A_47 = arith.constant 0 : i32
    %dma_wait3A_48 = tpu.memref_slice %arg6[%mul3A_2, %dma_wait3A_47] : memref<81920x256xf32, #tpu.memory_space<hbm>> -> memref<32x256xf32, #tpu.memory_space<hbm>>
    tpu.wait_dma2 semaphore(%arg32 : memref<!tpu.dma_semaphore, #tpu.memory_space<semaphore_mem>>) src(%arg12 : memref<32x256xf32, #tpu.memory_space<vmem>>) dst(%dma_wait3A_48 : memref<32x256xf32, #tpu.memory_space<hbm>>)
    %dma_wait3A_49 = arith.constant 0 : i32
    %dma_wait3A_50 = tpu.memref_slice %arg7[%mul3A_2, %dma_wait3A_49] : memref<81920x256xf32, #tpu.memory_space<hbm>> -> memref<32x256xf32, #tpu.memory_space<hbm>>
    %dma_wait3A_51 = arith.constant 0 : i32
    %dma_wait3A_52 = tpu.memref_slice %arg7[%mul3A_2, %dma_wait3A_51] : memref<81920x256xf32, #tpu.memory_space<hbm>> -> memref<32x256xf32, #tpu.memory_space<hbm>>
    tpu.wait_dma2 semaphore(%arg32 : memref<!tpu.dma_semaphore, #tpu.memory_space<semaphore_mem>>) src(%arg17 : memref<32x256xf32, #tpu.memory_space<vmem>>) dst(%dma_wait3A_52 : memref<32x256xf32, #tpu.memory_space<hbm>>)
    %dma_wait3A_53 = tpu.memref_slice %arg8[%mul3A_2] : memref<81920xi32, #tpu.memory_space<hbm>> -> memref<32xi32, #tpu.memory_space<hbm>>
    %dma_wait3A_54 = tpu.memref_slice %arg8[%mul3A_2] : memref<81920xi32, #tpu.memory_space<hbm>> -> memref<32xi32, #tpu.memory_space<hbm>>
    tpu.wait_dma2 semaphore(%arg32 : memref<!tpu.dma_semaphore, #tpu.memory_space<semaphore_mem>>) src(%arg22 : memref<32xi32, #tpu.memory_space<vmem>>) dst(%dma_wait3A_54 : memref<32xi32, #tpu.memory_space<hbm>>)
    %dma_wait3A_55 = arith.constant 0 : i32
    %dma_wait3A_56 = tpu.memref_slice %arg6[%mul3A_2, %dma_wait3A_55] : memref<81920x256xf32, #tpu.memory_space<hbm>> -> memref<32x256xf32, #tpu.memory_space<hbm>>
    %dma_wait3A_57 = arith.constant 0 : i32
    %dma_wait3A_58 = tpu.memref_slice %arg6[%mul3A_2, %dma_wait3A_57] : memref<81920x256xf32, #tpu.memory_space<hbm>> -> memref<32x256xf32, #tpu.memory_space<hbm>>
    tpu.wait_dma2 semaphore(%arg33 : memref<!tpu.dma_semaphore, #tpu.memory_space<semaphore_mem>>) src(%arg13 : memref<32x256xf32, #tpu.memory_space<vmem>>) dst(%dma_wait3A_58 : memref<32x256xf32, #tpu.memory_space<hbm>>)
    %dma_wait3A_59 = arith.constant 0 : i32
    %dma_wait3A_60 = tpu.memref_slice %arg7[%mul3A_2, %dma_wait3A_59] : memref<81920x256xf32, #tpu.memory_space<hbm>> -> memref<32x256xf32, #tpu.memory_space<hbm>>
    %dma_wait3A_61 = arith.constant 0 : i32
    %dma_wait3A_62 = tpu.memref_slice %arg7[%mul3A_2, %dma_wait3A_61] : memref<81920x256xf32, #tpu.memory_space<hbm>> -> memref<32x256xf32, #tpu.memory_space<hbm>>
    tpu.wait_dma2 semaphore(%arg33 : memref<!tpu.dma_semaphore, #tpu.memory_space<semaphore_mem>>) src(%arg18 : memref<32x256xf32, #tpu.memory_space<vmem>>) dst(%dma_wait3A_62 : memref<32x256xf32, #tpu.memory_space<hbm>>)
    %dma_wait3A_63 = tpu.memref_slice %arg8[%mul3A_2] : memref<81920xi32, #tpu.memory_space<hbm>> -> memref<32xi32, #tpu.memory_space<hbm>>
    %dma_wait3A_64 = tpu.memref_slice %arg8[%mul3A_2] : memref<81920xi32, #tpu.memory_space<hbm>> -> memref<32xi32, #tpu.memory_space<hbm>>
    tpu.wait_dma2 semaphore(%arg33 : memref<!tpu.dma_semaphore, #tpu.memory_space<semaphore_mem>>) src(%arg23 : memref<32xi32, #tpu.memory_space<vmem>>) dst(%dma_wait3A_64 : memref<32xi32, #tpu.memory_space<hbm>>)
    %dma_wait3A_65 = arith.constant 0 : i32
    %dma_wait3A_66 = tpu.memref_slice %arg6[%mul3A_2, %dma_wait3A_65] : memref<81920x256xf32, #tpu.memory_space<hbm>> -> memref<32x256xf32, #tpu.memory_space<hbm>>
    %dma_wait3A_67 = arith.constant 0 : i32
    %dma_wait3A_68 = tpu.memref_slice %arg6[%mul3A_2, %dma_wait3A_67] : memref<81920x256xf32, #tpu.memory_space<hbm>> -> memref<32x256xf32, #tpu.memory_space<hbm>>
    tpu.wait_dma2 semaphore(%arg34 : memref<!tpu.dma_semaphore, #tpu.memory_space<semaphore_mem>>) src(%arg14 : memref<32x256xf32, #tpu.memory_space<vmem>>) dst(%dma_wait3A_68 : memref<32x256xf32, #tpu.memory_space<hbm>>)
    %dma_wait3A_69 = arith.constant 0 : i32
    %dma_wait3A_70 = tpu.memref_slice %arg7[%mul3A_2, %dma_wait3A_69] : memref<81920x256xf32, #tpu.memory_space<hbm>> -> memref<32x256xf32, #tpu.memory_space<hbm>>
    %dma_wait3A_71 = arith.constant 0 : i32
    %dma_wait3A_72 = tpu.memref_slice %arg7[%mul3A_2, %dma_wait3A_71] : memref<81920x256xf32, #tpu.memory_space<hbm>> -> memref<32x256xf32, #tpu.memory_space<hbm>>
    tpu.wait_dma2 semaphore(%arg34 : memref<!tpu.dma_semaphore, #tpu.memory_space<semaphore_mem>>) src(%arg19 : memref<32x256xf32, #tpu.memory_space<vmem>>) dst(%dma_wait3A_72 : memref<32x256xf32, #tpu.memory_space<hbm>>)
    %dma_wait3A_73 = tpu.memref_slice %arg8[%mul3A_2] : memref<81920xi32, #tpu.memory_space<hbm>> -> memref<32xi32, #tpu.memory_space<hbm>>
    %dma_wait3A_74 = tpu.memref_slice %arg8[%mul3A_2] : memref<81920xi32, #tpu.memory_space<hbm>> -> memref<32xi32, #tpu.memory_space<hbm>>
    tpu.wait_dma2 semaphore(%arg34 : memref<!tpu.dma_semaphore, #tpu.memory_space<semaphore_mem>>) src(%arg24 : memref<32xi32, #tpu.memory_space<vmem>>) dst(%dma_wait3A_74 : memref<32xi32, #tpu.memory_space<hbm>>)
    %dma_wait3A_75 = arith.constant 0 : i32
    %dma_wait3A_76 = tpu.memref_slice %arg6[%mul3A_2, %dma_wait3A_75] : memref<81920x256xf32, #tpu.memory_space<hbm>> -> memref<32x256xf32, #tpu.memory_space<hbm>>
    %dma_wait3A_77 = arith.constant 0 : i32
    %dma_wait3A_78 = tpu.memref_slice %arg6[%mul3A_2, %dma_wait3A_77] : memref<81920x256xf32, #tpu.memory_space<hbm>> -> memref<32x256xf32, #tpu.memory_space<hbm>>
    tpu.wait_dma2 semaphore(%arg35 : memref<!tpu.dma_semaphore, #tpu.memory_space<semaphore_mem>>) src(%arg15 : memref<32x256xf32, #tpu.memory_space<vmem>>) dst(%dma_wait3A_78 : memref<32x256xf32, #tpu.memory_space<hbm>>)
    %dma_wait3A_79 = arith.constant 0 : i32
    %dma_wait3A_80 = tpu.memref_slice %arg7[%mul3A_2, %dma_wait3A_79] : memref<81920x256xf32, #tpu.memory_space<hbm>> -> memref<32x256xf32, #tpu.memory_space<hbm>>
    %dma_wait3A_81 = arith.constant 0 : i32
    %dma_wait3A_82 = tpu.memref_slice %arg7[%mul3A_2, %dma_wait3A_81] : memref<81920x256xf32, #tpu.memory_space<hbm>> -> memref<32x256xf32, #tpu.memory_space<hbm>>
    tpu.wait_dma2 semaphore(%arg35 : memref<!tpu.dma_semaphore, #tpu.memory_space<semaphore_mem>>) src(%arg20 : memref<32x256xf32, #tpu.memory_space<vmem>>) dst(%dma_wait3A_82 : memref<32x256xf32, #tpu.memory_space<hbm>>)
    %dma_wait3A_83 = tpu.memref_slice %arg8[%mul3A_2] : memref<81920xi32, #tpu.memory_space<hbm>> -> memref<32xi32, #tpu.memory_space<hbm>>
    %dma_wait3A_84 = tpu.memref_slice %arg8[%mul3A_2] : memref<81920xi32, #tpu.memory_space<hbm>> -> memref<32xi32, #tpu.memory_space<hbm>>
    tpu.wait_dma2 semaphore(%arg35 : memref<!tpu.dma_semaphore, #tpu.memory_space<semaphore_mem>>) src(%arg25 : memref<32xi32, #tpu.memory_space<vmem>>) dst(%dma_wait3A_84 : memref<32xi32, #tpu.memory_space<hbm>>)
    %dma_wait3A_85 = arith.constant 0 : i32
    %dma_wait3A_86 = tpu.memref_slice %arg6[%mul3A_2, %dma_wait3A_85] : memref<81920x256xf32, #tpu.memory_space<hbm>> -> memref<32x256xf32, #tpu.memory_space<hbm>>
    %dma_wait3A_87 = arith.constant 0 : i32
    %dma_wait3A_88 = tpu.memref_slice %arg6[%mul3A_2, %dma_wait3A_87] : memref<81920x256xf32, #tpu.memory_space<hbm>> -> memref<32x256xf32, #tpu.memory_space<hbm>>
    tpu.wait_dma2 semaphore(%arg36 : memref<!tpu.dma_semaphore, #tpu.memory_space<semaphore_mem>>) src(%arg16 : memref<32x256xf32, #tpu.memory_space<vmem>>) dst(%dma_wait3A_88 : memref<32x256xf32, #tpu.memory_space<hbm>>)
    %dma_wait3A_89 = arith.constant 0 : i32
    %dma_wait3A_90 = tpu.memref_slice %arg7[%mul3A_2, %dma_wait3A_89] : memref<81920x256xf32, #tpu.memory_space<hbm>> -> memref<32x256xf32, #tpu.memory_space<hbm>>
    %dma_wait3A_91 = arith.constant 0 : i32
    %dma_wait3A_92 = tpu.memref_slice %arg7[%mul3A_2, %dma_wait3A_91] : memref<81920x256xf32, #tpu.memory_space<hbm>> -> memref<32x256xf32, #tpu.memory_space<hbm>>
    tpu.wait_dma2 semaphore(%arg36 : memref<!tpu.dma_semaphore, #tpu.memory_space<semaphore_mem>>) src(%arg21 : memref<32x256xf32, #tpu.memory_space<vmem>>) dst(%dma_wait3A_92 : memref<32x256xf32, #tpu.memory_space<hbm>>)
    %dma_wait3A_93 = tpu.memref_slice %arg8[%mul3A_2] : memref<81920xi32, #tpu.memory_space<hbm>> -> memref<32xi32, #tpu.memory_space<hbm>>
    %dma_wait3A_94 = tpu.memref_slice %arg8[%mul3A_2] : memref<81920xi32, #tpu.memory_space<hbm>> -> memref<32xi32, #tpu.memory_space<hbm>>
    tpu.wait_dma2 semaphore(%arg36 : memref<!tpu.dma_semaphore, #tpu.memory_space<semaphore_mem>>) src(%arg26 : memref<32xi32, #tpu.memory_space<vmem>>) dst(%dma_wait3A_94 : memref<32xi32, #tpu.memory_space<hbm>>)
    return
  }
}

#map = affine_map<(d0, d1) -> (0, 0)>
#map1 = affine_map<(d0, d1) -> (0)>
module attributes {stable_mosaic.version = 14 : i64} {
  func.func @body(%arg0: i32, %arg1: i32, %arg2: memref<10000x256xf32, #tpu.memory_space<hbm>>, %arg3: memref<81920xi32, #tpu.memory_space<hbm>>, %arg4: memref<81920xi32, #tpu.memory_space<hbm>>, %arg5: memref<10000xi32, #tpu.memory_space<hbm>>, %arg6: memref<81920x256xf32, #tpu.memory_space<hbm>>, %arg7: memref<81920x256xf32, #tpu.memory_space<hbm>>, %arg8: memref<81920xi32, #tpu.memory_space<hbm>>, %arg9: memref<10000xi32, #tpu.memory_space<vmem>>, %arg10: memref<2560xi32, #tpu.memory_space<vmem>>, %arg11: memref<2560xi32, #tpu.memory_space<vmem>>, %arg12: memref<32x256xf32, #tpu.memory_space<vmem>>, %arg13: memref<32x256xf32, #tpu.memory_space<vmem>>, %arg14: memref<32x256xf32, #tpu.memory_space<vmem>>, %arg15: memref<32x256xf32, #tpu.memory_space<vmem>>, %arg16: memref<32x256xf32, #tpu.memory_space<vmem>>, %arg17: memref<32x256xf32, #tpu.memory_space<vmem>>, %arg18: memref<32x256xf32, #tpu.memory_space<vmem>>, %arg19: memref<32x256xf32, #tpu.memory_space<vmem>>, %arg20: memref<32x256xf32, #tpu.memory_space<vmem>>, %arg21: memref<32x256xf32, #tpu.memory_space<vmem>>, %arg22: memref<32xi32, #tpu.memory_space<vmem>>, %arg23: memref<32xi32, #tpu.memory_space<vmem>>, %arg24: memref<32xi32, #tpu.memory_space<vmem>>, %arg25: memref<32xi32, #tpu.memory_space<vmem>>, %arg26: memref<32xi32, #tpu.memory_space<vmem>>, %arg27: memref<!tpu.dma_semaphore, #tpu.memory_space<semaphore_mem>>, %arg28: memref<!tpu.dma_semaphore, #tpu.memory_space<semaphore_mem>>, %arg29: memref<!tpu.dma_semaphore, #tpu.memory_space<semaphore_mem>>, %arg30: memref<!tpu.dma_semaphore, #tpu.memory_space<semaphore_mem>>, %arg31: memref<!tpu.dma_semaphore, #tpu.memory_space<semaphore_mem>>, %arg32: memref<!tpu.dma_semaphore, #tpu.memory_space<semaphore_mem>>, %arg33: memref<!tpu.dma_semaphore, #tpu.memory_space<semaphore_mem>>, %arg34: memref<!tpu.dma_semaphore, #tpu.memory_space<semaphore_mem>>, %arg35: memref<!tpu.dma_semaphore, #tpu.memory_space<semaphore_mem>>, %arg36: memref<!tpu.dma_semaphore, #tpu.memory_space<semaphore_mem>>) attributes {dimension_semantics = [#tpu.dimension_semantics<core_parallel>, #tpu.dimension_semantics<subcore_parallel>], iteration_bounds = array<i64: 2, 16>, scalar_prefetch = 0 : i64, scratch_operands = 28 : i64, tpu.core_type = #tpu.core_type<sc_vector_subcore>, window_params = [{transform_indices = #map}, {transform_indices = #map1}, {transform_indices = #map1}, {transform_indices = #map1}, {transform_indices = #map}, {transform_indices = #map}, {transform_indices = #map1}]} {
    %mul3A = arith.constant 2 : i32
    %mul3A_0 = arith.muli %arg1, %mul3A : i32
    %add3A = arith.addi %mul3A_0, %arg0 : i32
    %mul3A_1 = arith.constant 2560 : i32
    %mul3A_2 = arith.muli %add3A, %mul3A_1 : i32
    "tpu.region"() ({
      %run_scoped3A = tpu.sem_alloc : memref<!tpu.dma_semaphore, #tpu.memory_space<semaphore_mem>>
      tpu.enqueue_dma source(%arg5 : memref<10000xi32, #tpu.memory_space<hbm>>) target(%arg9 : memref<10000xi32, #tpu.memory_space<vmem>>) target_semaphore(%run_scoped3A : memref<!tpu.dma_semaphore, #tpu.memory_space<semaphore_mem>>)
      tpu.wait_dma2 semaphore(%run_scoped3A : memref<!tpu.dma_semaphore, #tpu.memory_space<semaphore_mem>>) src(%arg5 : memref<10000xi32, #tpu.memory_space<hbm>>) dst(%arg9 : memref<10000xi32, #tpu.memory_space<vmem>>)
      tpu.yield
    }) : () -> ()
    "tpu.region"() ({
      %run_scoped3A = tpu.sem_alloc : memref<!tpu.dma_semaphore, #tpu.memory_space<semaphore_mem>>
      %dma_start3A_95 = tpu.memref_slice %arg3[%mul3A_2] : memref<81920xi32, #tpu.memory_space<hbm>> -> memref<2560xi32, #tpu.memory_space<hbm>>
      %dma_start3A_96 = tpu.memref_slice %arg3[%mul3A_2] : memref<81920xi32, #tpu.memory_space<hbm>> -> memref<2560xi32, #tpu.memory_space<hbm>>
      tpu.enqueue_dma source(%dma_start3A_96 : memref<2560xi32, #tpu.memory_space<hbm>>) target(%arg10 : memref<2560xi32, #tpu.memory_space<vmem>>) target_semaphore(%run_scoped3A : memref<!tpu.dma_semaphore, #tpu.memory_space<semaphore_mem>>)
      %dma_wait3A_97 = tpu.memref_slice %arg3[%mul3A_2] : memref<81920xi32, #tpu.memory_space<hbm>> -> memref<2560xi32, #tpu.memory_space<hbm>>
      %dma_wait3A_98 = tpu.memref_slice %arg3[%mul3A_2] : memref<81920xi32, #tpu.memory_space<hbm>> -> memref<2560xi32, #tpu.memory_space<hbm>>
      tpu.wait_dma2 semaphore(%run_scoped3A : memref<!tpu.dma_semaphore, #tpu.memory_space<semaphore_mem>>) src(%dma_wait3A_98 : memref<2560xi32, #tpu.memory_space<hbm>>) dst(%arg10 : memref<2560xi32, #tpu.memory_space<vmem>>)
      tpu.yield
    }) : () -> ()
    "tpu.region"() ({
      %run_scoped3A = tpu.sem_alloc : memref<!tpu.dma_semaphore, #tpu.memory_space<semaphore_mem>>
      %dma_start3A_95 = tpu.memref_slice %arg4[%mul3A_2] : memref<81920xi32, #tpu.memory_space<hbm>> -> memref<2560xi32, #tpu.memory_space<hbm>>
      %dma_start3A_96 = tpu.memref_slice %arg4[%mul3A_2] : memref<81920xi32, #tpu.memory_space<hbm>> -> memref<2560xi32, #tpu.memory_space<hbm>>
      tpu.enqueue_dma source(%dma_start3A_96 : memref<2560xi32, #tpu.memory_space<hbm>>) target(%arg11 : memref<2560xi32, #tpu.memory_space<vmem>>) target_semaphore(%run_scoped3A : memref<!tpu.dma_semaphore, #tpu.memory_space<semaphore_mem>>)
      %dma_wait3A_97 = tpu.memref_slice %arg4[%mul3A_2] : memref<81920xi32, #tpu.memory_space<hbm>> -> memref<2560xi32, #tpu.memory_space<hbm>>
      %dma_wait3A_98 = tpu.memref_slice %arg4[%mul3A_2] : memref<81920xi32, #tpu.memory_space<hbm>> -> memref<2560xi32, #tpu.memory_space<hbm>>
      tpu.wait_dma2 semaphore(%run_scoped3A : memref<!tpu.dma_semaphore, #tpu.memory_space<semaphore_mem>>) src(%dma_wait3A_98 : memref<2560xi32, #tpu.memory_space<hbm>>) dst(%arg11 : memref<2560xi32, #tpu.memory_space<vmem>>)
      tpu.yield
    }) : () -> ()
    %multiple_of3A = arith.constant 0 : i32
    %multiple_of3A_3 = tpu.assume_multiple %multiple_of3A, 32 : i32
    %dma_start3A = tpu.memref_slice %arg10[%multiple_of3A_3] : memref<2560xi32, #tpu.memory_space<vmem>> -> memref<32xi32, #tpu.memory_space<vmem>>
    %dma_start3A_4 = arith.constant 0 : i32
    %dma_start3A_5 = arith.constant 0 : i32
    %dma_start3A_6 = tpu.memref_slice %arg2[%dma_start3A_4, %dma_start3A_5] : memref<10000x256xf32, #tpu.memory_space<hbm>> -> memref<10000x256xf32, #tpu.memory_space<hbm>>
    tpu.enqueue_indirect_dma source(%dma_start3A_6 : memref<10000x256xf32, #tpu.memory_space<hbm>>) target(%arg12 : memref<32x256xf32, #tpu.memory_space<vmem>>) offsets(%dma_start3A : memref<32xi32, #tpu.memory_space<vmem>>) semaphore(%arg27 : memref<!tpu.dma_semaphore, #tpu.memory_space<semaphore_mem>>)
    %dma_start3A_7 = tpu.memref_slice %arg11[%multiple_of3A_3] : memref<2560xi32, #tpu.memory_space<vmem>> -> memref<32xi32, #tpu.memory_space<vmem>>
    %dma_start3A_8 = arith.constant 0 : i32
    %dma_start3A_9 = arith.constant 0 : i32
    %dma_start3A_10 = tpu.memref_slice %arg2[%dma_start3A_8, %dma_start3A_9] : memref<10000x256xf32, #tpu.memory_space<hbm>> -> memref<10000x256xf32, #tpu.memory_space<hbm>>
    tpu.enqueue_indirect_dma source(%dma_start3A_10 : memref<10000x256xf32, #tpu.memory_space<hbm>>) target(%arg17 : memref<32x256xf32, #tpu.memory_space<vmem>>) offsets(%dma_start3A_7 : memref<32xi32, #tpu.memory_space<vmem>>) semaphore(%arg27 : memref<!tpu.dma_semaphore, #tpu.memory_space<semaphore_mem>>)
    %multiple_of3A_11 = arith.constant 32 : i32
    %multiple_of3A_12 = tpu.assume_multiple %multiple_of3A_11, 32 : i32
    %dma_start3A_13 = tpu.memref_slice %arg10[%multiple_of3A_12] : memref<2560xi32, #tpu.memory_space<vmem>> -> memref<32xi32, #tpu.memory_space<vmem>>
    %dma_start3A_14 = arith.constant 0 : i32
    %dma_start3A_15 = arith.constant 0 : i32
    %dma_start3A_16 = tpu.memref_slice %arg2[%dma_start3A_14, %dma_start3A_15] : memref<10000x256xf32, #tpu.memory_space<hbm>> -> memref<10000x256xf32, #tpu.memory_space<hbm>>
    tpu.enqueue_indirect_dma source(%dma_start3A_16 : memref<10000x256xf32, #tpu.memory_space<hbm>>) target(%arg13 : memref<32x256xf32, #tpu.memory_space<vmem>>) offsets(%dma_start3A_13 : memref<32xi32, #tpu.memory_space<vmem>>) semaphore(%arg28 : memref<!tpu.dma_semaphore, #tpu.memory_space<semaphore_mem>>)
    %dma_start3A_17 = tpu.memref_slice %arg11[%multiple_of3A_12] : memref<2560xi32, #tpu.memory_space<vmem>> -> memref<32xi32, #tpu.memory_space<vmem>>
    %dma_start3A_18 = arith.constant 0 : i32
    %dma_start3A_19 = arith.constant 0 : i32
    %dma_start3A_20 = tpu.memref_slice %arg2[%dma_start3A_18, %dma_start3A_19] : memref<10000x256xf32, #tpu.memory_space<hbm>> -> memref<10000x256xf32, #tpu.memory_space<hbm>>
    tpu.enqueue_indirect_dma source(%dma_start3A_20 : memref<10000x256xf32, #tpu.memory_space<hbm>>) target(%arg18 : memref<32x256xf32, #tpu.memory_space<vmem>>) offsets(%dma_start3A_17 : memref<32xi32, #tpu.memory_space<vmem>>) semaphore(%arg28 : memref<!tpu.dma_semaphore, #tpu.memory_space<semaphore_mem>>)
    %multiple_of3A_21 = arith.constant 64 : i32
    %multiple_of3A_22 = tpu.assume_multiple %multiple_of3A_21, 32 : i32
    %dma_start3A_23 = tpu.memref_slice %arg10[%multiple_of3A_22] : memref<2560xi32, #tpu.memory_space<vmem>> -> memref<32xi32, #tpu.memory_space<vmem>>
    %dma_start3A_24 = arith.constant 0 : i32
    %dma_start3A_25 = arith.constant 0 : i32
    %dma_start3A_26 = tpu.memref_slice %arg2[%dma_start3A_24, %dma_start3A_25] : memref<10000x256xf32, #tpu.memory_space<hbm>> -> memref<10000x256xf32, #tpu.memory_space<hbm>>
    tpu.enqueue_indirect_dma source(%dma_start3A_26 : memref<10000x256xf32, #tpu.memory_space<hbm>>) target(%arg14 : memref<32x256xf32, #tpu.memory_space<vmem>>) offsets(%dma_start3A_23 : memref<32xi32, #tpu.memory_space<vmem>>) semaphore(%arg29 : memref<!tpu.dma_semaphore, #tpu.memory_space<semaphore_mem>>)
    %dma_start3A_27 = tpu.memref_slice %arg11[%multiple_of3A_22] : memref<2560xi32, #tpu.memory_space<vmem>> -> memref<32xi32, #tpu.memory_space<vmem>>
    %dma_start3A_28 = arith.constant 0 : i32
    %dma_start3A_29 = arith.constant 0 : i32
    %dma_start3A_30 = tpu.memref_slice %arg2[%dma_start3A_28, %dma_start3A_29] : memref<10000x256xf32, #tpu.memory_space<hbm>> -> memref<10000x256xf32, #tpu.memory_space<hbm>>
    tpu.enqueue_indirect_dma source(%dma_start3A_30 : memref<10000x256xf32, #tpu.memory_space<hbm>>) target(%arg19 : memref<32x256xf32, #tpu.memory_space<vmem>>) offsets(%dma_start3A_27 : memref<32xi32, #tpu.memory_space<vmem>>) semaphore(%arg29 : memref<!tpu.dma_semaphore, #tpu.memory_space<semaphore_mem>>)
    %multiple_of3A_31 = arith.constant 96 : i32
    %multiple_of3A_32 = tpu.assume_multiple %multiple_of3A_31, 32 : i32
    %dma_start3A_33 = tpu.memref_slice %arg10[%multiple_of3A_32] : memref<2560xi32, #tpu.memory_space<vmem>> -> memref<32xi32, #tpu.memory_space<vmem>>
    %dma_start3A_34 = arith.constant 0 : i32
    %dma_start3A_35 = arith.constant 0 : i32
    %dma_start3A_36 = tpu.memref_slice %arg2[%dma_start3A_34, %dma_start3A_35] : memref<10000x256xf32, #tpu.memory_space<hbm>> -> memref<10000x256xf32, #tpu.memory_space<hbm>>
    tpu.enqueue_indirect_dma source(%dma_start3A_36 : memref<10000x256xf32, #tpu.memory_space<hbm>>) target(%arg15 : memref<32x256xf32, #tpu.memory_space<vmem>>) offsets(%dma_start3A_33 : memref<32xi32, #tpu.memory_space<vmem>>) semaphore(%arg30 : memref<!tpu.dma_semaphore, #tpu.memory_space<semaphore_mem>>)
    %dma_start3A_37 = tpu.memref_slice %arg11[%multiple_of3A_32] : memref<2560xi32, #tpu.memory_space<vmem>> -> memref<32xi32, #tpu.memory_space<vmem>>
    %dma_start3A_38 = arith.constant 0 : i32
    %dma_start3A_39 = arith.constant 0 : i32
    %dma_start3A_40 = tpu.memref_slice %arg2[%dma_start3A_38, %dma_start3A_39] : memref<10000x256xf32, #tpu.memory_space<hbm>> -> memref<10000x256xf32, #tpu.memory_space<hbm>>
    tpu.enqueue_indirect_dma source(%dma_start3A_40 : memref<10000x256xf32, #tpu.memory_space<hbm>>) target(%arg20 : memref<32x256xf32, #tpu.memory_space<vmem>>) offsets(%dma_start3A_37 : memref<32xi32, #tpu.memory_space<vmem>>) semaphore(%arg30 : memref<!tpu.dma_semaphore, #tpu.memory_space<semaphore_mem>>)
    %scan3A = arith.constant 0 : i32
    %scan3A_41 = arith.constant 0 : i32
    %scan3A_42 = arith.constant 16 : i32
    %scan3A_43 = arith.addi %scan3A_41, %scan3A_42 : i32
    %scan3A_44 = arith.constant 1 : i32
    scf.for %scan3A_95 = %scan3A_41 to %scan3A_43 step %scan3A_44  : i32 {
      %mul3A_96 = arith.constant 5 : i32
      %mul3A_97 = arith.muli %scan3A_95, %mul3A_96 : i32
      %add3A_98 = arith.constant 0 : i32
      %add3A_99 = arith.addi %mul3A_97, %add3A_98 : i32
      %add3A_100 = arith.constant 5 : i32
      %add3A_101 = arith.addi %add3A_99, %add3A_100 : i32
      %sub3A = arith.constant 1 : i32
      %sub3A_102 = arith.subi %add3A_101, %sub3A : i32
      %lt3A = arith.constant 80 : i32
      %lt3A_103 = arith.cmpi slt, %sub3A_102, %lt3A : i32
      %convert_element_type3A = arith.extui %lt3A_103 : i1 to i32
      %cond3A = arith.constant 0 : i32
      %cond3A_104 = arith.cmpi ne, %convert_element_type3A, %cond3A : i32
      scf.if %cond3A_104 {
        %ge3A = arith.constant 5 : i32
        %ge3A_369 = arith.cmpi sge, %sub3A_102, %ge3A : i32
        %convert_element_type3A_370 = arith.extui %ge3A_369 : i1 to i32
        %cond3A_371 = arith.constant 0 : i32
        %cond3A_372 = arith.cmpi ne, %convert_element_type3A_370, %cond3A_371 : i32
        scf.if %cond3A_372 {
          %dma_wait3A_384 = arith.constant 0 : i32
          %dma_wait3A_385 = tpu.memref_slice %arg6[%mul3A_2, %dma_wait3A_384] : memref<81920x256xf32, #tpu.memory_space<hbm>> -> memref<32x256xf32, #tpu.memory_space<hbm>>
          %dma_wait3A_386 = arith.constant 0 : i32
          %dma_wait3A_387 = tpu.memref_slice %arg6[%mul3A_2, %dma_wait3A_386] : memref<81920x256xf32, #tpu.memory_space<hbm>> -> memref<32x256xf32, #tpu.memory_space<hbm>>
          tpu.wait_dma2 semaphore(%arg36 : memref<!tpu.dma_semaphore, #tpu.memory_space<semaphore_mem>>) src(%arg16 : memref<32x256xf32, #tpu.memory_space<vmem>>) dst(%dma_wait3A_387 : memref<32x256xf32, #tpu.memory_space<hbm>>)
          %dma_wait3A_388 = arith.constant 0 : i32
          %dma_wait3A_389 = tpu.memref_slice %arg7[%mul3A_2, %dma_wait3A_388] : memref<81920x256xf32, #tpu.memory_space<hbm>> -> memref<32x256xf32, #tpu.memory_space<hbm>>
          %dma_wait3A_390 = arith.constant 0 : i32
          %dma_wait3A_391 = tpu.memref_slice %arg7[%mul3A_2, %dma_wait3A_390] : memref<81920x256xf32, #tpu.memory_space<hbm>> -> memref<32x256xf32, #tpu.memory_space<hbm>>
          tpu.wait_dma2 semaphore(%arg36 : memref<!tpu.dma_semaphore, #tpu.memory_space<semaphore_mem>>) src(%arg21 : memref<32x256xf32, #tpu.memory_space<vmem>>) dst(%dma_wait3A_391 : memref<32x256xf32, #tpu.memory_space<hbm>>)
          %dma_wait3A_392 = tpu.memref_slice %arg8[%mul3A_2] : memref<81920xi32, #tpu.memory_space<hbm>> -> memref<32xi32, #tpu.memory_space<hbm>>
          %dma_wait3A_393 = tpu.memref_slice %arg8[%mul3A_2] : memref<81920xi32, #tpu.memory_space<hbm>> -> memref<32xi32, #tpu.memory_space<hbm>>
          tpu.wait_dma2 semaphore(%arg36 : memref<!tpu.dma_semaphore, #tpu.memory_space<semaphore_mem>>) src(%arg26 : memref<32xi32, #tpu.memory_space<vmem>>) dst(%dma_wait3A_393 : memref<32xi32, #tpu.memory_space<hbm>>)
        } else {
        }
        %mul3A_373 = arith.constant 32 : i32
        %mul3A_374 = arith.muli %sub3A_102, %mul3A_373 : i32
        %multiple_of3A_375 = tpu.assume_multiple %mul3A_374, 32 : i32
        %dma_start3A_376 = tpu.memref_slice %arg10[%multiple_of3A_375] : memref<2560xi32, #tpu.memory_space<vmem>> -> memref<32xi32, #tpu.memory_space<vmem>>
        %dma_start3A_377 = arith.constant 0 : i32
        %dma_start3A_378 = arith.constant 0 : i32
        %dma_start3A_379 = tpu.memref_slice %arg2[%dma_start3A_377, %dma_start3A_378] : memref<10000x256xf32, #tpu.memory_space<hbm>> -> memref<10000x256xf32, #tpu.memory_space<hbm>>
        tpu.enqueue_indirect_dma source(%dma_start3A_379 : memref<10000x256xf32, #tpu.memory_space<hbm>>) target(%arg16 : memref<32x256xf32, #tpu.memory_space<vmem>>) offsets(%dma_start3A_376 : memref<32xi32, #tpu.memory_space<vmem>>) semaphore(%arg31 : memref<!tpu.dma_semaphore, #tpu.memory_space<semaphore_mem>>)
        %dma_start3A_380 = tpu.memref_slice %arg11[%multiple_of3A_375] : memref<2560xi32, #tpu.memory_space<vmem>> -> memref<32xi32, #tpu.memory_space<vmem>>
        %dma_start3A_381 = arith.constant 0 : i32
        %dma_start3A_382 = arith.constant 0 : i32
        %dma_start3A_383 = tpu.memref_slice %arg2[%dma_start3A_381, %dma_start3A_382] : memref<10000x256xf32, #tpu.memory_space<hbm>> -> memref<10000x256xf32, #tpu.memory_space<hbm>>
        tpu.enqueue_indirect_dma source(%dma_start3A_383 : memref<10000x256xf32, #tpu.memory_space<hbm>>) target(%arg21 : memref<32x256xf32, #tpu.memory_space<vmem>>) offsets(%dma_start3A_380 : memref<32xi32, #tpu.memory_space<vmem>>) semaphore(%arg31 : memref<!tpu.dma_semaphore, #tpu.memory_space<semaphore_mem>>)
      } else {
      }
      %mul3A_105 = arith.constant 32 : i32
      %mul3A_106 = arith.muli %add3A_99, %mul3A_105 : i32
      %add3A_107 = arith.constant 0 : i32
      %add3A_108 = arith.addi %mul3A_106, %add3A_107 : i32
      %get3A = arith.index_cast %add3A_108 : i32 to index
      %get3A_109 = tpu.vector_load %arg10[%get3A] {strides = array<i32>} : memref<2560xi32, #tpu.memory_space<vmem>>, vector<16xi32>,
      %gather3A = tpu.vector_load_idx %arg9[%get3A_109] : memref<10000xi32, #tpu.memory_space<vmem>>[vector<16xi32>], vector<16xi32>,
      %swap3A = arith.constant 0 : index
      %swap3A_110 = tpu.vector_load %arg22[%swap3A] {strides = array<i32>} : memref<32xi32, #tpu.memory_space<vmem>>, vector<16xi32>,
      tpu.vector_store %arg22[%swap3A], %gather3A {strides = array<i32>} : memref<32xi32, #tpu.memory_space<vmem>>, vector<16xi32>,
      %mul3A_111 = arith.constant 32 : i32
      %mul3A_112 = arith.muli %add3A_99, %mul3A_111 : i32
      %add3A_113 = arith.constant 16 : i32
      %add3A_114 = arith.addi %mul3A_112, %add3A_113 : i32
      %get3A_115 = arith.index_cast %add3A_114 : i32 to index
      %get3A_116 = tpu.vector_load %arg10[%get3A_115] {strides = array<i32>} : memref<2560xi32, #tpu.memory_space<vmem>>, vector<16xi32>,
      %gather3A_117 = tpu.vector_load_idx %arg9[%get3A_116] : memref<10000xi32, #tpu.memory_space<vmem>>[vector<16xi32>], vector<16xi32>,
      %swap3A_118 = arith.constant 16 : index
      %swap3A_119 = tpu.vector_load %arg22[%swap3A_118] {strides = array<i32>} : memref<32xi32, #tpu.memory_space<vmem>>, vector<16xi32>,
      tpu.vector_store %arg22[%swap3A_118], %gather3A_117 {strides = array<i32>} : memref<32xi32, #tpu.memory_space<vmem>>, vector<16xi32>,
      %mul3A_120 = arith.constant 32 : i32
      %mul3A_121 = arith.muli %add3A_99, %mul3A_120 : i32
      %multiple_of3A_122 = tpu.assume_multiple %mul3A_121, 32 : i32
      %dma_wait3A_123 = tpu.memref_slice %arg10[%multiple_of3A_122] : memref<2560xi32, #tpu.memory_space<vmem>> -> memref<32xi32, #tpu.memory_space<vmem>>
      %dma_wait3A_124 = arith.constant 0 : i32
      %dma_wait3A_125 = arith.constant 0 : i32
      %dma_wait3A_126 = tpu.memref_slice %arg2[%dma_wait3A_124, %dma_wait3A_125] : memref<10000x256xf32, #tpu.memory_space<hbm>> -> memref<10000x256xf32, #tpu.memory_space<hbm>>
      tpu.wait_indirect_dma semaphore(%arg27 : memref<!tpu.dma_semaphore, #tpu.memory_space<semaphore_mem>>) src(%dma_wait3A_126 : memref<10000x256xf32, #tpu.memory_space<hbm>>) dst(%arg12 : memref<32x256xf32, #tpu.memory_space<vmem>>)
      %dma_wait3A_127 = tpu.memref_slice %arg11[%multiple_of3A_122] : memref<2560xi32, #tpu.memory_space<vmem>> -> memref<32xi32, #tpu.memory_space<vmem>>
      %dma_wait3A_128 = arith.constant 0 : i32
      %dma_wait3A_129 = arith.constant 0 : i32
      %dma_wait3A_130 = tpu.memref_slice %arg2[%dma_wait3A_128, %dma_wait3A_129] : memref<10000x256xf32, #tpu.memory_space<hbm>> -> memref<10000x256xf32, #tpu.memory_space<hbm>>
      tpu.wait_indirect_dma semaphore(%arg27 : memref<!tpu.dma_semaphore, #tpu.memory_space<semaphore_mem>>) src(%dma_wait3A_130 : memref<10000x256xf32, #tpu.memory_space<hbm>>) dst(%arg17 : memref<32x256xf32, #tpu.memory_space<vmem>>)
      %mul3A_131 = arith.constant 32 : i32
      %mul3A_132 = arith.muli %add3A_99, %mul3A_131 : i32
      %add3A_133 = arith.addi %mul3A_2, %mul3A_132 : i32
      %multiple_of3A_134 = tpu.assume_multiple %add3A_133, 32 : i32
      %dma_start3A_135 = arith.constant 0 : i32
      %dma_start3A_136 = tpu.memref_slice %arg6[%multiple_of3A_134, %dma_start3A_135] : memref<81920x256xf32, #tpu.memory_space<hbm>> -> memref<32x256xf32, #tpu.memory_space<hbm>>
      %dma_start3A_137 = arith.constant 0 : i32
      %dma_start3A_138 = tpu.memref_slice %arg6[%multiple_of3A_134, %dma_start3A_137] : memref<81920x256xf32, #tpu.memory_space<hbm>> -> memref<32x256xf32, #tpu.memory_space<hbm>>
      tpu.enqueue_dma source(%arg12 : memref<32x256xf32, #tpu.memory_space<vmem>>) target(%dma_start3A_138 : memref<32x256xf32, #tpu.memory_space<hbm>>) target_semaphore(%arg32 : memref<!tpu.dma_semaphore, #tpu.memory_space<semaphore_mem>>)
      %dma_start3A_139 = arith.constant 0 : i32
      %dma_start3A_140 = tpu.memref_slice %arg7[%multiple_of3A_134, %dma_start3A_139] : memref<81920x256xf32, #tpu.memory_space<hbm>> -> memref<32x256xf32, #tpu.memory_space<hbm>>
      %dma_start3A_141 = arith.constant 0 : i32
      %dma_start3A_142 = tpu.memref_slice %arg7[%multiple_of3A_134, %dma_start3A_141] : memref<81920x256xf32, #tpu.memory_space<hbm>> -> memref<32x256xf32, #tpu.memory_space<hbm>>
      tpu.enqueue_dma source(%arg17 : memref<32x256xf32, #tpu.memory_space<vmem>>) target(%dma_start3A_142 : memref<32x256xf32, #tpu.memory_space<hbm>>) target_semaphore(%arg32 : memref<!tpu.dma_semaphore, #tpu.memory_space<semaphore_mem>>)
      %dma_start3A_143 = tpu.memref_slice %arg8[%multiple_of3A_134] : memref<81920xi32, #tpu.memory_space<hbm>> -> memref<32xi32, #tpu.memory_space<hbm>>
      %dma_start3A_144 = tpu.memref_slice %arg8[%multiple_of3A_134] : memref<81920xi32, #tpu.memory_space<hbm>> -> memref<32xi32, #tpu.memory_space<hbm>>
      tpu.enqueue_dma source(%arg22 : memref<32xi32, #tpu.memory_space<vmem>>) target(%dma_start3A_144 : memref<32xi32, #tpu.memory_space<hbm>>) target_semaphore(%arg32 : memref<!tpu.dma_semaphore, #tpu.memory_space<semaphore_mem>>)
      %mul3A_145 = arith.constant 5 : i32
      %mul3A_146 = arith.muli %scan3A_95, %mul3A_145 : i32
      %add3A_147 = arith.constant 1 : i32
      %add3A_148 = arith.addi %mul3A_146, %add3A_147 : i32
      %add3A_149 = arith.constant 5 : i32
      %add3A_150 = arith.addi %add3A_148, %add3A_149 : i32
      %sub3A_151 = arith.constant 1 : i32
      %sub3A_152 = arith.subi %add3A_150, %sub3A_151 : i32
      %lt3A_153 = arith.constant 80 : i32
      %lt3A_154 = arith.cmpi slt, %sub3A_152, %lt3A_153 : i32
      %convert_element_type3A_155 = arith.extui %lt3A_154 : i1 to i32
      %cond3A_156 = arith.constant 0 : i32
      %cond3A_157 = arith.cmpi ne, %convert_element_type3A_155, %cond3A_156 : i32
      scf.if %cond3A_157 {
        %ge3A = arith.constant 5 : i32
        %ge3A_369 = arith.cmpi sge, %sub3A_152, %ge3A : i32
        %convert_element_type3A_370 = arith.extui %ge3A_369 : i1 to i32
        %cond3A_371 = arith.constant 0 : i32
        %cond3A_372 = arith.cmpi ne, %convert_element_type3A_370, %cond3A_371 : i32
        scf.if %cond3A_372 {
          %dma_wait3A_384 = arith.constant 0 : i32
          %dma_wait3A_385 = tpu.memref_slice %arg6[%mul3A_2, %dma_wait3A_384] : memref<81920x256xf32, #tpu.memory_space<hbm>> -> memref<32x256xf32, #tpu.memory_space<hbm>>
          %dma_wait3A_386 = arith.constant 0 : i32
          %dma_wait3A_387 = tpu.memref_slice %arg6[%mul3A_2, %dma_wait3A_386] : memref<81920x256xf32, #tpu.memory_space<hbm>> -> memref<32x256xf32, #tpu.memory_space<hbm>>
          tpu.wait_dma2 semaphore(%arg32 : memref<!tpu.dma_semaphore, #tpu.memory_space<semaphore_mem>>) src(%arg12 : memref<32x256xf32, #tpu.memory_space<vmem>>) dst(%dma_wait3A_387 : memref<32x256xf32, #tpu.memory_space<hbm>>)
          %dma_wait3A_388 = arith.constant 0 : i32
          %dma_wait3A_389 = tpu.memref_slice %arg7[%mul3A_2, %dma_wait3A_388] : memref<81920x256xf32, #tpu.memory_space<hbm>> -> memref<32x256xf32, #tpu.memory_space<hbm>>
          %dma_wait3A_390 = arith.constant 0 : i32
          %dma_wait3A_391 = tpu.memref_slice %arg7[%mul3A_2, %dma_wait3A_390] : memref<81920x256xf32, #tpu.memory_space<hbm>> -> memref<32x256xf32, #tpu.memory_space<hbm>>
          tpu.wait_dma2 semaphore(%arg32 : memref<!tpu.dma_semaphore, #tpu.memory_space<semaphore_mem>>) src(%arg17 : memref<32x256xf32, #tpu.memory_space<vmem>>) dst(%dma_wait3A_391 : memref<32x256xf32, #tpu.memory_space<hbm>>)
          %dma_wait3A_392 = tpu.memref_slice %arg8[%mul3A_2] : memref<81920xi32, #tpu.memory_space<hbm>> -> memref<32xi32, #tpu.memory_space<hbm>>
          %dma_wait3A_393 = tpu.memref_slice %arg8[%mul3A_2] : memref<81920xi32, #tpu.memory_space<hbm>> -> memref<32xi32, #tpu.memory_space<hbm>>
          tpu.wait_dma2 semaphore(%arg32 : memref<!tpu.dma_semaphore, #tpu.memory_space<semaphore_mem>>) src(%arg22 : memref<32xi32, #tpu.memory_space<vmem>>) dst(%dma_wait3A_393 : memref<32xi32, #tpu.memory_space<hbm>>)
        } else {
        }
        %mul3A_373 = arith.constant 32 : i32
        %mul3A_374 = arith.muli %sub3A_152, %mul3A_373 : i32
        %multiple_of3A_375 = tpu.assume_multiple %mul3A_374, 32 : i32
        %dma_start3A_376 = tpu.memref_slice %arg10[%multiple_of3A_375] : memref<2560xi32, #tpu.memory_space<vmem>> -> memref<32xi32, #tpu.memory_space<vmem>>
        %dma_start3A_377 = arith.constant 0 : i32
        %dma_start3A_378 = arith.constant 0 : i32
        %dma_start3A_379 = tpu.memref_slice %arg2[%dma_start3A_377, %dma_start3A_378] : memref<10000x256xf32, #tpu.memory_space<hbm>> -> memref<10000x256xf32, #tpu.memory_space<hbm>>
        tpu.enqueue_indirect_dma source(%dma_start3A_379 : memref<10000x256xf32, #tpu.memory_space<hbm>>) target(%arg12 : memref<32x256xf32, #tpu.memory_space<vmem>>) offsets(%dma_start3A_376 : memref<32xi32, #tpu.memory_space<vmem>>) semaphore(%arg27 : memref<!tpu.dma_semaphore, #tpu.memory_space<semaphore_mem>>)
        %dma_start3A_380 = tpu.memref_slice %arg11[%multiple_of3A_375] : memref<2560xi32, #tpu.memory_space<vmem>> -> memref<32xi32, #tpu.memory_space<vmem>>
        %dma_start3A_381 = arith.constant 0 : i32
        %dma_start3A_382 = arith.constant 0 : i32
        %dma_start3A_383 = tpu.memref_slice %arg2[%dma_start3A_381, %dma_start3A_382] : memref<10000x256xf32, #tpu.memory_space<hbm>> -> memref<10000x256xf32, #tpu.memory_space<hbm>>
        tpu.enqueue_indirect_dma source(%dma_start3A_383 : memref<10000x256xf32, #tpu.memory_space<hbm>>) target(%arg17 : memref<32x256xf32, #tpu.memory_space<vmem>>) offsets(%dma_start3A_380 : memref<32xi32, #tpu.memory_space<vmem>>) semaphore(%arg27 : memref<!tpu.dma_semaphore, #tpu.memory_space<semaphore_mem>>)
      } else {
      }
      %mul3A_158 = arith.constant 32 : i32
      %mul3A_159 = arith.muli %add3A_148, %mul3A_158 : i32
      %add3A_160 = arith.constant 0 : i32
      %add3A_161 = arith.addi %mul3A_159, %add3A_160 : i32
      %get3A_162 = arith.index_cast %add3A_161 : i32 to index
      %get3A_163 = tpu.vector_load %arg10[%get3A_162] {strides = array<i32>} : memref<2560xi32, #tpu.memory_space<vmem>>, vector<16xi32>,
      %gather3A_164 = tpu.vector_load_idx %arg9[%get3A_163] : memref<10000xi32, #tpu.memory_space<vmem>>[vector<16xi32>], vector<16xi32>,
      %swap3A_165 = arith.constant 0 : index
      %swap3A_166 = tpu.vector_load %arg23[%swap3A_165] {strides = array<i32>} : memref<32xi32, #tpu.memory_space<vmem>>, vector<16xi32>,
      tpu.vector_store %arg23[%swap3A_165], %gather3A_164 {strides = array<i32>} : memref<32xi32, #tpu.memory_space<vmem>>, vector<16xi32>,
      %mul3A_167 = arith.constant 32 : i32
      %mul3A_168 = arith.muli %add3A_148, %mul3A_167 : i32
      %add3A_169 = arith.constant 16 : i32
      %add3A_170 = arith.addi %mul3A_168, %add3A_169 : i32
      %get3A_171 = arith.index_cast %add3A_170 : i32 to index
      %get3A_172 = tpu.vector_load %arg10[%get3A_171] {strides = array<i32>} : memref<2560xi32, #tpu.memory_space<vmem>>, vector<16xi32>,
      %gather3A_173 = tpu.vector_load_idx %arg9[%get3A_172] : memref<10000xi32, #tpu.memory_space<vmem>>[vector<16xi32>], vector<16xi32>,
      %swap3A_174 = arith.constant 16 : index
      %swap3A_175 = tpu.vector_load %arg23[%swap3A_174] {strides = array<i32>} : memref<32xi32, #tpu.memory_space<vmem>>, vector<16xi32>,
      tpu.vector_store %arg23[%swap3A_174], %gather3A_173 {strides = array<i32>} : memref<32xi32, #tpu.memory_space<vmem>>, vector<16xi32>,
      %mul3A_176 = arith.constant 32 : i32
      %mul3A_177 = arith.muli %add3A_148, %mul3A_176 : i32
      %multiple_of3A_178 = tpu.assume_multiple %mul3A_177, 32 : i32
      %dma_wait3A_179 = tpu.memref_slice %arg10[%multiple_of3A_178] : memref<2560xi32, #tpu.memory_space<vmem>> -> memref<32xi32, #tpu.memory_space<vmem>>
      %dma_wait3A_180 = arith.constant 0 : i32
      %dma_wait3A_181 = arith.constant 0 : i32
      %dma_wait3A_182 = tpu.memref_slice %arg2[%dma_wait3A_180, %dma_wait3A_181] : memref<10000x256xf32, #tpu.memory_space<hbm>> -> memref<10000x256xf32, #tpu.memory_space<hbm>>
      tpu.wait_indirect_dma semaphore(%arg28 : memref<!tpu.dma_semaphore, #tpu.memory_space<semaphore_mem>>) src(%dma_wait3A_182 : memref<10000x256xf32, #tpu.memory_space<hbm>>) dst(%arg13 : memref<32x256xf32, #tpu.memory_space<vmem>>)
      %dma_wait3A_183 = tpu.memref_slice %arg11[%multiple_of3A_178] : memref<2560xi32, #tpu.memory_space<vmem>> -> memref<32xi32, #tpu.memory_space<vmem>>
      %dma_wait3A_184 = arith.constant 0 : i32
      %dma_wait3A_185 = arith.constant 0 : i32
      %dma_wait3A_186 = tpu.memref_slice %arg2[%dma_wait3A_184, %dma_wait3A_185] : memref<10000x256xf32, #tpu.memory_space<hbm>> -> memref<10000x256xf32, #tpu.memory_space<hbm>>
      tpu.wait_indirect_dma semaphore(%arg28 : memref<!tpu.dma_semaphore, #tpu.memory_space<semaphore_mem>>) src(%dma_wait3A_186 : memref<10000x256xf32, #tpu.memory_space<hbm>>) dst(%arg18 : memref<32x256xf32, #tpu.memory_space<vmem>>)
      %mul3A_187 = arith.constant 32 : i32
      %mul3A_188 = arith.muli %add3A_148, %mul3A_187 : i32
      %add3A_189 = arith.addi %mul3A_2, %mul3A_188 : i32
      %multiple_of3A_190 = tpu.assume_multiple %add3A_189, 32 : i32
      %dma_start3A_191 = arith.constant 0 : i32
      %dma_start3A_192 = tpu.memref_slice %arg6[%multiple_of3A_190, %dma_start3A_191] : memref<81920x256xf32, #tpu.memory_space<hbm>> -> memref<32x256xf32, #tpu.memory_space<hbm>>
      %dma_start3A_193 = arith.constant 0 : i32
      %dma_start3A_194 = tpu.memref_slice %arg6[%multiple_of3A_190, %dma_start3A_193] : memref<81920x256xf32, #tpu.memory_space<hbm>> -> memref<32x256xf32, #tpu.memory_space<hbm>>
      tpu.enqueue_dma source(%arg13 : memref<32x256xf32, #tpu.memory_space<vmem>>) target(%dma_start3A_194 : memref<32x256xf32, #tpu.memory_space<hbm>>) target_semaphore(%arg33 : memref<!tpu.dma_semaphore, #tpu.memory_space<semaphore_mem>>)
      %dma_start3A_195 = arith.constant 0 : i32
      %dma_start3A_196 = tpu.memref_slice %arg7[%multiple_of3A_190, %dma_start3A_195] : memref<81920x256xf32, #tpu.memory_space<hbm>> -> memref<32x256xf32, #tpu.memory_space<hbm>>
      %dma_start3A_197 = arith.constant 0 : i32
      %dma_start3A_198 = tpu.memref_slice %arg7[%multiple_of3A_190, %dma_start3A_197] : memref<81920x256xf32, #tpu.memory_space<hbm>> -> memref<32x256xf32, #tpu.memory_space<hbm>>
      tpu.enqueue_dma source(%arg18 : memref<32x256xf32, #tpu.memory_space<vmem>>) target(%dma_start3A_198 : memref<32x256xf32, #tpu.memory_space<hbm>>) target_semaphore(%arg33 : memref<!tpu.dma_semaphore, #tpu.memory_space<semaphore_mem>>)
      %dma_start3A_199 = tpu.memref_slice %arg8[%multiple_of3A_190] : memref<81920xi32, #tpu.memory_space<hbm>> -> memref<32xi32, #tpu.memory_space<hbm>>
      %dma_start3A_200 = tpu.memref_slice %arg8[%multiple_of3A_190] : memref<81920xi32, #tpu.memory_space<hbm>> -> memref<32xi32, #tpu.memory_space<hbm>>
      tpu.enqueue_dma source(%arg23 : memref<32xi32, #tpu.memory_space<vmem>>) target(%dma_start3A_200 : memref<32xi32, #tpu.memory_space<hbm>>) target_semaphore(%arg33 : memref<!tpu.dma_semaphore, #tpu.memory_space<semaphore_mem>>)
      %mul3A_201 = arith.constant 5 : i32
      %mul3A_202 = arith.muli %scan3A_95, %mul3A_201 : i32
      %add3A_203 = arith.constant 2 : i32
      %add3A_204 = arith.addi %mul3A_202, %add3A_203 : i32
      %add3A_205 = arith.constant 5 : i32
      %add3A_206 = arith.addi %add3A_204, %add3A_205 : i32
      %sub3A_207 = arith.constant 1 : i32
      %sub3A_208 = arith.subi %add3A_206, %sub3A_207 : i32
      %lt3A_209 = arith.constant 80 : i32
      %lt3A_210 = arith.cmpi slt, %sub3A_208, %lt3A_209 : i32
      %convert_element_type3A_211 = arith.extui %lt3A_210 : i1 to i32
      %cond3A_212 = arith.constant 0 : i32
      %cond3A_213 = arith.cmpi ne, %convert_element_type3A_211, %cond3A_212 : i32
      scf.if %cond3A_213 {
        %ge3A = arith.constant 5 : i32
        %ge3A_369 = arith.cmpi sge, %sub3A_208, %ge3A : i32
        %convert_element_type3A_370 = arith.extui %ge3A_369 : i1 to i32
        %cond3A_371 = arith.constant 0 : i32
        %cond3A_372 = arith.cmpi ne, %convert_element_type3A_370, %cond3A_371 : i32
        scf.if %cond3A_372 {
          %dma_wait3A_384 = arith.constant 0 : i32
          %dma_wait3A_385 = tpu.memref_slice %arg6[%mul3A_2, %dma_wait3A_384] : memref<81920x256xf32, #tpu.memory_space<hbm>> -> memref<32x256xf32, #tpu.memory_space<hbm>>
          %dma_wait3A_386 = arith.constant 0 : i32
          %dma_wait3A_387 = tpu.memref_slice %arg6[%mul3A_2, %dma_wait3A_386] : memref<81920x256xf32, #tpu.memory_space<hbm>> -> memref<32x256xf32, #tpu.memory_space<hbm>>
          tpu.wait_dma2 semaphore(%arg33 : memref<!tpu.dma_semaphore, #tpu.memory_space<semaphore_mem>>) src(%arg13 : memref<32x256xf32, #tpu.memory_space<vmem>>) dst(%dma_wait3A_387 : memref<32x256xf32, #tpu.memory_space<hbm>>)
          %dma_wait3A_388 = arith.constant 0 : i32
          %dma_wait3A_389 = tpu.memref_slice %arg7[%mul3A_2, %dma_wait3A_388] : memref<81920x256xf32, #tpu.memory_space<hbm>> -> memref<32x256xf32, #tpu.memory_space<hbm>>
          %dma_wait3A_390 = arith.constant 0 : i32
          %dma_wait3A_391 = tpu.memref_slice %arg7[%mul3A_2, %dma_wait3A_390] : memref<81920x256xf32, #tpu.memory_space<hbm>> -> memref<32x256xf32, #tpu.memory_space<hbm>>
          tpu.wait_dma2 semaphore(%arg33 : memref<!tpu.dma_semaphore, #tpu.memory_space<semaphore_mem>>) src(%arg18 : memref<32x256xf32, #tpu.memory_space<vmem>>) dst(%dma_wait3A_391 : memref<32x256xf32, #tpu.memory_space<hbm>>)
          %dma_wait3A_392 = tpu.memref_slice %arg8[%mul3A_2] : memref<81920xi32, #tpu.memory_space<hbm>> -> memref<32xi32, #tpu.memory_space<hbm>>
          %dma_wait3A_393 = tpu.memref_slice %arg8[%mul3A_2] : memref<81920xi32, #tpu.memory_space<hbm>> -> memref<32xi32, #tpu.memory_space<hbm>>
          tpu.wait_dma2 semaphore(%arg33 : memref<!tpu.dma_semaphore, #tpu.memory_space<semaphore_mem>>) src(%arg23 : memref<32xi32, #tpu.memory_space<vmem>>) dst(%dma_wait3A_393 : memref<32xi32, #tpu.memory_space<hbm>>)
        } else {
        }
        %mul3A_373 = arith.constant 32 : i32
        %mul3A_374 = arith.muli %sub3A_208, %mul3A_373 : i32
        %multiple_of3A_375 = tpu.assume_multiple %mul3A_374, 32 : i32
        %dma_start3A_376 = tpu.memref_slice %arg10[%multiple_of3A_375] : memref<2560xi32, #tpu.memory_space<vmem>> -> memref<32xi32, #tpu.memory_space<vmem>>
        %dma_start3A_377 = arith.constant 0 : i32
        %dma_start3A_378 = arith.constant 0 : i32
        %dma_start3A_379 = tpu.memref_slice %arg2[%dma_start3A_377, %dma_start3A_378] : memref<10000x256xf32, #tpu.memory_space<hbm>> -> memref<10000x256xf32, #tpu.memory_space<hbm>>
        tpu.enqueue_indirect_dma source(%dma_start3A_379 : memref<10000x256xf32, #tpu.memory_space<hbm>>) target(%arg13 : memref<32x256xf32, #tpu.memory_space<vmem>>) offsets(%dma_start3A_376 : memref<32xi32, #tpu.memory_space<vmem>>) semaphore(%arg28 : memref<!tpu.dma_semaphore, #tpu.memory_space<semaphore_mem>>)
        %dma_start3A_380 = tpu.memref_slice %arg11[%multiple_of3A_375] : memref<2560xi32, #tpu.memory_space<vmem>> -> memref<32xi32, #tpu.memory_space<vmem>>
        %dma_start3A_381 = arith.constant 0 : i32
        %dma_start3A_382 = arith.constant 0 : i32
        %dma_start3A_383 = tpu.memref_slice %arg2[%dma_start3A_381, %dma_start3A_382] : memref<10000x256xf32, #tpu.memory_space<hbm>> -> memref<10000x256xf32, #tpu.memory_space<hbm>>
        tpu.enqueue_indirect_dma source(%dma_start3A_383 : memref<10000x256xf32, #tpu.memory_space<hbm>>) target(%arg18 : memref<32x256xf32, #tpu.memory_space<vmem>>) offsets(%dma_start3A_380 : memref<32xi32, #tpu.memory_space<vmem>>) semaphore(%arg28 : memref<!tpu.dma_semaphore, #tpu.memory_space<semaphore_mem>>)
      } else {
      }
      %mul3A_214 = arith.constant 32 : i32
      %mul3A_215 = arith.muli %add3A_204, %mul3A_214 : i32
      %add3A_216 = arith.constant 0 : i32
      %add3A_217 = arith.addi %mul3A_215, %add3A_216 : i32
      %get3A_218 = arith.index_cast %add3A_217 : i32 to index
      %get3A_219 = tpu.vector_load %arg10[%get3A_218] {strides = array<i32>} : memref<2560xi32, #tpu.memory_space<vmem>>, vector<16xi32>,
      %gather3A_220 = tpu.vector_load_idx %arg9[%get3A_219] : memref<10000xi32, #tpu.memory_space<vmem>>[vector<16xi32>], vector<16xi32>,
      %swap3A_221 = arith.constant 0 : index
      %swap3A_222 = tpu.vector_load %arg24[%swap3A_221] {strides = array<i32>} : memref<32xi32, #tpu.memory_space<vmem>>, vector<16xi32>,
      tpu.vector_store %arg24[%swap3A_221], %gather3A_220 {strides = array<i32>} : memref<32xi32, #tpu.memory_space<vmem>>, vector<16xi32>,
      %mul3A_223 = arith.constant 32 : i32
      %mul3A_224 = arith.muli %add3A_204, %mul3A_223 : i32
      %add3A_225 = arith.constant 16 : i32
      %add3A_226 = arith.addi %mul3A_224, %add3A_225 : i32
      %get3A_227 = arith.index_cast %add3A_226 : i32 to index
      %get3A_228 = tpu.vector_load %arg10[%get3A_227] {strides = array<i32>} : memref<2560xi32, #tpu.memory_space<vmem>>, vector<16xi32>,
      %gather3A_229 = tpu.vector_load_idx %arg9[%get3A_228] : memref<10000xi32, #tpu.memory_space<vmem>>[vector<16xi32>], vector<16xi32>,
      %swap3A_230 = arith.constant 16 : index
      %swap3A_231 = tpu.vector_load %arg24[%swap3A_230] {strides = array<i32>} : memref<32xi32, #tpu.memory_space<vmem>>, vector<16xi32>,
      tpu.vector_store %arg24[%swap3A_230], %gather3A_229 {strides = array<i32>} : memref<32xi32, #tpu.memory_space<vmem>>, vector<16xi32>,
      %mul3A_232 = arith.constant 32 : i32
      %mul3A_233 = arith.muli %add3A_204, %mul3A_232 : i32
      %multiple_of3A_234 = tpu.assume_multiple %mul3A_233, 32 : i32
      %dma_wait3A_235 = tpu.memref_slice %arg10[%multiple_of3A_234] : memref<2560xi32, #tpu.memory_space<vmem>> -> memref<32xi32, #tpu.memory_space<vmem>>
      %dma_wait3A_236 = arith.constant 0 : i32
      %dma_wait3A_237 = arith.constant 0 : i32
      %dma_wait3A_238 = tpu.memref_slice %arg2[%dma_wait3A_236, %dma_wait3A_237] : memref<10000x256xf32, #tpu.memory_space<hbm>> -> memref<10000x256xf32, #tpu.memory_space<hbm>>
      tpu.wait_indirect_dma semaphore(%arg29 : memref<!tpu.dma_semaphore, #tpu.memory_space<semaphore_mem>>) src(%dma_wait3A_238 : memref<10000x256xf32, #tpu.memory_space<hbm>>) dst(%arg14 : memref<32x256xf32, #tpu.memory_space<vmem>>)
      %dma_wait3A_239 = tpu.memref_slice %arg11[%multiple_of3A_234] : memref<2560xi32, #tpu.memory_space<vmem>> -> memref<32xi32, #tpu.memory_space<vmem>>
      %dma_wait3A_240 = arith.constant 0 : i32
      %dma_wait3A_241 = arith.constant 0 : i32
      %dma_wait3A_242 = tpu.memref_slice %arg2[%dma_wait3A_240, %dma_wait3A_241] : memref<10000x256xf32, #tpu.memory_space<hbm>> -> memref<10000x256xf32, #tpu.memory_space<hbm>>
      tpu.wait_indirect_dma semaphore(%arg29 : memref<!tpu.dma_semaphore, #tpu.memory_space<semaphore_mem>>) src(%dma_wait3A_242 : memref<10000x256xf32, #tpu.memory_space<hbm>>) dst(%arg19 : memref<32x256xf32, #tpu.memory_space<vmem>>)
      %mul3A_243 = arith.constant 32 : i32
      %mul3A_244 = arith.muli %add3A_204, %mul3A_243 : i32
      %add3A_245 = arith.addi %mul3A_2, %mul3A_244 : i32
      %multiple_of3A_246 = tpu.assume_multiple %add3A_245, 32 : i32
      %dma_start3A_247 = arith.constant 0 : i32
      %dma_start3A_248 = tpu.memref_slice %arg6[%multiple_of3A_246, %dma_start3A_247] : memref<81920x256xf32, #tpu.memory_space<hbm>> -> memref<32x256xf32, #tpu.memory_space<hbm>>
      %dma_start3A_249 = arith.constant 0 : i32
      %dma_start3A_250 = tpu.memref_slice %arg6[%multiple_of3A_246, %dma_start3A_249] : memref<81920x256xf32, #tpu.memory_space<hbm>> -> memref<32x256xf32, #tpu.memory_space<hbm>>
      tpu.enqueue_dma source(%arg14 : memref<32x256xf32, #tpu.memory_space<vmem>>) target(%dma_start3A_250 : memref<32x256xf32, #tpu.memory_space<hbm>>) target_semaphore(%arg34 : memref<!tpu.dma_semaphore, #tpu.memory_space<semaphore_mem>>)
      %dma_start3A_251 = arith.constant 0 : i32
      %dma_start3A_252 = tpu.memref_slice %arg7[%multiple_of3A_246, %dma_start3A_251] : memref<81920x256xf32, #tpu.memory_space<hbm>> -> memref<32x256xf32, #tpu.memory_space<hbm>>
      %dma_start3A_253 = arith.constant 0 : i32
      %dma_start3A_254 = tpu.memref_slice %arg7[%multiple_of3A_246, %dma_start3A_253] : memref<81920x256xf32, #tpu.memory_space<hbm>> -> memref<32x256xf32, #tpu.memory_space<hbm>>
      tpu.enqueue_dma source(%arg19 : memref<32x256xf32, #tpu.memory_space<vmem>>) target(%dma_start3A_254 : memref<32x256xf32, #tpu.memory_space<hbm>>) target_semaphore(%arg34 : memref<!tpu.dma_semaphore, #tpu.memory_space<semaphore_mem>>)
      %dma_start3A_255 = tpu.memref_slice %arg8[%multiple_of3A_246] : memref<81920xi32, #tpu.memory_space<hbm>> -> memref<32xi32, #tpu.memory_space<hbm>>
      %dma_start3A_256 = tpu.memref_slice %arg8[%multiple_of3A_246] : memref<81920xi32, #tpu.memory_space<hbm>> -> memref<32xi32, #tpu.memory_space<hbm>>
      tpu.enqueue_dma source(%arg24 : memref<32xi32, #tpu.memory_space<vmem>>) target(%dma_start3A_256 : memref<32xi32, #tpu.memory_space<hbm>>) target_semaphore(%arg34 : memref<!tpu.dma_semaphore, #tpu.memory_space<semaphore_mem>>)
      %mul3A_257 = arith.constant 5 : i32
      %mul3A_258 = arith.muli %scan3A_95, %mul3A_257 : i32
      %add3A_259 = arith.constant 3 : i32
      %add3A_260 = arith.addi %mul3A_258, %add3A_259 : i32
      %add3A_261 = arith.constant 5 : i32
      %add3A_262 = arith.addi %add3A_260, %add3A_261 : i32
      %sub3A_263 = arith.constant 1 : i32
      %sub3A_264 = arith.subi %add3A_262, %sub3A_263 : i32
      %lt3A_265 = arith.constant 80 : i32
      %lt3A_266 = arith.cmpi slt, %sub3A_264, %lt3A_265 : i32
      %convert_element_type3A_267 = arith.extui %lt3A_266 : i1 to i32
      %cond3A_268 = arith.constant 0 : i32
      %cond3A_269 = arith.cmpi ne, %convert_element_type3A_267, %cond3A_268 : i32
      scf.if %cond3A_269 {
        %ge3A = arith.constant 5 : i32
        %ge3A_369 = arith.cmpi sge, %sub3A_264, %ge3A : i32
        %convert_element_type3A_370 = arith.extui %ge3A_369 : i1 to i32
        %cond3A_371 = arith.constant 0 : i32
        %cond3A_372 = arith.cmpi ne, %convert_element_type3A_370, %cond3A_371 : i32
        scf.if %cond3A_372 {
          %dma_wait3A_384 = arith.constant 0 : i32
          %dma_wait3A_385 = tpu.memref_slice %arg6[%mul3A_2, %dma_wait3A_384] : memref<81920x256xf32, #tpu.memory_space<hbm>> -> memref<32x256xf32, #tpu.memory_space<hbm>>
          %dma_wait3A_386 = arith.constant 0 : i32
          %dma_wait3A_387 = tpu.memref_slice %arg6[%mul3A_2, %dma_wait3A_386] : memref<81920x256xf32, #tpu.memory_space<hbm>> -> memref<32x256xf32, #tpu.memory_space<hbm>>
          tpu.wait_dma2 semaphore(%arg34 : memref<!tpu.dma_semaphore, #tpu.memory_space<semaphore_mem>>) src(%arg14 : memref<32x256xf32, #tpu.memory_space<vmem>>) dst(%dma_wait3A_387 : memref<32x256xf32, #tpu.memory_space<hbm>>)
          %dma_wait3A_388 = arith.constant 0 : i32
          %dma_wait3A_389 = tpu.memref_slice %arg7[%mul3A_2, %dma_wait3A_388] : memref<81920x256xf32, #tpu.memory_space<hbm>> -> memref<32x256xf32, #tpu.memory_space<hbm>>
          %dma_wait3A_390 = arith.constant 0 : i32
          %dma_wait3A_391 = tpu.memref_slice %arg7[%mul3A_2, %dma_wait3A_390] : memref<81920x256xf32, #tpu.memory_space<hbm>> -> memref<32x256xf32, #tpu.memory_space<hbm>>
          tpu.wait_dma2 semaphore(%arg34 : memref<!tpu.dma_semaphore, #tpu.memory_space<semaphore_mem>>) src(%arg19 : memref<32x256xf32, #tpu.memory_space<vmem>>) dst(%dma_wait3A_391 : memref<32x256xf32, #tpu.memory_space<hbm>>)
          %dma_wait3A_392 = tpu.memref_slice %arg8[%mul3A_2] : memref<81920xi32, #tpu.memory_space<hbm>> -> memref<32xi32, #tpu.memory_space<hbm>>
          %dma_wait3A_393 = tpu.memref_slice %arg8[%mul3A_2] : memref<81920xi32, #tpu.memory_space<hbm>> -> memref<32xi32, #tpu.memory_space<hbm>>
          tpu.wait_dma2 semaphore(%arg34 : memref<!tpu.dma_semaphore, #tpu.memory_space<semaphore_mem>>) src(%arg24 : memref<32xi32, #tpu.memory_space<vmem>>) dst(%dma_wait3A_393 : memref<32xi32, #tpu.memory_space<hbm>>)
        } else {
        }
        %mul3A_373 = arith.constant 32 : i32
        %mul3A_374 = arith.muli %sub3A_264, %mul3A_373 : i32
        %multiple_of3A_375 = tpu.assume_multiple %mul3A_374, 32 : i32
        %dma_start3A_376 = tpu.memref_slice %arg10[%multiple_of3A_375] : memref<2560xi32, #tpu.memory_space<vmem>> -> memref<32xi32, #tpu.memory_space<vmem>>
        %dma_start3A_377 = arith.constant 0 : i32
        %dma_start3A_378 = arith.constant 0 : i32
        %dma_start3A_379 = tpu.memref_slice %arg2[%dma_start3A_377, %dma_start3A_378] : memref<10000x256xf32, #tpu.memory_space<hbm>> -> memref<10000x256xf32, #tpu.memory_space<hbm>>
        tpu.enqueue_indirect_dma source(%dma_start3A_379 : memref<10000x256xf32, #tpu.memory_space<hbm>>) target(%arg14 : memref<32x256xf32, #tpu.memory_space<vmem>>) offsets(%dma_start3A_376 : memref<32xi32, #tpu.memory_space<vmem>>) semaphore(%arg29 : memref<!tpu.dma_semaphore, #tpu.memory_space<semaphore_mem>>)
        %dma_start3A_380 = tpu.memref_slice %arg11[%multiple_of3A_375] : memref<2560xi32, #tpu.memory_space<vmem>> -> memref<32xi32, #tpu.memory_space<vmem>>
        %dma_start3A_381 = arith.constant 0 : i32
        %dma_start3A_382 = arith.constant 0 : i32
        %dma_start3A_383 = tpu.memref_slice %arg2[%dma_start3A_381, %dma_start3A_382] : memref<10000x256xf32, #tpu.memory_space<hbm>> -> memref<10000x256xf32, #tpu.memory_space<hbm>>
        tpu.enqueue_indirect_dma source(%dma_start3A_383 : memref<10000x256xf32, #tpu.memory_space<hbm>>) target(%arg19 : memref<32x256xf32, #tpu.memory_space<vmem>>) offsets(%dma_start3A_380 : memref<32xi32, #tpu.memory_space<vmem>>) semaphore(%arg29 : memref<!tpu.dma_semaphore, #tpu.memory_space<semaphore_mem>>)
      } else {
      }
      %mul3A_270 = arith.constant 32 : i32
      %mul3A_271 = arith.muli %add3A_260, %mul3A_270 : i32
      %add3A_272 = arith.constant 0 : i32
      %add3A_273 = arith.addi %mul3A_271, %add3A_272 : i32
      %get3A_274 = arith.index_cast %add3A_273 : i32 to index
      %get3A_275 = tpu.vector_load %arg10[%get3A_274] {strides = array<i32>} : memref<2560xi32, #tpu.memory_space<vmem>>, vector<16xi32>,
      %gather3A_276 = tpu.vector_load_idx %arg9[%get3A_275] : memref<10000xi32, #tpu.memory_space<vmem>>[vector<16xi32>], vector<16xi32>,
      %swap3A_277 = arith.constant 0 : index
      %swap3A_278 = tpu.vector_load %arg25[%swap3A_277] {strides = array<i32>} : memref<32xi32, #tpu.memory_space<vmem>>, vector<16xi32>,
      tpu.vector_store %arg25[%swap3A_277], %gather3A_276 {strides = array<i32>} : memref<32xi32, #tpu.memory_space<vmem>>, vector<16xi32>,
      %mul3A_279 = arith.constant 32 : i32
      %mul3A_280 = arith.muli %add3A_260, %mul3A_279 : i32
      %add3A_281 = arith.constant 16 : i32
      %add3A_282 = arith.addi %mul3A_280, %add3A_281 : i32
      %get3A_283 = arith.index_cast %add3A_282 : i32 to index
      %get3A_284 = tpu.vector_load %arg10[%get3A_283] {strides = array<i32>} : memref<2560xi32, #tpu.memory_space<vmem>>, vector<16xi32>,
      %gather3A_285 = tpu.vector_load_idx %arg9[%get3A_284] : memref<10000xi32, #tpu.memory_space<vmem>>[vector<16xi32>], vector<16xi32>,
      %swap3A_286 = arith.constant 16 : index
      %swap3A_287 = tpu.vector_load %arg25[%swap3A_286] {strides = array<i32>} : memref<32xi32, #tpu.memory_space<vmem>>, vector<16xi32>,
      tpu.vector_store %arg25[%swap3A_286], %gather3A_285 {strides = array<i32>} : memref<32xi32, #tpu.memory_space<vmem>>, vector<16xi32>,
      %mul3A_288 = arith.constant 32 : i32
      %mul3A_289 = arith.muli %add3A_260, %mul3A_288 : i32
      %multiple_of3A_290 = tpu.assume_multiple %mul3A_289, 32 : i32
      %dma_wait3A_291 = tpu.memref_slice %arg10[%multiple_of3A_290] : memref<2560xi32, #tpu.memory_space<vmem>> -> memref<32xi32, #tpu.memory_space<vmem>>
      %dma_wait3A_292 = arith.constant 0 : i32
      %dma_wait3A_293 = arith.constant 0 : i32
      %dma_wait3A_294 = tpu.memref_slice %arg2[%dma_wait3A_292, %dma_wait3A_293] : memref<10000x256xf32, #tpu.memory_space<hbm>> -> memref<10000x256xf32, #tpu.memory_space<hbm>>
      tpu.wait_indirect_dma semaphore(%arg30 : memref<!tpu.dma_semaphore, #tpu.memory_space<semaphore_mem>>) src(%dma_wait3A_294 : memref<10000x256xf32, #tpu.memory_space<hbm>>) dst(%arg15 : memref<32x256xf32, #tpu.memory_space<vmem>>)
      %dma_wait3A_295 = tpu.memref_slice %arg11[%multiple_of3A_290] : memref<2560xi32, #tpu.memory_space<vmem>> -> memref<32xi32, #tpu.memory_space<vmem>>
      %dma_wait3A_296 = arith.constant 0 : i32
      %dma_wait3A_297 = arith.constant 0 : i32
      %dma_wait3A_298 = tpu.memref_slice %arg2[%dma_wait3A_296, %dma_wait3A_297] : memref<10000x256xf32, #tpu.memory_space<hbm>> -> memref<10000x256xf32, #tpu.memory_space<hbm>>
      tpu.wait_indirect_dma semaphore(%arg30 : memref<!tpu.dma_semaphore, #tpu.memory_space<semaphore_mem>>) src(%dma_wait3A_298 : memref<10000x256xf32, #tpu.memory_space<hbm>>) dst(%arg20 : memref<32x256xf32, #tpu.memory_space<vmem>>)
      %mul3A_299 = arith.constant 32 : i32
      %mul3A_300 = arith.muli %add3A_260, %mul3A_299 : i32
      %add3A_301 = arith.addi %mul3A_2, %mul3A_300 : i32
      %multiple_of3A_302 = tpu.assume_multiple %add3A_301, 32 : i32
      %dma_start3A_303 = arith.constant 0 : i32
      %dma_start3A_304 = tpu.memref_slice %arg6[%multiple_of3A_302, %dma_start3A_303] : memref<81920x256xf32, #tpu.memory_space<hbm>> -> memref<32x256xf32, #tpu.memory_space<hbm>>
      %dma_start3A_305 = arith.constant 0 : i32
      %dma_start3A_306 = tpu.memref_slice %arg6[%multiple_of3A_302, %dma_start3A_305] : memref<81920x256xf32, #tpu.memory_space<hbm>> -> memref<32x256xf32, #tpu.memory_space<hbm>>
      tpu.enqueue_dma source(%arg15 : memref<32x256xf32, #tpu.memory_space<vmem>>) target(%dma_start3A_306 : memref<32x256xf32, #tpu.memory_space<hbm>>) target_semaphore(%arg35 : memref<!tpu.dma_semaphore, #tpu.memory_space<semaphore_mem>>)
      %dma_start3A_307 = arith.constant 0 : i32
      %dma_start3A_308 = tpu.memref_slice %arg7[%multiple_of3A_302, %dma_start3A_307] : memref<81920x256xf32, #tpu.memory_space<hbm>> -> memref<32x256xf32, #tpu.memory_space<hbm>>
      %dma_start3A_309 = arith.constant 0 : i32
      %dma_start3A_310 = tpu.memref_slice %arg7[%multiple_of3A_302, %dma_start3A_309] : memref<81920x256xf32, #tpu.memory_space<hbm>> -> memref<32x256xf32, #tpu.memory_space<hbm>>
      tpu.enqueue_dma source(%arg20 : memref<32x256xf32, #tpu.memory_space<vmem>>) target(%dma_start3A_310 : memref<32x256xf32, #tpu.memory_space<hbm>>) target_semaphore(%arg35 : memref<!tpu.dma_semaphore, #tpu.memory_space<semaphore_mem>>)
      %dma_start3A_311 = tpu.memref_slice %arg8[%multiple_of3A_302] : memref<81920xi32, #tpu.memory_space<hbm>> -> memref<32xi32, #tpu.memory_space<hbm>>
      %dma_start3A_312 = tpu.memref_slice %arg8[%multiple_of3A_302] : memref<81920xi32, #tpu.memory_space<hbm>> -> memref<32xi32, #tpu.memory_space<hbm>>
      tpu.enqueue_dma source(%arg25 : memref<32xi32, #tpu.memory_space<vmem>>) target(%dma_start3A_312 : memref<32xi32, #tpu.memory_space<hbm>>) target_semaphore(%arg35 : memref<!tpu.dma_semaphore, #tpu.memory_space<semaphore_mem>>)
      %mul3A_313 = arith.constant 5 : i32
      %mul3A_314 = arith.muli %scan3A_95, %mul3A_313 : i32
      %add3A_315 = arith.constant 4 : i32
      %add3A_316 = arith.addi %mul3A_314, %add3A_315 : i32
      %add3A_317 = arith.constant 5 : i32
      %add3A_318 = arith.addi %add3A_316, %add3A_317 : i32
      %sub3A_319 = arith.constant 1 : i32
      %sub3A_320 = arith.subi %add3A_318, %sub3A_319 : i32
      %lt3A_321 = arith.constant 80 : i32
      %lt3A_322 = arith.cmpi slt, %sub3A_320, %lt3A_321 : i32
      %convert_element_type3A_323 = arith.extui %lt3A_322 : i1 to i32
      %cond3A_324 = arith.constant 0 : i32
      %cond3A_325 = arith.cmpi ne, %convert_element_type3A_323, %cond3A_324 : i32
      scf.if %cond3A_325 {
        %ge3A = arith.constant 5 : i32
        %ge3A_369 = arith.cmpi sge, %sub3A_320, %ge3A : i32
        %convert_element_type3A_370 = arith.extui %ge3A_369 : i1 to i32
        %cond3A_371 = arith.constant 0 : i32
        %cond3A_372 = arith.cmpi ne, %convert_element_type3A_370, %cond3A_371 : i32
        scf.if %cond3A_372 {
          %dma_wait3A_384 = arith.constant 0 : i32
          %dma_wait3A_385 = tpu.memref_slice %arg6[%mul3A_2, %dma_wait3A_384] : memref<81920x256xf32, #tpu.memory_space<hbm>> -> memref<32x256xf32, #tpu.memory_space<hbm>>
          %dma_wait3A_386 = arith.constant 0 : i32
          %dma_wait3A_387 = tpu.memref_slice %arg6[%mul3A_2, %dma_wait3A_386] : memref<81920x256xf32, #tpu.memory_space<hbm>> -> memref<32x256xf32, #tpu.memory_space<hbm>>
          tpu.wait_dma2 semaphore(%arg35 : memref<!tpu.dma_semaphore, #tpu.memory_space<semaphore_mem>>) src(%arg15 : memref<32x256xf32, #tpu.memory_space<vmem>>) dst(%dma_wait3A_387 : memref<32x256xf32, #tpu.memory_space<hbm>>)
          %dma_wait3A_388 = arith.constant 0 : i32
          %dma_wait3A_389 = tpu.memref_slice %arg7[%mul3A_2, %dma_wait3A_388] : memref<81920x256xf32, #tpu.memory_space<hbm>> -> memref<32x256xf32, #tpu.memory_space<hbm>>
          %dma_wait3A_390 = arith.constant 0 : i32
          %dma_wait3A_391 = tpu.memref_slice %arg7[%mul3A_2, %dma_wait3A_390] : memref<81920x256xf32, #tpu.memory_space<hbm>> -> memref<32x256xf32, #tpu.memory_space<hbm>>
          tpu.wait_dma2 semaphore(%arg35 : memref<!tpu.dma_semaphore, #tpu.memory_space<semaphore_mem>>) src(%arg20 : memref<32x256xf32, #tpu.memory_space<vmem>>) dst(%dma_wait3A_391 : memref<32x256xf32, #tpu.memory_space<hbm>>)
          %dma_wait3A_392 = tpu.memref_slice %arg8[%mul3A_2] : memref<81920xi32, #tpu.memory_space<hbm>> -> memref<32xi32, #tpu.memory_space<hbm>>
          %dma_wait3A_393 = tpu.memref_slice %arg8[%mul3A_2] : memref<81920xi32, #tpu.memory_space<hbm>> -> memref<32xi32, #tpu.memory_space<hbm>>
          tpu.wait_dma2 semaphore(%arg35 : memref<!tpu.dma_semaphore, #tpu.memory_space<semaphore_mem>>) src(%arg25 : memref<32xi32, #tpu.memory_space<vmem>>) dst(%dma_wait3A_393 : memref<32xi32, #tpu.memory_space<hbm>>)
        } else {
        }
        %mul3A_373 = arith.constant 32 : i32
        %mul3A_374 = arith.muli %sub3A_320, %mul3A_373 : i32
        %multiple_of3A_375 = tpu.assume_multiple %mul3A_374, 32 : i32
        %dma_start3A_376 = tpu.memref_slice %arg10[%multiple_of3A_375] : memref<2560xi32, #tpu.memory_space<vmem>> -> memref<32xi32, #tpu.memory_space<vmem>>
        %dma_start3A_377 = arith.constant 0 : i32
        %dma_start3A_378 = arith.constant 0 : i32
        %dma_start3A_379 = tpu.memref_slice %arg2[%dma_start3A_377, %dma_start3A_378] : memref<10000x256xf32, #tpu.memory_space<hbm>> -> memref<10000x256xf32, #tpu.memory_space<hbm>>
        tpu.enqueue_indirect_dma source(%dma_start3A_379 : memref<10000x256xf32, #tpu.memory_space<hbm>>) target(%arg15 : memref<32x256xf32, #tpu.memory_space<vmem>>) offsets(%dma_start3A_376 : memref<32xi32, #tpu.memory_space<vmem>>) semaphore(%arg30 : memref<!tpu.dma_semaphore, #tpu.memory_space<semaphore_mem>>)
        %dma_start3A_380 = tpu.memref_slice %arg11[%multiple_of3A_375] : memref<2560xi32, #tpu.memory_space<vmem>> -> memref<32xi32, #tpu.memory_space<vmem>>
        %dma_start3A_381 = arith.constant 0 : i32
        %dma_start3A_382 = arith.constant 0 : i32
        %dma_start3A_383 = tpu.memref_slice %arg2[%dma_start3A_381, %dma_start3A_382] : memref<10000x256xf32, #tpu.memory_space<hbm>> -> memref<10000x256xf32, #tpu.memory_space<hbm>>
        tpu.enqueue_indirect_dma source(%dma_start3A_383 : memref<10000x256xf32, #tpu.memory_space<hbm>>) target(%arg20 : memref<32x256xf32, #tpu.memory_space<vmem>>) offsets(%dma_start3A_380 : memref<32xi32, #tpu.memory_space<vmem>>) semaphore(%arg30 : memref<!tpu.dma_semaphore, #tpu.memory_space<semaphore_mem>>)
      } else {
      }
      %mul3A_326 = arith.constant 32 : i32
      %mul3A_327 = arith.muli %add3A_316, %mul3A_326 : i32
      %add3A_328 = arith.constant 0 : i32
      %add3A_329 = arith.addi %mul3A_327, %add3A_328 : i32
      %get3A_330 = arith.index_cast %add3A_329 : i32 to index
      %get3A_331 = tpu.vector_load %arg10[%get3A_330] {strides = array<i32>} : memref<2560xi32, #tpu.memory_space<vmem>>, vector<16xi32>,
      %gather3A_332 = tpu.vector_load_idx %arg9[%get3A_331] : memref<10000xi32, #tpu.memory_space<vmem>>[vector<16xi32>], vector<16xi32>,
      %swap3A_333 = arith.constant 0 : index
      %swap3A_334 = tpu.vector_load %arg26[%swap3A_333] {strides = array<i32>} : memref<32xi32, #tpu.memory_space<vmem>>, vector<16xi32>,
      tpu.vector_store %arg26[%swap3A_333], %gather3A_332 {strides = array<i32>} : memref<32xi32, #tpu.memory_space<vmem>>, vector<16xi32>,
      %mul3A_335 = arith.constant 32 : i32
      %mul3A_336 = arith.muli %add3A_316, %mul3A_335 : i32
      %add3A_337 = arith.constant 16 : i32
      %add3A_338 = arith.addi %mul3A_336, %add3A_337 : i32
      %get3A_339 = arith.index_cast %add3A_338 : i32 to index
      %get3A_340 = tpu.vector_load %arg10[%get3A_339] {strides = array<i32>} : memref<2560xi32, #tpu.memory_space<vmem>>, vector<16xi32>,
      %gather3A_341 = tpu.vector_load_idx %arg9[%get3A_340] : memref<10000xi32, #tpu.memory_space<vmem>>[vector<16xi32>], vector<16xi32>,
      %swap3A_342 = arith.constant 16 : index
      %swap3A_343 = tpu.vector_load %arg26[%swap3A_342] {strides = array<i32>} : memref<32xi32, #tpu.memory_space<vmem>>, vector<16xi32>,
      tpu.vector_store %arg26[%swap3A_342], %gather3A_341 {strides = array<i32>} : memref<32xi32, #tpu.memory_space<vmem>>, vector<16xi32>,
      %mul3A_344 = arith.constant 32 : i32
      %mul3A_345 = arith.muli %add3A_316, %mul3A_344 : i32
      %multiple_of3A_346 = tpu.assume_multiple %mul3A_345, 32 : i32
      %dma_wait3A_347 = tpu.memref_slice %arg10[%multiple_of3A_346] : memref<2560xi32, #tpu.memory_space<vmem>> -> memref<32xi32, #tpu.memory_space<vmem>>
      %dma_wait3A_348 = arith.constant 0 : i32
      %dma_wait3A_349 = arith.constant 0 : i32
      %dma_wait3A_350 = tpu.memref_slice %arg2[%dma_wait3A_348, %dma_wait3A_349] : memref<10000x256xf32, #tpu.memory_space<hbm>> -> memref<10000x256xf32, #tpu.memory_space<hbm>>
      tpu.wait_indirect_dma semaphore(%arg31 : memref<!tpu.dma_semaphore, #tpu.memory_space<semaphore_mem>>) src(%dma_wait3A_350 : memref<10000x256xf32, #tpu.memory_space<hbm>>) dst(%arg16 : memref<32x256xf32, #tpu.memory_space<vmem>>)
      %dma_wait3A_351 = tpu.memref_slice %arg11[%multiple_of3A_346] : memref<2560xi32, #tpu.memory_space<vmem>> -> memref<32xi32, #tpu.memory_space<vmem>>
      %dma_wait3A_352 = arith.constant 0 : i32
      %dma_wait3A_353 = arith.constant 0 : i32
      %dma_wait3A_354 = tpu.memref_slice %arg2[%dma_wait3A_352, %dma_wait3A_353] : memref<10000x256xf32, #tpu.memory_space<hbm>> -> memref<10000x256xf32, #tpu.memory_space<hbm>>
      tpu.wait_indirect_dma semaphore(%arg31 : memref<!tpu.dma_semaphore, #tpu.memory_space<semaphore_mem>>) src(%dma_wait3A_354 : memref<10000x256xf32, #tpu.memory_space<hbm>>) dst(%arg21 : memref<32x256xf32, #tpu.memory_space<vmem>>)
      %mul3A_355 = arith.constant 32 : i32
      %mul3A_356 = arith.muli %add3A_316, %mul3A_355 : i32
      %add3A_357 = arith.addi %mul3A_2, %mul3A_356 : i32
      %multiple_of3A_358 = tpu.assume_multiple %add3A_357, 32 : i32
      %dma_start3A_359 = arith.constant 0 : i32
      %dma_start3A_360 = tpu.memref_slice %arg6[%multiple_of3A_358, %dma_start3A_359] : memref<81920x256xf32, #tpu.memory_space<hbm>> -> memref<32x256xf32, #tpu.memory_space<hbm>>
      %dma_start3A_361 = arith.constant 0 : i32
      %dma_start3A_362 = tpu.memref_slice %arg6[%multiple_of3A_358, %dma_start3A_361] : memref<81920x256xf32, #tpu.memory_space<hbm>> -> memref<32x256xf32, #tpu.memory_space<hbm>>
      tpu.enqueue_dma source(%arg16 : memref<32x256xf32, #tpu.memory_space<vmem>>) target(%dma_start3A_362 : memref<32x256xf32, #tpu.memory_space<hbm>>) target_semaphore(%arg36 : memref<!tpu.dma_semaphore, #tpu.memory_space<semaphore_mem>>)
      %dma_start3A_363 = arith.constant 0 : i32
      %dma_start3A_364 = tpu.memref_slice %arg7[%multiple_of3A_358, %dma_start3A_363] : memref<81920x256xf32, #tpu.memory_space<hbm>> -> memref<32x256xf32, #tpu.memory_space<hbm>>
      %dma_start3A_365 = arith.constant 0 : i32
      %dma_start3A_366 = tpu.memref_slice %arg7[%multiple_of3A_358, %dma_start3A_365] : memref<81920x256xf32, #tpu.memory_space<hbm>> -> memref<32x256xf32, #tpu.memory_space<hbm>>
      tpu.enqueue_dma source(%arg21 : memref<32x256xf32, #tpu.memory_space<vmem>>) target(%dma_start3A_366 : memref<32x256xf32, #tpu.memory_space<hbm>>) target_semaphore(%arg36 : memref<!tpu.dma_semaphore, #tpu.memory_space<semaphore_mem>>)
      %dma_start3A_367 = tpu.memref_slice %arg8[%multiple_of3A_358] : memref<81920xi32, #tpu.memory_space<hbm>> -> memref<32xi32, #tpu.memory_space<hbm>>
      %dma_start3A_368 = tpu.memref_slice %arg8[%multiple_of3A_358] : memref<81920xi32, #tpu.memory_space<hbm>> -> memref<32xi32, #tpu.memory_space<hbm>>
      tpu.enqueue_dma source(%arg26 : memref<32xi32, #tpu.memory_space<vmem>>) target(%dma_start3A_368 : memref<32xi32, #tpu.memory_space<hbm>>) target_semaphore(%arg36 : memref<!tpu.dma_semaphore, #tpu.memory_space<semaphore_mem>>)
    }
    %scan3A_45 = arith.constant 16 : i32
    %dma_wait3A = arith.constant 0 : i32
    %dma_wait3A_46 = tpu.memref_slice %arg6[%mul3A_2, %dma_wait3A] : memref<81920x256xf32, #tpu.memory_space<hbm>> -> memref<32x256xf32, #tpu.memory_space<hbm>>
    %dma_wait3A_47 = arith.constant 0 : i32
    %dma_wait3A_48 = tpu.memref_slice %arg6[%mul3A_2, %dma_wait3A_47] : memref<81920x256xf32, #tpu.memory_space<hbm>> -> memref<32x256xf32, #tpu.memory_space<hbm>>
    tpu.wait_dma2 semaphore(%arg32 : memref<!tpu.dma_semaphore, #tpu.memory_space<semaphore_mem>>) src(%arg12 : memref<32x256xf32, #tpu.memory_space<vmem>>) dst(%dma_wait3A_48 : memref<32x256xf32, #tpu.memory_space<hbm>>)
    %dma_wait3A_49 = arith.constant 0 : i32
    %dma_wait3A_50 = tpu.memref_slice %arg7[%mul3A_2, %dma_wait3A_49] : memref<81920x256xf32, #tpu.memory_space<hbm>> -> memref<32x256xf32, #tpu.memory_space<hbm>>
    %dma_wait3A_51 = arith.constant 0 : i32
    %dma_wait3A_52 = tpu.memref_slice %arg7[%mul3A_2, %dma_wait3A_51] : memref<81920x256xf32, #tpu.memory_space<hbm>> -> memref<32x256xf32, #tpu.memory_space<hbm>>
    tpu.wait_dma2 semaphore(%arg32 : memref<!tpu.dma_semaphore, #tpu.memory_space<semaphore_mem>>) src(%arg17 : memref<32x256xf32, #tpu.memory_space<vmem>>) dst(%dma_wait3A_52 : memref<32x256xf32, #tpu.memory_space<hbm>>)
    %dma_wait3A_53 = tpu.memref_slice %arg8[%mul3A_2] : memref<81920xi32, #tpu.memory_space<hbm>> -> memref<32xi32, #tpu.memory_space<hbm>>
    %dma_wait3A_54 = tpu.memref_slice %arg8[%mul3A_2] : memref<81920xi32, #tpu.memory_space<hbm>> -> memref<32xi32, #tpu.memory_space<hbm>>
    tpu.wait_dma2 semaphore(%arg32 : memref<!tpu.dma_semaphore, #tpu.memory_space<semaphore_mem>>) src(%arg22 : memref<32xi32, #tpu.memory_space<vmem>>) dst(%dma_wait3A_54 : memref<32xi32, #tpu.memory_space<hbm>>)
    %dma_wait3A_55 = arith.constant 0 : i32
    %dma_wait3A_56 = tpu.memref_slice %arg6[%mul3A_2, %dma_wait3A_55] : memref<81920x256xf32, #tpu.memory_space<hbm>> -> memref<32x256xf32, #tpu.memory_space<hbm>>
    %dma_wait3A_57 = arith.constant 0 : i32
    %dma_wait3A_58 = tpu.memref_slice %arg6[%mul3A_2, %dma_wait3A_57] : memref<81920x256xf32, #tpu.memory_space<hbm>> -> memref<32x256xf32, #tpu.memory_space<hbm>>
    tpu.wait_dma2 semaphore(%arg33 : memref<!tpu.dma_semaphore, #tpu.memory_space<semaphore_mem>>) src(%arg13 : memref<32x256xf32, #tpu.memory_space<vmem>>) dst(%dma_wait3A_58 : memref<32x256xf32, #tpu.memory_space<hbm>>)
    %dma_wait3A_59 = arith.constant 0 : i32
    %dma_wait3A_60 = tpu.memref_slice %arg7[%mul3A_2, %dma_wait3A_59] : memref<81920x256xf32, #tpu.memory_space<hbm>> -> memref<32x256xf32, #tpu.memory_space<hbm>>
    %dma_wait3A_61 = arith.constant 0 : i32
    %dma_wait3A_62 = tpu.memref_slice %arg7[%mul3A_2, %dma_wait3A_61] : memref<81920x256xf32, #tpu.memory_space<hbm>> -> memref<32x256xf32, #tpu.memory_space<hbm>>
    tpu.wait_dma2 semaphore(%arg33 : memref<!tpu.dma_semaphore, #tpu.memory_space<semaphore_mem>>) src(%arg18 : memref<32x256xf32, #tpu.memory_space<vmem>>) dst(%dma_wait3A_62 : memref<32x256xf32, #tpu.memory_space<hbm>>)
    %dma_wait3A_63 = tpu.memref_slice %arg8[%mul3A_2] : memref<81920xi32, #tpu.memory_space<hbm>> -> memref<32xi32, #tpu.memory_space<hbm>>
    %dma_wait3A_64 = tpu.memref_slice %arg8[%mul3A_2] : memref<81920xi32, #tpu.memory_space<hbm>> -> memref<32xi32, #tpu.memory_space<hbm>>
    tpu.wait_dma2 semaphore(%arg33 : memref<!tpu.dma_semaphore, #tpu.memory_space<semaphore_mem>>) src(%arg23 : memref<32xi32, #tpu.memory_space<vmem>>) dst(%dma_wait3A_64 : memref<32xi32, #tpu.memory_space<hbm>>)
    %dma_wait3A_65 = arith.constant 0 : i32
    %dma_wait3A_66 = tpu.memref_slice %arg6[%mul3A_2, %dma_wait3A_65] : memref<81920x256xf32, #tpu.memory_space<hbm>> -> memref<32x256xf32, #tpu.memory_space<hbm>>
    %dma_wait3A_67 = arith.constant 0 : i32
    %dma_wait3A_68 = tpu.memref_slice %arg6[%mul3A_2, %dma_wait3A_67] : memref<81920x256xf32, #tpu.memory_space<hbm>> -> memref<32x256xf32, #tpu.memory_space<hbm>>
    tpu.wait_dma2 semaphore(%arg34 : memref<!tpu.dma_semaphore, #tpu.memory_space<semaphore_mem>>) src(%arg14 : memref<32x256xf32, #tpu.memory_space<vmem>>) dst(%dma_wait3A_68 : memref<32x256xf32, #tpu.memory_space<hbm>>)
    %dma_wait3A_69 = arith.constant 0 : i32
    %dma_wait3A_70 = tpu.memref_slice %arg7[%mul3A_2, %dma_wait3A_69] : memref<81920x256xf32, #tpu.memory_space<hbm>> -> memref<32x256xf32, #tpu.memory_space<hbm>>
    %dma_wait3A_71 = arith.constant 0 : i32
    %dma_wait3A_72 = tpu.memref_slice %arg7[%mul3A_2, %dma_wait3A_71] : memref<81920x256xf32, #tpu.memory_space<hbm>> -> memref<32x256xf32, #tpu.memory_space<hbm>>
    tpu.wait_dma2 semaphore(%arg34 : memref<!tpu.dma_semaphore, #tpu.memory_space<semaphore_mem>>) src(%arg19 : memref<32x256xf32, #tpu.memory_space<vmem>>) dst(%dma_wait3A_72 : memref<32x256xf32, #tpu.memory_space<hbm>>)
    %dma_wait3A_73 = tpu.memref_slice %arg8[%mul3A_2] : memref<81920xi32, #tpu.memory_space<hbm>> -> memref<32xi32, #tpu.memory_space<hbm>>
    %dma_wait3A_74 = tpu.memref_slice %arg8[%mul3A_2] : memref<81920xi32, #tpu.memory_space<hbm>> -> memref<32xi32, #tpu.memory_space<hbm>>
    tpu.wait_dma2 semaphore(%arg34 : memref<!tpu.dma_semaphore, #tpu.memory_space<semaphore_mem>>) src(%arg24 : memref<32xi32, #tpu.memory_space<vmem>>) dst(%dma_wait3A_74 : memref<32xi32, #tpu.memory_space<hbm>>)
    %dma_wait3A_75 = arith.constant 0 : i32
    %dma_wait3A_76 = tpu.memref_slice %arg6[%mul3A_2, %dma_wait3A_75] : memref<81920x256xf32, #tpu.memory_space<hbm>> -> memref<32x256xf32, #tpu.memory_space<hbm>>
    %dma_wait3A_77 = arith.constant 0 : i32
    %dma_wait3A_78 = tpu.memref_slice %arg6[%mul3A_2, %dma_wait3A_77] : memref<81920x256xf32, #tpu.memory_space<hbm>> -> memref<32x256xf32, #tpu.memory_space<hbm>>
    tpu.wait_dma2 semaphore(%arg35 : memref<!tpu.dma_semaphore, #tpu.memory_space<semaphore_mem>>) src(%arg15 : memref<32x256xf32, #tpu.memory_space<vmem>>) dst(%dma_wait3A_78 : memref<32x256xf32, #tpu.memory_space<hbm>>)
    %dma_wait3A_79 = arith.constant 0 : i32
    %dma_wait3A_80 = tpu.memref_slice %arg7[%mul3A_2, %dma_wait3A_79] : memref<81920x256xf32, #tpu.memory_space<hbm>> -> memref<32x256xf32, #tpu.memory_space<hbm>>
    %dma_wait3A_81 = arith.constant 0 : i32
    %dma_wait3A_82 = tpu.memref_slice %arg7[%mul3A_2, %dma_wait3A_81] : memref<81920x256xf32, #tpu.memory_space<hbm>> -> memref<32x256xf32, #tpu.memory_space<hbm>>
    tpu.wait_dma2 semaphore(%arg35 : memref<!tpu.dma_semaphore, #tpu.memory_space<semaphore_mem>>) src(%arg20 : memref<32x256xf32, #tpu.memory_space<vmem>>) dst(%dma_wait3A_82 : memref<32x256xf32, #tpu.memory_space<hbm>>)
    %dma_wait3A_83 = tpu.memref_slice %arg8[%mul3A_2] : memref<81920xi32, #tpu.memory_space<hbm>> -> memref<32xi32, #tpu.memory_space<hbm>>
    %dma_wait3A_84 = tpu.memref_slice %arg8[%mul3A_2] : memref<81920xi32, #tpu.memory_space<hbm>> -> memref<32xi32, #tpu.memory_space<hbm>>
    tpu.wait_dma2 semaphore(%arg35 : memref<!tpu.dma_semaphore, #tpu.memory_space<semaphore_mem>>) src(%arg25 : memref<32xi32, #tpu.memory_space<vmem>>) dst(%dma_wait3A_84 : memref<32xi32, #tpu.memory_space<hbm>>)
    %dma_wait3A_85 = arith.constant 0 : i32
    %dma_wait3A_86 = tpu.memref_slice %arg6[%mul3A_2, %dma_wait3A_85] : memref<81920x256xf32, #tpu.memory_space<hbm>> -> memref<32x256xf32, #tpu.memory_space<hbm>>
    %dma_wait3A_87 = arith.constant 0 : i32
    %dma_wait3A_88 = tpu.memref_slice %arg6[%mul3A_2, %dma_wait3A_87] : memref<81920x256xf32, #tpu.memory_space<hbm>> -> memref<32x256xf32, #tpu.memory_space<hbm>>
    tpu.wait_dma2 semaphore(%arg36 : memref<!tpu.dma_semaphore, #tpu.memory_space<semaphore_mem>>) src(%arg16 : memref<32x256xf32, #tpu.memory_space<vmem>>) dst(%dma_wait3A_88 : memref<32x256xf32, #tpu.memory_space<hbm>>)
    %dma_wait3A_89 = arith.constant 0 : i32
    %dma_wait3A_90 = tpu.memref_slice %arg7[%mul3A_2, %dma_wait3A_89] : memref<81920x256xf32, #tpu.memory_space<hbm>> -> memref<32x256xf32, #tpu.memory_space<hbm>>
    %dma_wait3A_91 = arith.constant 0 : i32
    %dma_wait3A_92 = tpu.memref_slice %arg7[%mul3A_2, %dma_wait3A_91] : memref<81920x256xf32, #tpu.memory_space<hbm>> -> memref<32x256xf32, #tpu.memory_space<hbm>>
    tpu.wait_dma2 semaphore(%arg36 : memref<!tpu.dma_semaphore, #tpu.memory_space<semaphore_mem>>) src(%arg21 : memref<32x256xf32, #tpu.memory_space<vmem>>) dst(%dma_wait3A_92 : memref<32x256xf32, #tpu.memory_space<hbm>>)
    %dma_wait3A_93 = tpu.memref_slice %arg8[%mul3A_2] : memref<81920xi32, #tpu.memory_space<hbm>> -> memref<32xi32, #tpu.memory_space<hbm>>
    %dma_wait3A_94 = tpu.memref_slice %arg8[%mul3A_2] : memref<81920xi32, #tpu.memory_space<hbm>> -> memref<32xi32, #tpu.memory_space<hbm>>
    tpu.wait_dma2 semaphore(%arg36 : memref<!tpu.dma_semaphore, #tpu.memory_space<semaphore_mem>>) src(%arg26 : memref<32xi32, #tpu.memory_space<vmem>>) dst(%dma_wait3A_94 : memref<32xi32, #tpu.memory_space<hbm>>)
    return
  }
}

module attributes {stable_mosaic.version = 14 : i64} {
  func.func @_tc_node_body(%arg0: i32, %arg1: memref<1000x256xf32, #tpu.memory_space<vmem>>, %arg2: memref<1x1000x1xi32, #tpu.memory_space<vmem>>, %arg3: memref<1x512xf32, #tpu.memory_space<vmem>>, %arg4: memref<8x128xf32, #tpu.memory_space<vmem>>) attributes {dimension_semantics = [#tpu.dimension_semantics<arbitrary>], iteration_bounds = array<i64: 10>, scalar_prefetch = 0 : i64, scratch_operands = 0 : i64, tpu.core_type = #tpu.core_type<tc>, window_params = [{transform_indices = @transform_0, window_bounds = array<i64: 1000, 256>}, {transform_indices = @transform_1, window_bounds = array<i64: 1, 1000, 1>}, {pipeline_mode = #tpu.pipeline_mode<synchronous>, transform_indices = @transform_2, window_bounds = array<i64: 1, 512>}, {pipeline_mode = #tpu.pipeline_mode<synchronous>, transform_indices = @transform_3, window_bounds = array<i64: 8, 128>}]} {
    %eq3A = arith.constant 0 : i32
    %eq3A_0 = arith.cmpi eq, %arg0, %eq3A : i32
    %convert_element_type3A = arith.extui %eq3A_0 : i1 to i32
    %cond3A = arith.constant 0 : i32
    %cond3A_1 = arith.cmpi ne, %convert_element_type3A, %cond3A : i32
    scf.if %cond3A_1 {
      %broadcast_in_dim3A_39 = arith.constant 0.000000e+00 : f32
      %broadcast_in_dim3A_40 = vector.broadcast %broadcast_in_dim3A_39 : f32 to vector<8x128xf32>
      %swap3A_41 = arith.constant 0 : index
      %swap3A_42 = arith.constant 0 : index
      %swap3A_43 = vector.load %arg4[%swap3A_41, %swap3A_42] : memref<8x128xf32, #tpu.memory_space<vmem>>, vector<8x128xf32>
      tpu.vector_store %arg4[%swap3A_41, %swap3A_42], %broadcast_in_dim3A_40 {strides = array<i32>} : memref<8x128xf32, #tpu.memory_space<vmem>>, vector<8x128xf32>,
    } else {
    }
    %get3A = arith.constant 0 : index
    %get3A_2 = arith.constant 0 : index
    %get3A_3 = vector.load %arg3[%get3A, %get3A_2] : memref<1x512xf32, #tpu.memory_space<vmem>>, vector<1x512xf32>
    %slice3A = vector.extract_strided_slice %get3A_3 {offsets = [0, 0], sizes = [1, 256], strides = [1, 1]} : vector<1x512xf32> to vector<1x256xf32>
    %get3A_4 = arith.constant 0 : index
    %get3A_5 = arith.constant 0 : index
    %get3A_6 = vector.load %arg1[%get3A_4, %get3A_5] : memref<1000x256xf32, #tpu.memory_space<vmem>>, vector<1000x256xf32>
    %mul3A = vector.broadcast %slice3A : vector<1x256xf32> to vector<1000x256xf32>
    %mul3A_7 = arith.mulf %get3A_6, %mul3A : vector<1000x256xf32>
    %reduce_sum3A = arith.constant dense<0.000000e+00> : vector<1000xf32>
    %reduce_sum3A_8 = vector.multi_reduction <add>, %mul3A_7, %reduce_sum3A [1] : vector<1000x256xf32> to vector<1000xf32>
    %broadcast_in_dim3A = vector.shape_cast %reduce_sum3A_8 : vector<1000xf32> to vector<1000x1xf32>
    %get3A_9 = arith.constant 0 : index
    %get3A_10 = arith.constant 0 : index
    %get3A_11 = arith.constant 0 : index
    %get3A_12 = vector.load %arg2[%get3A_9, %get3A_10, %get3A_11] : memref<1x1000x1xi32, #tpu.memory_space<vmem>>, vector<1x1000x1xi32>
    %get3A_13 = vector.shape_cast %get3A_12 : vector<1x1000x1xi32> to vector<1000x1xi32>
    %iota3A = tpu.iota {dimensions = array<i32: 1>} : vector<1000x128xi32>
    %eq3A_14 = vector.broadcast %get3A_13 : vector<1000x1xi32> to vector<1000x128xi32>
    %eq3A_15 = arith.cmpi eq, %iota3A, %eq3A_14 : vector<1000x128xi32>
    %jit3A = arith.constant 0.000000e+00 : f32
    %broadcast_in_dim3A_16 = vector.shape_cast %broadcast_in_dim3A : vector<1000x1xf32> to vector<1000x1xf32>
    %broadcast_in_dim3A_17 = vector.broadcast %broadcast_in_dim3A_16 : vector<1000x1xf32> to vector<1000x128xf32>
    %broadcast_in_dim3A_18 = vector.broadcast %jit3A : f32 to vector<1000x128xf32>
    %select_n3A = arith.select %eq3A_15, %broadcast_in_dim3A_17, %broadcast_in_dim3A_18 : vector<1000x128xi1>, vector<1000x128xf32>
    %reduce_sum3A_19 = arith.constant dense<0.000000e+00> : vector<128xf32>
    %reduce_sum3A_20 = vector.multi_reduction <add>, %select_n3A, %reduce_sum3A_19 [0] : vector<1000x128xf32> to vector<128xf32>
    %convert_element_type3A_21 = arith.extui %eq3A_15 : vector<1000x128xi1> to vector<1000x128xi32>
    %convert_element_type3A_22 = arith.sitofp %convert_element_type3A_21 : vector<1000x128xi32> to vector<1000x128xf32>
    %reduce_sum3A_23 = arith.constant dense<0.000000e+00> : vector<128xf32>
    %reduce_sum3A_24 = vector.multi_reduction <add>, %convert_element_type3A_22, %reduce_sum3A_23 [0] : vector<1000x128xf32> to vector<128xf32>
    %get3A_25 = arith.constant 1 : index
    %get3A_26 = arith.constant 0 : index
    %get3A_27 = vector.load %arg4[%get3A_25, %get3A_26] : memref<8x128xf32, #tpu.memory_space<vmem>>, vector<1x128xf32>
    %broadcast_in_dim3A_28 = vector.shape_cast %reduce_sum3A_20 : vector<128xf32> to vector<1x128xf32>
    %add3A = arith.addf %get3A_27, %broadcast_in_dim3A_28 : vector<1x128xf32>
    %swap3A = arith.constant 1 : index
    %swap3A_29 = arith.constant 0 : index
    %swap3A_30 = vector.load %arg4[%swap3A, %swap3A_29] : memref<8x128xf32, #tpu.memory_space<vmem>>, vector<1x128xf32>
    tpu.vector_store %arg4[%swap3A, %swap3A_29], %add3A {strides = array<i32>} : memref<8x128xf32, #tpu.memory_space<vmem>>, vector<1x128xf32>,
    %get3A_31 = arith.constant 2 : index
    %get3A_32 = arith.constant 0 : index
    %get3A_33 = vector.load %arg4[%get3A_31, %get3A_32] : memref<8x128xf32, #tpu.memory_space<vmem>>, vector<1x128xf32>
    %broadcast_in_dim3A_34 = vector.shape_cast %reduce_sum3A_24 : vector<128xf32> to vector<1x128xf32>
    %add3A_35 = arith.addf %get3A_33, %broadcast_in_dim3A_34 : vector<1x128xf32>
    %swap3A_36 = arith.constant 2 : index
    %swap3A_37 = arith.constant 0 : index
    %swap3A_38 = vector.load %arg4[%swap3A_36, %swap3A_37] : memref<8x128xf32, #tpu.memory_space<vmem>>, vector<1x128xf32>
    tpu.vector_store %arg4[%swap3A_36, %swap3A_37], %add3A_35 {strides = array<i32>} : memref<8x128xf32, #tpu.memory_space<vmem>>, vector<1x128xf32>,
    return
  }
  func.func @transform_0(%arg0: i32) -> (i32, i32) {
    %c0_i32 = arith.constant 0 : i32
    %c0_i32_0 = arith.constant 0 : i32
    return %arg0, %c0_i32 : i32, i32
  }
  func.func @transform_1(%arg0: i32) -> (i32, i32, i32) {
    %c0_i32 = arith.constant 0 : i32
    %c0_i32_0 = arith.constant 0 : i32
    %c0_i32_1 = arith.constant 0 : i32
    return %arg0, %c0_i32, %c0_i32_0 : i32, i32, i32
  }
  func.func @transform_2(%arg0: i32) -> (i32, i32) {
    %c0_i32 = arith.constant 0 : i32
    %c0_i32_0 = arith.constant 0 : i32
    %c0_i32_1 = arith.constant 0 : i32
    return %c0_i32, %c0_i32_0 : i32, i32
  }
  func.func @transform_3(%arg0: i32) -> (i32, i32) {
    %c0_i32 = arith.constant 0 : i32
    %c0_i32_0 = arith.constant 0 : i32
    %c0_i32_1 = arith.constant 0 : i32
    return %c0_i32, %c0_i32_0 : i32, i32
  }
}

module attributes {stable_mosaic.version = 14 : i64} {
  func.func @_tc_edge_body(%arg0: i32, %arg1: memref<1280x256xf32, #tpu.memory_space<vmem>>, %arg2: memref<1280x256xf32, #tpu.memory_space<vmem>>, %arg3: memref<1x1280x1xi32, #tpu.memory_space<vmem>>, %arg4: memref<256x512xf32, #tpu.memory_space<vmem>>, %arg5: memref<256x512xf32, #tpu.memory_space<vmem>>, %arg6: memref<512x512xf32, #tpu.memory_space<vmem>>, %arg7: memref<512x256xf32, #tpu.memory_space<vmem>>, %arg8: memref<1x512xf32, #tpu.memory_space<vmem>>, %arg9: memref<1x512xf32, #tpu.memory_space<vmem>>, %arg10: memref<1x256xf32, #tpu.memory_space<vmem>>, %arg11: memref<1x512xf32, #tpu.memory_space<vmem>>, %arg12: memref<8x128xf32, #tpu.memory_space<vmem>>) attributes {dimension_semantics = [#tpu.dimension_semantics<arbitrary>], iteration_bounds = array<i64: 64>, scalar_prefetch = 0 : i64, scratch_operands = 0 : i64, tpu.core_type = #tpu.core_type<tc>, window_params = [{transform_indices = @transform_0, window_bounds = array<i64: 1280, 256>}, {transform_indices = @transform_1, window_bounds = array<i64: 1280, 256>}, {transform_indices = @transform_2, window_bounds = array<i64: 1, 1280, 1>}, {pipeline_mode = #tpu.pipeline_mode<synchronous>, transform_indices = @transform_3, window_bounds = array<i64: 256, 512>}, {pipeline_mode = #tpu.pipeline_mode<synchronous>, transform_indices = @transform_4, window_bounds = array<i64: 256, 512>}, {pipeline_mode = #tpu.pipeline_mode<synchronous>, transform_indices = @transform_5, window_bounds = array<i64: 512, 512>}, {pipeline_mode = #tpu.pipeline_mode<synchronous>, transform_indices = @transform_6, window_bounds = array<i64: 512, 256>}, {pipeline_mode = #tpu.pipeline_mode<synchronous>, transform_indices = @transform_7, window_bounds = array<i64: 1, 512>}, {pipeline_mode = #tpu.pipeline_mode<synchronous>, transform_indices = @transform_8, window_bounds = array<i64: 1, 512>}, {pipeline_mode = #tpu.pipeline_mode<synchronous>, transform_indices = @transform_9, window_bounds = array<i64: 1, 256>}, {pipeline_mode = #tpu.pipeline_mode<synchronous>, transform_indices = @transform_10, window_bounds = array<i64: 1, 512>}, {pipeline_mode = #tpu.pipeline_mode<synchronous>, transform_indices = @transform_11, window_bounds = array<i64: 8, 128>}]} {
    %eq3A = arith.constant 0 : i32
    %eq3A_0 = arith.cmpi eq, %arg0, %eq3A : i32
    %convert_element_type3A = arith.extui %eq3A_0 : i1 to i32
    %cond3A = arith.constant 0 : i32
    %cond3A_1 = arith.cmpi ne, %convert_element_type3A, %cond3A : i32
    scf.if %cond3A_1 {
      %broadcast_in_dim3A_79 = arith.constant 0.000000e+00 : f32
      %broadcast_in_dim3A_80 = vector.broadcast %broadcast_in_dim3A_79 : f32 to vector<8x128xf32>
      %swap3A_81 = arith.constant 0 : index
      %swap3A_82 = arith.constant 0 : index
      %swap3A_83 = vector.load %arg12[%swap3A_81, %swap3A_82] : memref<8x128xf32, #tpu.memory_space<vmem>>, vector<8x128xf32>
      tpu.vector_store %arg12[%swap3A_81, %swap3A_82], %broadcast_in_dim3A_80 {strides = array<i32>} : memref<8x128xf32, #tpu.memory_space<vmem>>, vector<8x128xf32>,
    } else {
    }
    %get3A = arith.constant 0 : index
    %get3A_2 = arith.constant 0 : index
    %get3A_3 = vector.load %arg1[%get3A, %get3A_2] : memref<1280x256xf32, #tpu.memory_space<vmem>>, vector<1280x256xf32>
    %get3A_4 = arith.constant 0 : index
    %get3A_5 = arith.constant 0 : index
    %get3A_6 = vector.load %arg4[%get3A_4, %get3A_5] : memref<256x512xf32, #tpu.memory_space<vmem>>, vector<256x512xf32>
    %dot_general3A = arith.constant dense<0.000000e+00> : vector<1280x512xf32>
    %dot_general3A_7 = tpu.matmul %get3A_3, %get3A_6, %dot_general3A {dimension_numbers = #tpu.dot_dimension_numbers<[1], [0], [0], [1], [0, 0, 1, 1], [], []>, precision = #tpu.contract_precision<fp32>, transpose_lhs_hint = false} : vector<1280x256xf32>, vector<256x512xf32>, vector<1280x512xf32> -> vector<1280x512xf32>
    %get3A_8 = arith.constant 0 : index
    %get3A_9 = arith.constant 0 : index
    %get3A_10 = vector.load %arg2[%get3A_8, %get3A_9] : memref<1280x256xf32, #tpu.memory_space<vmem>>, vector<1280x256xf32>
    %get3A_11 = arith.constant 0 : index
    %get3A_12 = arith.constant 0 : index
    %get3A_13 = vector.load %arg5[%get3A_11, %get3A_12] : memref<256x512xf32, #tpu.memory_space<vmem>>, vector<256x512xf32>
    %dot_general3A_14 = arith.constant dense<0.000000e+00> : vector<1280x512xf32>
    %dot_general3A_15 = tpu.matmul %get3A_10, %get3A_13, %dot_general3A_14 {dimension_numbers = #tpu.dot_dimension_numbers<[1], [0], [0], [1], [0, 0, 1, 1], [], []>, precision = #tpu.contract_precision<fp32>, transpose_lhs_hint = false} : vector<1280x256xf32>, vector<256x512xf32>, vector<1280x512xf32> -> vector<1280x512xf32>
    %add3A = arith.addf %dot_general3A_7, %dot_general3A_15 : vector<1280x512xf32>
    %get3A_16 = arith.constant 0 : index
    %get3A_17 = arith.constant 0 : index
    %get3A_18 = vector.load %arg8[%get3A_16, %get3A_17] : memref<1x512xf32, #tpu.memory_space<vmem>>, vector<1x512xf32>
    %add3A_19 = vector.broadcast %get3A_18 : vector<1x512xf32> to vector<1280x512xf32>
    %add3A_20 = arith.addf %add3A, %add3A_19 : vector<1280x512xf32>
    %max3A = arith.constant 0.000000e+00 : f32
    %max3A_21 = vector.broadcast %max3A : f32 to vector<1280x512xf32>
    %max3A_22 = arith.maximumf %add3A_20, %max3A_21 : vector<1280x512xf32>
    %get3A_23 = arith.constant 0 : index
    %get3A_24 = arith.constant 0 : index
    %get3A_25 = vector.load %arg6[%get3A_23, %get3A_24] : memref<512x512xf32, #tpu.memory_space<vmem>>, vector<512x512xf32>
    %dot_general3A_26 = arith.constant dense<0.000000e+00> : vector<1280x512xf32>
    %dot_general3A_27 = tpu.matmul %max3A_22, %get3A_25, %dot_general3A_26 {dimension_numbers = #tpu.dot_dimension_numbers<[1], [0], [0], [1], [0, 0, 1, 1], [], []>, precision = #tpu.contract_precision<fp32>, transpose_lhs_hint = false} : vector<1280x512xf32>, vector<512x512xf32>, vector<1280x512xf32> -> vector<1280x512xf32>
    %get3A_28 = arith.constant 0 : index
    %get3A_29 = arith.constant 0 : index
    %get3A_30 = vector.load %arg9[%get3A_28, %get3A_29] : memref<1x512xf32, #tpu.memory_space<vmem>>, vector<1x512xf32>
    %add3A_31 = vector.broadcast %get3A_30 : vector<1x512xf32> to vector<1280x512xf32>
    %add3A_32 = arith.addf %dot_general3A_27, %add3A_31 : vector<1280x512xf32>
    %max3A_33 = arith.constant 0.000000e+00 : f32
    %max3A_34 = vector.broadcast %max3A_33 : f32 to vector<1280x512xf32>
    %max3A_35 = arith.maximumf %add3A_32, %max3A_34 : vector<1280x512xf32>
    %get3A_36 = arith.constant 0 : index
    %get3A_37 = arith.constant 0 : index
    %get3A_38 = vector.load %arg11[%get3A_36, %get3A_37] : memref<1x512xf32, #tpu.memory_space<vmem>>, vector<1x512xf32>
    %slice3A = vector.extract_strided_slice %get3A_38 {offsets = [0, 256], sizes = [1, 256], strides = [1, 1]} : vector<1x512xf32> to vector<1x256xf32>
    %get3A_39 = arith.constant 0 : index
    %get3A_40 = arith.constant 0 : index
    %get3A_41 = vector.load %arg7[%get3A_39, %get3A_40] : memref<512x256xf32, #tpu.memory_space<vmem>>, vector<512x256xf32>
    %mul3A = vector.broadcast %slice3A : vector<1x256xf32> to vector<512x256xf32>
    %mul3A_42 = arith.mulf %get3A_41, %mul3A : vector<512x256xf32>
    %reduce_sum3A = arith.constant dense<0.000000e+00> : vector<512xf32>
    %reduce_sum3A_43 = vector.multi_reduction <add>, %mul3A_42, %reduce_sum3A [1] : vector<512x256xf32> to vector<512xf32>
    %broadcast_in_dim3A = vector.shape_cast %reduce_sum3A_43 : vector<512xf32> to vector<1x512xf32>
    %get3A_44 = arith.constant 0 : index
    %get3A_45 = arith.constant 0 : index
    %get3A_46 = vector.load %arg10[%get3A_44, %get3A_45] : memref<1x256xf32, #tpu.memory_space<vmem>>, vector<1x256xf32>
    %mul3A_47 = arith.mulf %get3A_46, %slice3A : vector<1x256xf32>
    %reduce_sum3A_48 = vector.shape_cast %mul3A_47 : vector<1x256xf32> to vector<1x1x256xf32>
    %reduce_sum3A_49 = arith.constant dense<0.000000e+00> : vector<1xf32>
    %reduce_sum3A_50 = vector.multi_reduction <add>, %reduce_sum3A_48, %reduce_sum3A_49 [1, 2] : vector<1x1x256xf32> to vector<1xf32>
    %reduce_sum3A_51 = vector.shape_cast %reduce_sum3A_50 : vector<1xf32> to vector<1x1x1xf32>
    %reduce_sum3A_52 = vector.extract %reduce_sum3A_51[0, 0, 0] : f32 from vector<1x1x1xf32>
    %mul3A_53 = vector.broadcast %broadcast_in_dim3A : vector<1x512xf32> to vector<1280x512xf32>
    %mul3A_54 = arith.mulf %max3A_35, %mul3A_53 : vector<1280x512xf32>
    %reduce_sum3A_55 = arith.constant dense<0.000000e+00> : vector<1280xf32>
    %reduce_sum3A_56 = vector.multi_reduction <add>, %mul3A_54, %reduce_sum3A_55 [1] : vector<1280x512xf32> to vector<1280xf32>
    %broadcast_in_dim3A_57 = vector.shape_cast %reduce_sum3A_56 : vector<1280xf32> to vector<1280x1xf32>
    %add3A_58 = vector.broadcast %reduce_sum3A_52 : f32 to vector<1280x1xf32>
    %add3A_59 = arith.addf %broadcast_in_dim3A_57, %add3A_58 : vector<1280x1xf32>
    %get3A_60 = arith.constant 0 : index
    %get3A_61 = arith.constant 0 : index
    %get3A_62 = arith.constant 0 : index
    %get3A_63 = vector.load %arg3[%get3A_60, %get3A_61, %get3A_62] : memref<1x1280x1xi32, #tpu.memory_space<vmem>>, vector<1x1280x1xi32>
    %get3A_64 = vector.shape_cast %get3A_63 : vector<1x1280x1xi32> to vector<1280x1xi32>
    %iota3A = tpu.iota {dimensions = array<i32: 1>} : vector<1280x128xi32>
    %eq3A_65 = vector.broadcast %get3A_64 : vector<1280x1xi32> to vector<1280x128xi32>
    %eq3A_66 = arith.cmpi eq, %iota3A, %eq3A_65 : vector<1280x128xi32>
    %jit3A = arith.constant 0.000000e+00 : f32
    %broadcast_in_dim3A_67 = vector.shape_cast %add3A_59 : vector<1280x1xf32> to vector<1280x1xf32>
    %broadcast_in_dim3A_68 = vector.broadcast %broadcast_in_dim3A_67 : vector<1280x1xf32> to vector<1280x128xf32>
    %broadcast_in_dim3A_69 = vector.broadcast %jit3A : f32 to vector<1280x128xf32>
    %select_n3A = arith.select %eq3A_66, %broadcast_in_dim3A_68, %broadcast_in_dim3A_69 : vector<1280x128xi1>, vector<1280x128xf32>
    %reduce_sum3A_70 = arith.constant dense<0.000000e+00> : vector<128xf32>
    %reduce_sum3A_71 = vector.multi_reduction <add>, %select_n3A, %reduce_sum3A_70 [0] : vector<1280x128xf32> to vector<128xf32>
    %get3A_72 = arith.constant 0 : index
    %get3A_73 = arith.constant 0 : index
    %get3A_74 = vector.load %arg12[%get3A_72, %get3A_73] : memref<8x128xf32, #tpu.memory_space<vmem>>, vector<1x128xf32>
    %broadcast_in_dim3A_75 = vector.shape_cast %reduce_sum3A_71 : vector<128xf32> to vector<1x128xf32>
    %add3A_76 = arith.addf %get3A_74, %broadcast_in_dim3A_75 : vector<1x128xf32>
    %swap3A = arith.constant 0 : index
    %swap3A_77 = arith.constant 0 : index
    %swap3A_78 = vector.load %arg12[%swap3A, %swap3A_77] : memref<8x128xf32, #tpu.memory_space<vmem>>, vector<1x128xf32>
    tpu.vector_store %arg12[%swap3A, %swap3A_77], %add3A_76 {strides = array<i32>} : memref<8x128xf32, #tpu.memory_space<vmem>>, vector<1x128xf32>,
    return
  }
  func.func @transform_0(%arg0: i32) -> (i32, i32) {
    %c0_i32 = arith.constant 0 : i32
    %c0_i32_0 = arith.constant 0 : i32
    return %arg0, %c0_i32 : i32, i32
  }
  func.func @transform_1(%arg0: i32) -> (i32, i32) {
    %c0_i32 = arith.constant 0 : i32
    %c0_i32_0 = arith.constant 0 : i32
    return %arg0, %c0_i32 : i32, i32
  }
  func.func @transform_2(%arg0: i32) -> (i32, i32, i32) {
    %c0_i32 = arith.constant 0 : i32
    %c0_i32_0 = arith.constant 0 : i32
    %c0_i32_1 = arith.constant 0 : i32
    return %arg0, %c0_i32, %c0_i32_0 : i32, i32, i32
  }
  func.func @transform_3(%arg0: i32) -> (i32, i32) {
    %c0_i32 = arith.constant 0 : i32
    %c0_i32_0 = arith.constant 0 : i32
    %c0_i32_1 = arith.constant 0 : i32
    return %c0_i32, %c0_i32_0 : i32, i32
  }
  func.func @transform_4(%arg0: i32) -> (i32, i32) {
    %c0_i32 = arith.constant 0 : i32
    %c0_i32_0 = arith.constant 0 : i32
    %c0_i32_1 = arith.constant 0 : i32
    return %c0_i32, %c0_i32_0 : i32, i32
  }
  func.func @transform_5(%arg0: i32) -> (i32, i32) {
    %c0_i32 = arith.constant 0 : i32
    %c0_i32_0 = arith.constant 0 : i32
    %c0_i32_1 = arith.constant 0 : i32
    return %c0_i32, %c0_i32_0 : i32, i32
  }
  func.func @transform_6(%arg0: i32) -> (i32, i32) {
    %c0_i32 = arith.constant 0 : i32
    %c0_i32_0 = arith.constant 0 : i32
    %c0_i32_1 = arith.constant 0 : i32
    return %c0_i32, %c0_i32_0 : i32, i32
  }
  func.func @transform_7(%arg0: i32) -> (i32, i32) {
    %c0_i32 = arith.constant 0 : i32
    %c0_i32_0 = arith.constant 0 : i32
    %c0_i32_1 = arith.constant 0 : i32
    return %c0_i32, %c0_i32_0 : i32, i32
  }
  func.func @transform_8(%arg0: i32) -> (i32, i32) {
    %c0_i32 = arith.constant 0 : i32
    %c0_i32_0 = arith.constant 0 : i32
    %c0_i32_1 = arith.constant 0 : i32
    return %c0_i32, %c0_i32_0 : i32, i32
  }
  func.func @transform_9(%arg0: i32) -> (i32, i32) {
    %c0_i32 = arith.constant 0 : i32
    %c0_i32_0 = arith.constant 0 : i32
    %c0_i32_1 = arith.constant 0 : i32
    return %c0_i32, %c0_i32_0 : i32, i32
  }
  func.func @transform_10(%arg0: i32) -> (i32, i32) {
    %c0_i32 = arith.constant 0 : i32
    %c0_i32_0 = arith.constant 0 : i32
    %c0_i32_1 = arith.constant 0 : i32
    return %c0_i32, %c0_i32_0 : i32, i32
  }
  func.func @transform_11(%arg0: i32) -> (i32, i32) {
    %c0_i32 = arith.constant 0 : i32
    %c0_i32_0 = arith.constant 0 : i32
    %c0_i32_1 = arith.constant 0 : i32
    return %c0_i32, %c0_i32_0 : i32, i32
  }
}

module attributes {stable_mosaic.version = 14 : i64} {
  func.func @_tc_edge_body(%arg0: i32, %arg1: memref<1280x256xf32, #tpu.memory_space<vmem>>, %arg2: memref<1280x256xf32, #tpu.memory_space<vmem>>, %arg3: memref<1x1280x1xi32, #tpu.memory_space<vmem>>, %arg4: memref<256x512xf32, #tpu.memory_space<vmem>>, %arg5: memref<256x512xf32, #tpu.memory_space<vmem>>, %arg6: memref<512x512xf32, #tpu.memory_space<vmem>>, %arg7: memref<512x256xf32, #tpu.memory_space<vmem>>, %arg8: memref<1x512xf32, #tpu.memory_space<vmem>>, %arg9: memref<1x512xf32, #tpu.memory_space<vmem>>, %arg10: memref<1x256xf32, #tpu.memory_space<vmem>>, %arg11: memref<1x512xf32, #tpu.memory_space<vmem>>, %arg12: memref<8x128xf32, #tpu.memory_space<vmem>>) attributes {dimension_semantics = [#tpu.dimension_semantics<arbitrary>], iteration_bounds = array<i64: 61>, scalar_prefetch = 0 : i64, scratch_operands = 0 : i64, tpu.core_type = #tpu.core_type<tc>, window_params = [{transform_indices = @transform_0, window_bounds = array<i64: 1280, 256>}, {transform_indices = @transform_1, window_bounds = array<i64: 1280, 256>}, {transform_indices = @transform_2, window_bounds = array<i64: 1, 1280, 1>}, {pipeline_mode = #tpu.pipeline_mode<synchronous>, transform_indices = @transform_3, window_bounds = array<i64: 256, 512>}, {pipeline_mode = #tpu.pipeline_mode<synchronous>, transform_indices = @transform_4, window_bounds = array<i64: 256, 512>}, {pipeline_mode = #tpu.pipeline_mode<synchronous>, transform_indices = @transform_5, window_bounds = array<i64: 512, 512>}, {pipeline_mode = #tpu.pipeline_mode<synchronous>, transform_indices = @transform_6, window_bounds = array<i64: 512, 256>}, {pipeline_mode = #tpu.pipeline_mode<synchronous>, transform_indices = @transform_7, window_bounds = array<i64: 1, 512>}, {pipeline_mode = #tpu.pipeline_mode<synchronous>, transform_indices = @transform_8, window_bounds = array<i64: 1, 512>}, {pipeline_mode = #tpu.pipeline_mode<synchronous>, transform_indices = @transform_9, window_bounds = array<i64: 1, 256>}, {pipeline_mode = #tpu.pipeline_mode<synchronous>, transform_indices = @transform_10, window_bounds = array<i64: 1, 512>}, {pipeline_mode = #tpu.pipeline_mode<synchronous>, transform_indices = @transform_11, window_bounds = array<i64: 8, 128>}]} {
    %eq3A = arith.constant 0 : i32
    %eq3A_0 = arith.cmpi eq, %arg0, %eq3A : i32
    %convert_element_type3A = arith.extui %eq3A_0 : i1 to i32
    %cond3A = arith.constant 0 : i32
    %cond3A_1 = arith.cmpi ne, %convert_element_type3A, %cond3A : i32
    scf.if %cond3A_1 {
      %broadcast_in_dim3A_79 = arith.constant 0.000000e+00 : f32
      %broadcast_in_dim3A_80 = vector.broadcast %broadcast_in_dim3A_79 : f32 to vector<8x128xf32>
      %swap3A_81 = arith.constant 0 : index
      %swap3A_82 = arith.constant 0 : index
      %swap3A_83 = vector.load %arg12[%swap3A_81, %swap3A_82] : memref<8x128xf32, #tpu.memory_space<vmem>>, vector<8x128xf32>
      tpu.vector_store %arg12[%swap3A_81, %swap3A_82], %broadcast_in_dim3A_80 {strides = array<i32>} : memref<8x128xf32, #tpu.memory_space<vmem>>, vector<8x128xf32>,
    } else {
    }
    %get3A = arith.constant 0 : index
    %get3A_2 = arith.constant 0 : index
    %get3A_3 = vector.load %arg1[%get3A, %get3A_2] : memref<1280x256xf32, #tpu.memory_space<vmem>>, vector<1280x256xf32>
    %get3A_4 = arith.constant 0 : index
    %get3A_5 = arith.constant 0 : index
    %get3A_6 = vector.load %arg4[%get3A_4, %get3A_5] : memref<256x512xf32, #tpu.memory_space<vmem>>, vector<256x512xf32>
    %dot_general3A = arith.constant dense<0.000000e+00> : vector<1280x512xf32>
    %dot_general3A_7 = tpu.matmul %get3A_3, %get3A_6, %dot_general3A {dimension_numbers = #tpu.dot_dimension_numbers<[1], [0], [0], [1], [0, 0, 1, 1], [], []>, precision = #tpu.contract_precision<fp32>, transpose_lhs_hint = false} : vector<1280x256xf32>, vector<256x512xf32>, vector<1280x512xf32> -> vector<1280x512xf32>
    %get3A_8 = arith.constant 0 : index
    %get3A_9 = arith.constant 0 : index
    %get3A_10 = vector.load %arg2[%get3A_8, %get3A_9] : memref<1280x256xf32, #tpu.memory_space<vmem>>, vector<1280x256xf32>
    %get3A_11 = arith.constant 0 : index
    %get3A_12 = arith.constant 0 : index
    %get3A_13 = vector.load %arg5[%get3A_11, %get3A_12] : memref<256x512xf32, #tpu.memory_space<vmem>>, vector<256x512xf32>
    %dot_general3A_14 = arith.constant dense<0.000000e+00> : vector<1280x512xf32>
    %dot_general3A_15 = tpu.matmul %get3A_10, %get3A_13, %dot_general3A_14 {dimension_numbers = #tpu.dot_dimension_numbers<[1], [0], [0], [1], [0, 0, 1, 1], [], []>, precision = #tpu.contract_precision<fp32>, transpose_lhs_hint = false} : vector<1280x256xf32>, vector<256x512xf32>, vector<1280x512xf32> -> vector<1280x512xf32>
    %add3A = arith.addf %dot_general3A_7, %dot_general3A_15 : vector<1280x512xf32>
    %get3A_16 = arith.constant 0 : index
    %get3A_17 = arith.constant 0 : index
    %get3A_18 = vector.load %arg8[%get3A_16, %get3A_17] : memref<1x512xf32, #tpu.memory_space<vmem>>, vector<1x512xf32>
    %add3A_19 = vector.broadcast %get3A_18 : vector<1x512xf32> to vector<1280x512xf32>
    %add3A_20 = arith.addf %add3A, %add3A_19 : vector<1280x512xf32>
    %max3A = arith.constant 0.000000e+00 : f32
    %max3A_21 = vector.broadcast %max3A : f32 to vector<1280x512xf32>
    %max3A_22 = arith.maximumf %add3A_20, %max3A_21 : vector<1280x512xf32>
    %get3A_23 = arith.constant 0 : index
    %get3A_24 = arith.constant 0 : index
    %get3A_25 = vector.load %arg6[%get3A_23, %get3A_24] : memref<512x512xf32, #tpu.memory_space<vmem>>, vector<512x512xf32>
    %dot_general3A_26 = arith.constant dense<0.000000e+00> : vector<1280x512xf32>
    %dot_general3A_27 = tpu.matmul %max3A_22, %get3A_25, %dot_general3A_26 {dimension_numbers = #tpu.dot_dimension_numbers<[1], [0], [0], [1], [0, 0, 1, 1], [], []>, precision = #tpu.contract_precision<fp32>, transpose_lhs_hint = false} : vector<1280x512xf32>, vector<512x512xf32>, vector<1280x512xf32> -> vector<1280x512xf32>
    %get3A_28 = arith.constant 0 : index
    %get3A_29 = arith.constant 0 : index
    %get3A_30 = vector.load %arg9[%get3A_28, %get3A_29] : memref<1x512xf32, #tpu.memory_space<vmem>>, vector<1x512xf32>
    %add3A_31 = vector.broadcast %get3A_30 : vector<1x512xf32> to vector<1280x512xf32>
    %add3A_32 = arith.addf %dot_general3A_27, %add3A_31 : vector<1280x512xf32>
    %max3A_33 = arith.constant 0.000000e+00 : f32
    %max3A_34 = vector.broadcast %max3A_33 : f32 to vector<1280x512xf32>
    %max3A_35 = arith.maximumf %add3A_32, %max3A_34 : vector<1280x512xf32>
    %get3A_36 = arith.constant 0 : index
    %get3A_37 = arith.constant 0 : index
    %get3A_38 = vector.load %arg11[%get3A_36, %get3A_37] : memref<1x512xf32, #tpu.memory_space<vmem>>, vector<1x512xf32>
    %slice3A = vector.extract_strided_slice %get3A_38 {offsets = [0, 256], sizes = [1, 256], strides = [1, 1]} : vector<1x512xf32> to vector<1x256xf32>
    %get3A_39 = arith.constant 0 : index
    %get3A_40 = arith.constant 0 : index
    %get3A_41 = vector.load %arg7[%get3A_39, %get3A_40] : memref<512x256xf32, #tpu.memory_space<vmem>>, vector<512x256xf32>
    %mul3A = vector.broadcast %slice3A : vector<1x256xf32> to vector<512x256xf32>
    %mul3A_42 = arith.mulf %get3A_41, %mul3A : vector<512x256xf32>
    %reduce_sum3A = arith.constant dense<0.000000e+00> : vector<512xf32>
    %reduce_sum3A_43 = vector.multi_reduction <add>, %mul3A_42, %reduce_sum3A [1] : vector<512x256xf32> to vector<512xf32>
    %broadcast_in_dim3A = vector.shape_cast %reduce_sum3A_43 : vector<512xf32> to vector<1x512xf32>
    %get3A_44 = arith.constant 0 : index
    %get3A_45 = arith.constant 0 : index
    %get3A_46 = vector.load %arg10[%get3A_44, %get3A_45] : memref<1x256xf32, #tpu.memory_space<vmem>>, vector<1x256xf32>
    %mul3A_47 = arith.mulf %get3A_46, %slice3A : vector<1x256xf32>
    %reduce_sum3A_48 = vector.shape_cast %mul3A_47 : vector<1x256xf32> to vector<1x1x256xf32>
    %reduce_sum3A_49 = arith.constant dense<0.000000e+00> : vector<1xf32>
    %reduce_sum3A_50 = vector.multi_reduction <add>, %reduce_sum3A_48, %reduce_sum3A_49 [1, 2] : vector<1x1x256xf32> to vector<1xf32>
    %reduce_sum3A_51 = vector.shape_cast %reduce_sum3A_50 : vector<1xf32> to vector<1x1x1xf32>
    %reduce_sum3A_52 = vector.extract %reduce_sum3A_51[0, 0, 0] : f32 from vector<1x1x1xf32>
    %mul3A_53 = vector.broadcast %broadcast_in_dim3A : vector<1x512xf32> to vector<1280x512xf32>
    %mul3A_54 = arith.mulf %max3A_35, %mul3A_53 : vector<1280x512xf32>
    %reduce_sum3A_55 = arith.constant dense<0.000000e+00> : vector<1280xf32>
    %reduce_sum3A_56 = vector.multi_reduction <add>, %mul3A_54, %reduce_sum3A_55 [1] : vector<1280x512xf32> to vector<1280xf32>
    %broadcast_in_dim3A_57 = vector.shape_cast %reduce_sum3A_56 : vector<1280xf32> to vector<1280x1xf32>
    %add3A_58 = vector.broadcast %reduce_sum3A_52 : f32 to vector<1280x1xf32>
    %add3A_59 = arith.addf %broadcast_in_dim3A_57, %add3A_58 : vector<1280x1xf32>
    %get3A_60 = arith.constant 0 : index
    %get3A_61 = arith.constant 0 : index
    %get3A_62 = arith.constant 0 : index
    %get3A_63 = vector.load %arg3[%get3A_60, %get3A_61, %get3A_62] : memref<1x1280x1xi32, #tpu.memory_space<vmem>>, vector<1x1280x1xi32>
    %get3A_64 = vector.shape_cast %get3A_63 : vector<1x1280x1xi32> to vector<1280x1xi32>
    %iota3A = tpu.iota {dimensions = array<i32: 1>} : vector<1280x128xi32>
    %eq3A_65 = vector.broadcast %get3A_64 : vector<1280x1xi32> to vector<1280x128xi32>
    %eq3A_66 = arith.cmpi eq, %iota3A, %eq3A_65 : vector<1280x128xi32>
    %jit3A = arith.constant 0.000000e+00 : f32
    %broadcast_in_dim3A_67 = vector.shape_cast %add3A_59 : vector<1280x1xf32> to vector<1280x1xf32>
    %broadcast_in_dim3A_68 = vector.broadcast %broadcast_in_dim3A_67 : vector<1280x1xf32> to vector<1280x128xf32>
    %broadcast_in_dim3A_69 = vector.broadcast %jit3A : f32 to vector<1280x128xf32>
    %select_n3A = arith.select %eq3A_66, %broadcast_in_dim3A_68, %broadcast_in_dim3A_69 : vector<1280x128xi1>, vector<1280x128xf32>
    %reduce_sum3A_70 = arith.constant dense<0.000000e+00> : vector<128xf32>
    %reduce_sum3A_71 = vector.multi_reduction <add>, %select_n3A, %reduce_sum3A_70 [0] : vector<1280x128xf32> to vector<128xf32>
    %get3A_72 = arith.constant 0 : index
    %get3A_73 = arith.constant 0 : index
    %get3A_74 = vector.load %arg12[%get3A_72, %get3A_73] : memref<8x128xf32, #tpu.memory_space<vmem>>, vector<1x128xf32>
    %broadcast_in_dim3A_75 = vector.shape_cast %reduce_sum3A_71 : vector<128xf32> to vector<1x128xf32>
    %add3A_76 = arith.addf %get3A_74, %broadcast_in_dim3A_75 : vector<1x128xf32>
    %swap3A = arith.constant 0 : index
    %swap3A_77 = arith.constant 0 : index
    %swap3A_78 = vector.load %arg12[%swap3A, %swap3A_77] : memref<8x128xf32, #tpu.memory_space<vmem>>, vector<1x128xf32>
    tpu.vector_store %arg12[%swap3A, %swap3A_77], %add3A_76 {strides = array<i32>} : memref<8x128xf32, #tpu.memory_space<vmem>>, vector<1x128xf32>,
    return
  }
  func.func @transform_0(%arg0: i32) -> (i32, i32) {
    %c0_i32 = arith.constant 0 : i32
    %c0_i32_0 = arith.constant 0 : i32
    return %arg0, %c0_i32 : i32, i32
  }
  func.func @transform_1(%arg0: i32) -> (i32, i32) {
    %c0_i32 = arith.constant 0 : i32
    %c0_i32_0 = arith.constant 0 : i32
    return %arg0, %c0_i32 : i32, i32
  }
  func.func @transform_2(%arg0: i32) -> (i32, i32, i32) {
    %c0_i32 = arith.constant 0 : i32
    %c0_i32_0 = arith.constant 0 : i32
    %c0_i32_1 = arith.constant 0 : i32
    return %arg0, %c0_i32, %c0_i32_0 : i32, i32, i32
  }
  func.func @transform_3(%arg0: i32) -> (i32, i32) {
    %c0_i32 = arith.constant 0 : i32
    %c0_i32_0 = arith.constant 0 : i32
    %c0_i32_1 = arith.constant 0 : i32
    return %c0_i32, %c0_i32_0 : i32, i32
  }
  func.func @transform_4(%arg0: i32) -> (i32, i32) {
    %c0_i32 = arith.constant 0 : i32
    %c0_i32_0 = arith.constant 0 : i32
    %c0_i32_1 = arith.constant 0 : i32
    return %c0_i32, %c0_i32_0 : i32, i32
  }
  func.func @transform_5(%arg0: i32) -> (i32, i32) {
    %c0_i32 = arith.constant 0 : i32
    %c0_i32_0 = arith.constant 0 : i32
    %c0_i32_1 = arith.constant 0 : i32
    return %c0_i32, %c0_i32_0 : i32, i32
  }
  func.func @transform_6(%arg0: i32) -> (i32, i32) {
    %c0_i32 = arith.constant 0 : i32
    %c0_i32_0 = arith.constant 0 : i32
    %c0_i32_1 = arith.constant 0 : i32
    return %c0_i32, %c0_i32_0 : i32, i32
  }
  func.func @transform_7(%arg0: i32) -> (i32, i32) {
    %c0_i32 = arith.constant 0 : i32
    %c0_i32_0 = arith.constant 0 : i32
    %c0_i32_1 = arith.constant 0 : i32
    return %c0_i32, %c0_i32_0 : i32, i32
  }
  func.func @transform_8(%arg0: i32) -> (i32, i32) {
    %c0_i32 = arith.constant 0 : i32
    %c0_i32_0 = arith.constant 0 : i32
    %c0_i32_1 = arith.constant 0 : i32
    return %c0_i32, %c0_i32_0 : i32, i32
  }
  func.func @transform_9(%arg0: i32) -> (i32, i32) {
    %c0_i32 = arith.constant 0 : i32
    %c0_i32_0 = arith.constant 0 : i32
    %c0_i32_1 = arith.constant 0 : i32
    return %c0_i32, %c0_i32_0 : i32, i32
  }
  func.func @transform_10(%arg0: i32) -> (i32, i32) {
    %c0_i32 = arith.constant 0 : i32
    %c0_i32_0 = arith.constant 0 : i32
    %c0_i32_1 = arith.constant 0 : i32
    return %c0_i32, %c0_i32_0 : i32, i32
  }
  func.func @transform_11(%arg0: i32) -> (i32, i32) {
    %c0_i32 = arith.constant 0 : i32
    %c0_i32_0 = arith.constant 0 : i32
    %c0_i32_1 = arith.constant 0 : i32
    return %c0_i32, %c0_i32_0 : i32, i32
  }
}

</mosaic_0001>

<sc_bundles>
// kernel: kernel.10.cloned.1.call-start
scs
__scs_entry_jumppad:
0x0: {  	(pc) =	sbr.rel $0x88, $3  }
0x1: {  	(tag) =	ssettag $0x0;
	lr =	simm.s32 $0x1  }
0x2: {  	[smem:$0x3F96] =	sst lr;
	_ =	strace $0xD0000000  }
0x3: {  	_ = 	snop  }
0x4: {  	_ = 	snop  }
0x5: {  	_ = 	snop  }
0x6: {  	_ = 	snop  }
0x7: {  	_ = 	snop  }
__scs_overlays_trampoline_lowered:
0x8: {  	[smem:$0x3FA5] =	sst s0  }
0x9: {  	[smem:$0x3FA6] =	sst s1  }
0xa: {  	[smem:$0x3FA7] =	sst s2  }
0xb: {  	[smem:$0x3FA8] =	sst s3  }
0xc: {  	[smem:$0x3FA9] =	sst s4  }
0xd: {  	[smem:$0x3FAA] =	sst s5  }
0xe: {  	[smem:$0x3FAB] =	sst s6  }
0xf: {  	[smem:$0x3FAC] =	sst s7  }
0x10: {  	[smem:$0x3FAD] =	sst s8  }
0x11: {  	[smem:$0x3FAE] =	sst s9;
	s0 =	simm.s32 @!p0 $0x0  }
0x12: {  	s1 =	sld [smem:$0x3F94];
	s0 =	simm.s32 @p0 $0x1  }
0x13: {  	[smem:$0x3FAF] =	sst s0;
	s0 =	simm.s32 @!p1 $0x0  }
0x14: {  	s2 =	sld [smem:$0x3F93];
	s0 =	simm.s32 @p1 $0x1  }
0x15: {  	[smem:$0x3FB0] =	sst s0;
	s0 =	simm.s32 @!p2 $0x0  }
0x16: {  	s3 =	sld [smem:$0x3FDB];
	s0 =	simm.s32 @p2 $0x1  }
0x17: {  	s4 =	simm.s32 $0x1BF5;
	[smem:$0x3FB2] =	sst s0  }
0x18: {  	s0 =	sld [smem:$0x3F95];
	_ =	swait.ge [sflag:s4], $0x0  }
0x19: {  	s7 =	sld [smem:$0x3F96]  }
0x1a: {  	s8 =	sadd.s32 $0xFFFFE003, lr  }
0x1b: {  	s9 =	sadd.s32 $0xFFFFFEF7, lr;
	s5 =	simm.s32 $0xFFFFFFFF;
	p2 =	slt.u32 s8, $0xFFFFF086  }
0x1c: {  	p1 =	slt.u32 s9, $0xF7A;
	s5 =	simm.s32 @!p2 $0x0  }
0x1d: {  	s5 =	simm.s32 @p1 $0x1;
	p0 =	seq.s32 s7, s2  }
0x1e: {  	s7 =	smul.u32 @!p0 $0xF7A, s2;
	p2 =	seq.s32 @!p0 s5, $0x0  }
0x1f: {  	s9 =	smul.u32 $0xF7A, s1;
	s8 =	simm.s32 @!p0 $0x1BF5;
	p2 =	por !p2, p0  }
0x20: {  	[sflag:s8] =	ssyncset.s32 @!p0 $0xFFFFF086;
	s6 =	sadd.s32 @!p0 s3, s7;
	s7 =	simm.s32 @!p0 $0x108  }
0x21: {  	s3 =	sadd.s32 s3, s9;
	s6 =	sadd.s32 @!p0 $0x88, s6;
	s7 =	simm.s32 @p2 $0x1082  }
0x22: {  	[simem:s7], [sflag:s8] =	dma.local @!p0 [hbm:s6], $0xF7A  }
0x23: {  	s9 =	sor.u32 $0xD0000000, s2;
	s6 =	simm.s32 $0x108;
	_ =	swait.ge @!p0 [sflag:s8], $0x0  }
0x24: {  	s3 =	sadd.s32 $0x88, s3;
	s6 =	simm.s32 @!p1 $0x1082;
	[sflag:s4] =	ssyncset.s32 $0xFFFFF086  }
0x25: {  	[simem:s6], [sflag:s4] =	dma.local [hbm:s3], $0xF7A  }
0x26: {  	[smem:$0x3F96] =	sst s1;
	(tag) =	ssettag s2;
	_ =	strace s9  }
0x27: {  	s1 =	sld [smem:$0x3FA6]  }
0x28: {  	s2 =	sld [smem:$0x3FA7]  }
0x29: {  	s4 =	sld [smem:$0x3FA9]  }
0x2a: {  	p0 =	seq.s32 s5, $0x0;
	s5 =	sld [smem:$0x3FAA]  }
0x2b: {  	s6 =	sld [smem:$0x3FAB]  }
0x2c: {  	s7 =	sld [smem:$0x3FAC]  }
0x2d: {  	s3 =	simm.s32 $0x108;
	s8 =	sld [smem:$0x3FAD]  }
0x2e: {  	s3 =	simm.s32 @!p0 $0x1082;
	s9 =	sld [smem:$0x3FAE]  }
0x2f: {  	lr =	sadd.s32 s0, s3;
	s0 =	sld [smem:$0x3FA5]  }
0x30: {  	s3 =	sld [smem:$0x3FA8]  }
0x31: {  	[smem:$0x3FB1] =	sst s10  }
0x32: {  	s10 =	sld [smem:$0x3FAF];
	_ =	sdelay $0x3  }
0x33: {  	p0 =	seq.s32 s10, $0x1;
	s10 =	sld [smem:$0x3FB1];
	_ =	sdelay $0x3  }
0x34: {  	[smem:$0x3FB1] =	sst s10  }
0x35: {  	s10 =	sld [smem:$0x3FB0];
	_ =	sdelay $0x3  }
0x36: {  	p1 =	seq.s32 s10, $0x1;
	s10 =	sld [smem:$0x3FB1];
	_ =	sdelay $0x3  }
0x37: {  	[smem:$0x3FB1] =	sst s10  }
0x38: {  	s10 =	sld [smem:$0x3FB2]  }
0x39: {  	_ = 	snop;
	(pc) =	sbr.ind lr, $3  }
0x3a: {  	_ = 	snop  }
0x3b: {  	_ = 	snop  }
0x3c: {  	p2 =	seq.s32 s10, $0x1;
	s10 =	sld [smem:$0x3FB1]  }
0x3d: {  	_ =	shalt  }
0x3e: {  	_ =	shalt  }
0x3f: {  	_ =	shalt  }
0x40: {  	_ =	shalt  }
0x41: {  	_ =	shalt  }
0x42: {  	_ =	shalt  }
0x43: {  	_ =	shalt  }
0x44: {  	_ =	shalt  }
0x45: {  	_ =	shalt  }
0x46: {  	_ =	shalt  }
0x47: {  	_ =	shalt  }
0x48: {  	_ =	shalt  }
0x49: {  	_ =	shalt  }
0x4a: {  	_ =	shalt  }
0x4b: {  	_ =	shalt  }
0x4c: {  	_ =	shalt  }
0x4d: {  	_ =	shalt  }
0x4e: {  	_ =	shalt  }
0x4f: {  	_ =	shalt  }
0x50: {  	_ =	shalt  }
0x51: {  	_ =	shalt  }
0x52: {  	_ =	shalt  }
0x53: {  	_ =	shalt  }
0x54: {  	_ =	shalt  }
0x55: {  	_ =	shalt  }
0x56: {  	_ =	shalt  }
0x57: {  	_ =	shalt  }
0x58: {  	_ =	shalt  }
0x59: {  	_ =	shalt  }
0x5a: {  	_ =	shalt  }
0x5b: {  	_ =	shalt  }
0x5c: {  	_ =	shalt  }
0x5d: {  	_ =	shalt  }
0x5e: {  	_ =	shalt  }
0x5f: {  	_ =	shalt  }
0x60: {  	_ =	shalt  }
0x61: {  	_ =	shalt  }
0x62: {  	_ =	shalt  }
0x63: {  	_ =	shalt  }
0x64: {  	_ =	shalt  }
0x65: {  	_ =	shalt  }
0x66: {  	_ =	shalt  }
0x67: {  	_ =	shalt  }
0x68: {  	_ =	shalt  }
0x69: {  	_ =	shalt  }
0x6a: {  	_ =	shalt  }
0x6b: {  	_ =	shalt  }
0x6c: {  	_ =	shalt  }
0x6d: {  	_ =	shalt  }
0x6e: {  	_ =	shalt  }
0x6f: {  	_ =	shalt  }
0x70: {  	_ =	shalt  }
0x71: {  	_ =	shalt  }
0x72: {  	_ =	shalt  }
0x73: {  	_ =	shalt  }
0x74: {  	_ =	shalt  }
0x75: {  	_ =	shalt  }
0x76: {  	_ =	shalt  }
0x77: {  	_ =	shalt  }
0x78: {  	_ =	shalt  }
0x79: {  	_ =	shalt  }
0x7a: {  	_ =	shalt  }
0x7b: {  	_ =	shalt  }
0x7c: {  	_ =	shalt  }
0x7d: {  	_ =	shalt  }
0x7e: {  	_ =	shalt  }
0x7f: {  	_ =	shalt  }
0x80: {  	_ =	shalt  }
0x81: {  	_ =	shalt  }
0x82: {  	_ =	shalt  }
0x83: {  	_ =	shalt  }
0x84: {  	_ =	shalt  }
0x85: {  	_ =	shalt  }
0x86: {  	_ =	shalt  }
0x87: {  	_ =	shalt  }
.Lfunc_end0:
.L_simem_size_0:
called_computation.1_lowered:
.L_overlay_start_0:
0x88: {  	s2 =	sld [smem:$0x3FD9]  }
0x89: {  	s3 =	sld [smem:$0x3FFE];
	_ =	sdelay $0x1  }
0x8a: {  	s1 =	srdreg.scid  }
0x8b: {  	s0 =	sand.u32 $0x1, s1  }
0x8c: {  	s17 =	sshll.u32 s0, $0xA;
	s2 =	sadd.s32 s3, s2  }
0x8d: {  	s2 =	sadd.s32 s2, s17  }
0x8e: {  	[smem:$0x3FBD] =	sst s2  }
0x8f: {  	_ = 	snop  }
0x90: {  	s4 =	sld [smem:$0x3FC9]  }
0x91: {  	s18 =	sld [smem:$0x3FC7];
	(tm) =	ssettm $0x1  }
0x92: {  	s19 =	sld [smem:$0x3FFB];
	_ =	sdelay $0x3  }
0x93: {  	_ =	strace s19  }
0x94: {  	s2 =	sld [smem:$0x3FFC];
	_ =	sdelay $0x3  }
0x95: {  	_ =	strace s2  }
0x96: {  	s2 =	sld [smem:$0x3FFD];
	_ =	sdelay $0x3  }
0x97: {  	_ =	strace s2  }
0x98: {  	_ =	strace $0x8FFFFFFF  }
0x99: {  	s20 =	sld [smem:$0x3FDB];
	_ =	sdelay $0x1  }
0x9a: {  	s5 =	simm.s32 $_scs_section_size  }
0x9b: {  	s6 =	simm.s32 $_size__tile_overlayer_lowered;
	s7 =	simm.s32 $_tile_overlayer_lowered  }
0x9c: {  	s8 =	simm.s32 $0x1BFF;
	s21 =	sshll.u32 s7, $0x1;
	s5 =	sadd.s32 s5, s20  }
0x9d: {  	s22 =	simm.s32 $0x0;
	s6 =	sshll.u32 s6, $0x1;
	s7 =	sadd.s32 s21, s5  }
0x9e: {  	[timem:s22], [sflag:s8] =	dma.local [hbm:s7], s6  }
0x9f: {  	_ =	swait.ge [sflag:s8], s6  }
0xa0: {  	s6 =	ssub.s32 $0x0, s6;
	[sflag:s8] =	ssyncset.done $0x0  }
0xa1: {  	[sflag:s8] =	ssyncadd.s32 s6;
	_ =	sdelay $0x1  }
0xa2: {  	s23 =	simm.s32 $0x1B8B  }
0xa3: {  	_ =	swait.ge [sflag:s23], $0x1  }
0xa4: {  	[sflag:s23] =	ssyncset.done $0x0  }
0xa5: {  	[sflag:s23] =	ssyncadd.s32 $0xFFFFFFFF  }
0xa6: {  	s6 =	sld [smem:$0x0]  }
0xa7: {  	s7 =	sand.u32 $0xFFFFFFFE, s1  }
0xa8: {  	p0 =	sne.s32 s1, s7  }
0xa9: {  	s7 =	sshll.u32 @p0 s7, $0xE  }
0xaa: {  	s7 =	sadd.s32 @p0 $0x11B8D, s7;
	s8 =	sshll.u32 @p0 s6, $0x11  }
0xab: {  	s7 =	sor.u32 @p0 s8, s7  }
0xac: {  	[sflag:s7] =	ssyncadd.remote.s32 @p0 $0x1;
	_ =	sdelay $0x1  }
0xad: {  	s7 =	simm.s32 @p0 $0x1B8D  }
0xae: {  	_ =	swait.eq @p0 [sflag:s7], $0x1  }
0xaf: {  	[sflag:s7] =	ssyncadd.s32 @p0 $0xFFFFFFFF  }
0xb0: {  	s8 =	sshll.u32 @!p0 s1, $0xE  }
0xb1: {  	s8 =	sor.u32 @!p0 $0x4000, s8;
	s7 =	simm.s32 @!p0 $0x1B8D  }
0xb2: {  	s6 =	sshll.u32 @!p0 s6, $0x11;
	s8 =	sadd.s32 @!p0 $0x11B8D, s8;
	_ =	swait.eq @!p0 [sflag:s7], $0x1  }
0xb3: {  	s6 =	sor.u32 @!p0 s6, s8;
	[sflag:s7] =	ssyncadd.s32 @!p0 $0xFFFFFFFF  }
0xb4: {  	s25 =	simm.s32 $0x1B8E;
	s24 =	sld [smem:$0x3FFE];
	[sflag:s6] =	ssyncadd.remote.s32 @!p0 $0x1  }
0xb5: {  	s26 =	simm.s32 $execute0_lowered;
	[smem:$0x3FD2] =	sst s25  }
0xb6: {  	s7 =	sshll.u32 s26, $0x1;
	_ =	strace $0x80000049;
	[dreg:$0x1] =	wrdreg $0xFFFFFFFF  }
0xb7: {  	s28 =	simm.s32 $_size_execute0_lowered;
	s5 =	sadd.s32 s5, s7;
	[dreg:$0x0] =	wrdreg $0x0  }
0xb8: {  	s7 =	sshll.u32 s28, $0x1;
	[dreg:$0x2] =	wrdreg s5  }
0xb9: {  	[dreg:$0x3] =	wrdreg s7  }
0xba: {  	[dreg:$0x4] =	wrdreg $0xC0  }
0xbb: {  	_ =	task [dreg:s22], $0x5FFFF  }
0xbc: {  	[dreg:$0x1] =	wrdreg $0xFFFFFFFF  }
0xbd: {  	[dreg:$0x0] =	wrdreg $0x60  }
0xbe: {  	[dreg:$0x2] =	wrdreg s4  }
0xbf: {  	[dreg:$0x3] =	wrdreg s24  }
0xc0: {  	[dreg:$0x4] =	wrdreg s18  }
0xc1: {  	[dreg:$0x5] =	wrdreg $0xA  }
0xc2: {  	_ =	task.clear_ibuf [dreg:s22], $0x6FFFF;
	_ =	strace $0x90000049  }
0xc3: {  	s29 =	simm.s32 $0xA;
	_ =	strace $0x8000004B  }
0xc4: {  	_ =	swait.ge [sflag:s29], $0x1  }
0xc5: {  	[sflag:s29] =	ssyncadd.s32 $0xFFFFFFFF  }
0xc6: {  	_ =	strace $0x9000004B  }
0xc7: {  	_ =	sfence  }
0xc8: {  	s30 =	sld [smem:$0x0];
	_ =	sdelay $0x2  }
0xc9: {  	s31 =	sshll.u32 s1, $0xD;
	s1 =	sshrl.u32 s1, $0x2  }
0xca: {  	s4 =	sand.u32 $0x4000, s31;
	s1 =	sadd.s32 s1, s30  }
0xcb: {  	s0 =	sor.u32 s4, s0;
	s1 =	sshll.u32 s1, $0x11  }
0xcc: {  	s0 =	sor.u32 s1, s0  }
0xcd: {  	s0 =	sadd.s32 $0x8F2B, s0  }
0xce: {  	[sflag:s0] =	ssyncadd.remote.s32 $0x1  }
0xcf: {  	_ =	sfence.sel $0xFFFF  }
0xd0: {  	[dreg:$0x0] =	wrdreg $0xFFFFFFFF;
	(pc) =	sbr.abs _section_cstart, $3  }
0xd1: {  	[dreg:$0x1] =	wrdreg $0xFFFFFFFF  }
0xd2: {  	_ =	task.clear_ibuf [dreg:s22], $0x2FFFF;
	_ =	strace $0x9FFFFFFF  }
0xd3: {  	(tm) =	ssettm $0x7FFFFFFF  }
tec
execute0_lowered:
.L_overlay_start_1:
0x0: {  	(tag) =	ssettag $0x1  }
0x1: {  	s0 =	srdreg.scid;
	s1 =	rddreg [dreg:$0x0]  }
0x2: {  	s8 =	stileid.u32;
	s3 =	rddreg [dreg:$0x1];
	s4 =	simm.s32 $0x0  }
0x3: {  	s16 =	simm.s32 $0x7B80;
	s13 =	simm.s32 $0x9B80;
	s10 =	simm.s32 $0x2  }
0x4: {  	s12 =	simm.s32 $0x3;
	s15 =	simm.s32 $0x4;
	s28 =	simm.s32 $0x7  }
0x5: {  	s29 =	simm.s32 $0x8;
	s30 =	simm.s32 $0x9;
	s5 =	smul.u32 $0x28000, s8  }
0x6: {  	s0 =	sand.u32 $0x1, s0;
	s2 =	sshll.u32 s8, $0x1;
	s8 =	smul.u32 $0x1400, s8  }
0x7: {  	[smem:$0x7FF] =	sst s4;
	s2 =	sor.u32 s0, s2;
	s6 =	smul.u32 $0x14000, s0  }
0x8: {  	_ =	strace $0x8000004A;
	s7 =	ssub.s32 $0x2, s0;
	s0 =	smul.u32 $0xA00, s0  }
0x9: {  	s2 =	smul.u32 $0xA00, s2;
	s5 =	sadd.s32 s5, s3;
	s9 =	sshrl.u32 s7, $0x1  }
0xa: {  	s7 =	ssub.s32 s7, s9;
	s20 =	sadd.s32 s6, s5;
	s0 =	sadd.s32 s0, s8  }
0xb: {  	s6 =	simm.s32 $0x0;
	s2 =	sshrl.u32 s2, $0x3;
	s19 =	smax.u32 s7, $0x1  }
0xc: {  	s8 =	sadd.s32 $0x511A00, s20;
	s21 =	sshrl.u32 s0, $0x3;
	s22 =	sor.u32 $0x80, s0  }
0xd: {  	s9 =	sadd.s32 $0x791A00, s20;
	s25 =	sor.u32 $0x60, s0;
	s26 =	sor.u32 $0x20, s0  }
0xe: {  	s0 =	sor.u32 $0x40, s0;
	s7 =	simm.s32 $0x11B80;
	s20 =	simm.s32 $0x13B80  }
0xf: {  	s2 =	sadd.s32 s2, s3;
	s3 =	sadd.s32 $0x50F200, s3;
	[dreg:$0x6] =	wrdreg s19  }
0x10: {  	s24 =	sshrl.u32 s22, $0x3;
	s5 =	sshrl.u32 s26, $0x3;
	s18 =	sadd.s32 $0x50CA00, s2  }
0x11: {  	s0 =	sshrl.u32 s0, $0x3;
	s2 =	sadd.s32 $0x50A200, s2;
	[dreg:$0x4] =	wrdreg s18  }
0x12: {  	s23 =	sadd.s32 s21, s3;
	s31 =	sadd.s32 s5, s3;
	[dreg:$0x5] =	wrdreg s2  }
.Ltmp0:
0x13: {  	s0 =	sadd.s32 s0, s3;
	[dreg:$0x7] =	wrdreg s23;
	(pc) =	sbr.rel .LBB2_1-.Ltmp0, $4  }
0x14: {  	s5 =	simm.s32 $0x1;
	s2 =	sadd.s32 s24, s3;
	[dreg:$0xa] =	wrdreg s31  }
0x15: {  	v2 =	vlaneseq.u32;
	s21 =	simm.s32 $0x5;
	[dreg:$0x8] =	wrdreg s2;
	s2 =	sshrl.u32 s25, $0x3  }
0x16: {  	vm0 =	vmmov $0xffff;
	v1 =	vshrl.u32 v2, $0x3;
	[dreg:$0xb] =	wrdreg s0;
	s24 =	simm.s32 $0x6;
	s2 =	sadd.s32 s2, s3  }
0x17: {  	v0 =	vand.u32 $0x7, v2;
	v2 =	vor.u32 $0x8, v2;
	v1 =	vmul.u32 $0x8, v1;
	s25 =	simm.s32 $0xBB80;
	[dreg:$0x9] =	wrdreg s2;
	s2 =	simm.s32 $0x15B80  }
.LBB2_11:
0x18: {  	_ =	swait.ge [sflag:s24], $0x2000  }
0x19: {  	[sflag:s24] =	ssyncset.done $0x0  }
0x1a: {  	[sflag:s24] =	ssyncadd.s32 $0xFFFFE000  }
0x1b: {  	_ =	swait.ge [sflag:s24], $0x2000  }
0x1c: {  	[sflag:s24] =	ssyncset.done $0x0  }
0x1d: {  	[sflag:s24] =	ssyncadd.s32 $0xFFFFE000  }
0x1e: {  	_ =	swait.ge [sflag:s24], $0x20  }
0x1f: {  	[sflag:s24] =	ssyncset.done $0x0  }
0x20: {  	[sflag:s24] =	ssyncadd.s32 $0xFFFFFFE0  }
0x21: {  	_ =	swait.ge [sflag:s28], $0x2000  }
0x22: {  	[sflag:s28] =	ssyncset.done $0x0  }
0x23: {  	[sflag:s28] =	ssyncadd.s32 $0xFFFFE000  }
0x24: {  	_ =	swait.ge [sflag:s28], $0x2000  }
0x25: {  	[sflag:s28] =	ssyncset.done $0x0  }
0x26: {  	[sflag:s28] =	ssyncadd.s32 $0xFFFFE000  }
0x27: {  	_ =	swait.ge [sflag:s28], $0x20  }
0x28: {  	[sflag:s28] =	ssyncset.done $0x0  }
0x29: {  	[sflag:s28] =	ssyncadd.s32 $0xFFFFFFE0  }
0x2a: {  	_ =	swait.ge [sflag:s29], $0x2000  }
0x2b: {  	[sflag:s29] =	ssyncset.done $0x0  }
0x2c: {  	[sflag:s29] =	ssyncadd.s32 $0xFFFFE000  }
0x2d: {  	_ =	swait.ge [sflag:s29], $0x2000  }
0x2e: {  	[sflag:s29] =	ssyncset.done $0x0  }
0x2f: {  	[sflag:s29] =	ssyncadd.s32 $0xFFFFE000  }
0x30: {  	_ =	swait.ge [sflag:s29], $0x20  }
0x31: {  	[sflag:s29] =	ssyncset.done $0x0  }
0x32: {  	[sflag:s29] =	ssyncadd.s32 $0xFFFFFFE0  }
0x33: {  	_ =	swait.ge [sflag:s30], $0x2000  }
0x34: {  	[sflag:s30] =	ssyncset.done $0x0  }
0x35: {  	[sflag:s30] =	ssyncadd.s32 $0xFFFFE000  }
0x36: {  	_ =	swait.ge [sflag:s30], $0x2000  }
0x37: {  	[sflag:s30] =	ssyncset.done $0x0  }
0x38: {  	[sflag:s30] =	ssyncadd.s32 $0xFFFFE000  }
0x39: {  	_ =	swait.ge [sflag:s30], $0x20  }
0x3a: {  	[sflag:s30] =	ssyncset.done $0x0  }
0x3b: {  	s3 =	simm.s32 $0xA;
	[sflag:s30] =	ssyncadd.s32 $0xFFFFFFE0  }
0x3c: {  	_ =	swait.ge [sflag:s3], $0x2000  }
0x3d: {  	[sflag:s3] =	ssyncset.done $0x0  }
0x3e: {  	[sflag:s3] =	ssyncadd.s32 $0xFFFFE000  }
0x3f: {  	_ =	swait.ge [sflag:s3], $0x2000  }
0x40: {  	[sflag:s3] =	ssyncset.done $0x0  }
0x41: {  	[sflag:s3] =	ssyncadd.s32 $0xFFFFE000  }
0x42: {  	_ =	swait.ge [sflag:s3], $0x20  }
0x43: {  	s6 =	rddreg [dreg:$0xc]  }
0x44: {  	s0 =	rddreg [dreg:$0x6];
	s6 =	sadd.s32 $0x1, s6  }
0x45: {  	p0 =	sne.s32 s6, s0  }
.Ltmp1:
0x46: {  	_ = 	snop;
	(pc) =	sbr.rel @!p0 .LBB2_12-.Ltmp1, $3  }
0x47: {  	_ =	sdelay $0x1  }
0x48: {  	[sflag:s3] =	ssyncset.done $0x0  }
0x49: {  	[sflag:s3] =	ssyncadd.s32 $0xFFFFFFE0  }
.LBB2_1:
0x4a: {  	[dreg:$0xc] =	wrdreg s6  }
0x4b: {  	s0 =	rddreg [dreg:$0x2];
	s3 =	simm.s32 $0xB  }
0x4c: {  	[tilespmem:s4], [sflag:$0xB] =	stream.linear.gather [hbm4b:s0+s4], $0x2780, $0x38;
	[tilespmem:$0x17E00] =	vst v63  }
0x4d: {  	_ =	swait.ge [sflag:s3], $0x2780  }
0x4e: {  	[sflag:s3] =	ssyncset.done $0x0  }
0x4f: {  	s11 =	simm.s32 $0x2780;
	s6 =	rddreg [dreg:$0x4];
	[sflag:s3] =	ssyncadd.s32 $0xFFFFD880  }
0x50: {  	[tilespmem:s11], [sflag:$0xB] =	stream.linear.gather [hbm4b:s6+s4], $0xA00, $0x38;
	[tilespmem:$0x17E00] =	vst v63  }
0x51: {  	_ =	swait.ge [sflag:s3], $0xA00  }
0x52: {  	[sflag:s3] =	ssyncset.done $0x0  }
0x53: {  	s17 =	simm.s32 $0x3180;
	s14 =	rddreg [dreg:$0x5];
	[sflag:s3] =	ssyncadd.s32 $0xFFFFF600  }
0x54: {  	[tilespmem:s17], [sflag:$0xB] =	stream.linear.gather [hbm4b:s14+s4], $0xA00, $0x38;
	[tilespmem:$0x17E00] =	vst v63  }
0x55: {  	_ =	swait.ge [sflag:s3], $0xA00  }
0x56: {  	[sflag:s3] =	ssyncset.done $0x0  }
0x57: {  	[sflag:s3] =	ssyncadd.s32 $0xFFFFF600  }
0x58: {  	v3 =	vld [tilespmem:$0x2780];
	_ =	sdelay $0x4  }
0x59: {  	v4 =	vshll.u32 v3, $0x1  }
0x5a: {  	v3 =	vand.u32 $0x7, v3;
	v4 =	vand.u32 $0xFFFFFFF0, v4  }
0x5b: {  	v3 =	vor.u32 v3, v4  }
0x5c: {  	v4 =	vperm.xlane v3, v0;
	_ =	sdelay $0x1  }
0x5d: {  	v3 =	vperm.xlane v3, v2;
	v4 =	vadd.s32 v1, v4;
	_ =	sdelay $0x1  }
0x5e: {  	v3 =	vadd.s32 v1, v3;
	_ =	sdelay $0x1  }
0x5f: {  	s18 =	simm.s32 $0x3B80  }
0x60: {  	[tilespmem:s18], [sflag:$0x1] =	stream.indirect_vreg.gather [hbm4b:s1+s4], $0x80, v4, vm0, $0xb8;
	[tilespmem:$0x17E00] =	vst v63  }
0x61: {  	s19 =	simm.s32 $0x4380  }
0x62: {  	[tilespmem:s19], [sflag:$0x1] =	stream.indirect_vreg.gather [hbm4b:s1+s4], $0x80, v3, vm0, $0xb8;
	[tilespmem:$0x17E00] =	vst v63  }
0x63: {  	v3 =	vld [tilespmem:$0x2790];
	_ =	sdelay $0x4  }
0x64: {  	v49 =	vshll.u32 v3, $0x1  }
0x65: {  	v3 =	vand.u32 $0x7, v3;
	v4 =	vand.u32 $0xFFFFFFF0, v49  }
0x66: {  	v3 =	vor.u32 v3, v4  }
0x67: {  	v4 =	vperm.xlane v3, v0;
	_ =	sdelay $0x1  }
0x68: {  	v3 =	vperm.xlane v3, v2;
	v4 =	vadd.s32 v1, v4;
	_ =	sdelay $0x1  }
0x69: {  	v3 =	vadd.s32 v1, v3;
	_ =	sdelay $0x1  }
0x6a: {  	s22 =	simm.s32 $0x4B80  }
0x6b: {  	[tilespmem:s22], [sflag:$0x1] =	stream.indirect_vreg.gather [hbm4b:s1+s4], $0x80, v4, vm0, $0xb8;
	[tilespmem:$0x17E00] =	vst v63  }
0x6c: {  	s23 =	simm.s32 $0x5380  }
0x6d: {  	[tilespmem:s23], [sflag:$0x1] =	stream.indirect_vreg.gather [hbm4b:s1+s4], $0x80, v3, vm0, $0xb8;
	[tilespmem:$0x17E00] =	vst v63  }
0x6e: {  	v3 =	vld [tilespmem:$0x3180];
	_ =	sdelay $0x4  }
0x6f: {  	v50 =	vshll.u32 v3, $0x1  }
0x70: {  	v3 =	vand.u32 $0x7, v3;
	v4 =	vand.u32 $0xFFFFFFF0, v50  }
0x71: {  	v3 =	vor.u32 v3, v4  }
0x72: {  	v4 =	vperm.xlane v3, v0;
	_ =	sdelay $0x1  }
0x73: {  	v3 =	vperm.xlane v3, v2;
	v4 =	vadd.s32 v1, v4;
	_ =	sdelay $0x1  }
0x74: {  	v3 =	vadd.s32 v1, v3;
	_ =	sdelay $0x1  }
0x75: {  	s26 =	simm.s32 $0xDB80  }
0x76: {  	[tilespmem:s26], [sflag:$0x1] =	stream.indirect_vreg.gather [hbm4b:s1+s4], $0x80, v4, vm0, $0xb8;
	[tilespmem:$0x17E00] =	vst v63  }
0x77: {  	s31 =	simm.s32 $0xE380  }
0x78: {  	[tilespmem:s31], [sflag:$0x1] =	stream.indirect_vreg.gather [hbm4b:s1+s4], $0x80, v3, vm0, $0xb8;
	[tilespmem:$0x17E00] =	vst v63  }
0x79: {  	v3 =	vld [tilespmem:$0x3190];
	_ =	sdelay $0x4  }
0x7a: {  	v51 =	vshll.u32 v3, $0x1  }
0x7b: {  	v3 =	vand.u32 $0x7, v3;
	v4 =	vand.u32 $0xFFFFFFF0, v51  }
0x7c: {  	v3 =	vor.u32 v3, v4  }
0x7d: {  	v4 =	vperm.xlane v3, v0;
	_ =	sdelay $0x1  }
0x7e: {  	v3 =	vperm.xlane v3, v2;
	v4 =	vadd.s32 v1, v4;
	_ =	sdelay $0x1  }
0x7f: {  	v3 =	vadd.s32 v1, v3;
	_ =	sdelay $0x1  }
0x80: {  	s3 =	simm.s32 $0xEB80  }
0x81: {  	[tilespmem:s3], [sflag:$0x1] =	stream.indirect_vreg.gather [hbm4b:s1+s4], $0x80, v4, vm0, $0xb8;
	[tilespmem:$0x17E00] =	vst v63  }
0x82: {  	s6 =	simm.s32 $0xF380  }
0x83: {  	[tilespmem:s6], [sflag:$0x1] =	stream.indirect_vreg.gather [hbm4b:s1+s4], $0x80, v3, vm0, $0xb8;
	[tilespmem:$0x17E00] =	vst v63  }
0x84: {  	v3 =	vld [tilespmem:$0x27A0];
	_ =	sdelay $0x4  }
0x85: {  	v52 =	vshll.u32 v3, $0x1  }
0x86: {  	v3 =	vand.u32 $0x7, v3;
	v4 =	vand.u32 $0xFFFFFFF0, v52  }
0x87: {  	v3 =	vor.u32 v3, v4  }
0x88: {  	v4 =	vperm.xlane v3, v0;
	_ =	sdelay $0x1  }
0x89: {  	v3 =	vperm.xlane v3, v2;
	v4 =	vadd.s32 v1, v4;
	_ =	sdelay $0x1  }
0x8a: {  	v3 =	vadd.s32 v1, v3;
	_ =	sdelay $0x1  }
0x8b: {  	s11 =	simm.s32 $0x5B80  }
0x8c: {  	[tilespmem:s11], [sflag:$0x2] =	stream.indirect_vreg.gather [hbm4b:s1+s4], $0x80, v4, vm0, $0xb8;
	[tilespmem:$0x17E00] =	vst v63  }
0x8d: {  	s14 =	simm.s32 $0x6380  }
0x8e: {  	[tilespmem:s14], [sflag:$0x2] =	stream.indirect_vreg.gather [hbm4b:s1+s4], $0x80, v3, vm0, $0xb8;
	[tilespmem:$0x17E00] =	vst v63  }
0x8f: {  	v3 =	vld [tilespmem:$0x27B0];
	_ =	sdelay $0x4  }
0x90: {  	v53 =	vshll.u32 v3, $0x1  }
0x91: {  	v3 =	vand.u32 $0x7, v3;
	v4 =	vand.u32 $0xFFFFFFF0, v53  }
0x92: {  	v3 =	vor.u32 v3, v4  }
0x93: {  	v4 =	vperm.xlane v3, v0;
	_ =	sdelay $0x1  }
0x94: {  	v3 =	vperm.xlane v3, v2;
	v4 =	vadd.s32 v1, v4;
	_ =	sdelay $0x1  }
0x95: {  	v3 =	vadd.s32 v1, v3;
	_ =	sdelay $0x1  }
0x96: {  	s17 =	simm.s32 $0x6B80  }
0x97: {  	[tilespmem:s17], [sflag:$0x2] =	stream.indirect_vreg.gather [hbm4b:s1+s4], $0x80, v4, vm0, $0xb8;
	[tilespmem:$0x17E00] =	vst v63  }
0x98: {  	s18 =	simm.s32 $0x7380  }
0x99: {  	[tilespmem:s18], [sflag:$0x2] =	stream.indirect_vreg.gather [hbm4b:s1+s4], $0x80, v3, vm0, $0xb8;
	[tilespmem:$0x17E00] =	vst v63  }
0x9a: {  	v3 =	vld [tilespmem:$0x31A0];
	_ =	sdelay $0x4  }
0x9b: {  	v54 =	vshll.u32 v3, $0x1  }
0x9c: {  	v3 =	vand.u32 $0x7, v3;
	v4 =	vand.u32 $0xFFFFFFF0, v54  }
0x9d: {  	v3 =	vor.u32 v3, v4  }
0x9e: {  	v4 =	vperm.xlane v3, v0;
	_ =	sdelay $0x1  }
0x9f: {  	v3 =	vperm.xlane v3, v2;
	v4 =	vadd.s32 v1, v4;
	_ =	sdelay $0x1  }
0xa0: {  	v3 =	vadd.s32 v1, v3;
	_ =	sdelay $0x1  }
0xa1: {  	s19 =	simm.s32 $0xFB80  }
0xa2: {  	[tilespmem:s19], [sflag:$0x2] =	stream.indirect_vreg.gather [hbm4b:s1+s4], $0x80, v4, vm0, $0xb8;
	[tilespmem:$0x17E00] =	vst v63  }
0xa3: {  	s22 =	simm.s32 $0x10380  }
0xa4: {  	[tilespmem:s22], [sflag:$0x2] =	stream.indirect_vreg.gather [hbm4b:s1+s4], $0x80, v3, vm0, $0xb8;
	[tilespmem:$0x17E00] =	vst v63  }
0xa5: {  	v3 =	vld [tilespmem:$0x31B0];
	_ =	sdelay $0x4  }
0xa6: {  	v55 =	vshll.u32 v3, $0x1  }
0xa7: {  	v3 =	vand.u32 $0x7, v3;
	v4 =	vand.u32 $0xFFFFFFF0, v55  }
0xa8: {  	v3 =	vor.u32 v3, v4  }
0xa9: {  	v4 =	vperm.xlane v3, v0;
	_ =	sdelay $0x1  }
0xaa: {  	v3 =	vperm.xlane v3, v2;
	v4 =	vadd.s32 v1, v4;
	_ =	sdelay $0x1  }
0xab: {  	v3 =	vadd.s32 v1, v3;
	_ =	sdelay $0x1  }
0xac: {  	s23 =	simm.s32 $0x10B80  }
0xad: {  	[tilespmem:s23], [sflag:$0x2] =	stream.indirect_vreg.gather [hbm4b:s1+s4], $0x80, v4, vm0, $0xb8;
	[tilespmem:$0x17E00] =	vst v63  }
0xae: {  	s26 =	simm.s32 $0x11380  }
0xaf: {  	[tilespmem:s26], [sflag:$0x2] =	stream.indirect_vreg.gather [hbm4b:s1+s4], $0x80, v3, vm0, $0xb8;
	[tilespmem:$0x17E00] =	vst v63  }
0xb0: {  	v3 =	vld [tilespmem:$0x27C0];
	_ =	sdelay $0x4  }
0xb1: {  	v56 =	vshll.u32 v3, $0x1  }
0xb2: {  	v3 =	vand.u32 $0x7, v3;
	v4 =	vand.u32 $0xFFFFFFF0, v56  }
0xb3: {  	v3 =	vor.u32 v3, v4  }
0xb4: {  	v4 =	vperm.xlane v3, v0;
	_ =	sdelay $0x1  }
0xb5: {  	v3 =	vperm.xlane v3, v2;
	v4 =	vadd.s32 v1, v4;
	_ =	sdelay $0x1  }
0xb6: {  	v3 =	vadd.s32 v1, v3;
	_ =	sdelay $0x2  }
0xb7: {  	[tilespmem:s16], [sflag:$0x3] =	stream.indirect_vreg.gather [hbm4b:s1+s4], $0x80, v4, vm0, $0xb8;
	[tilespmem:$0x17E00] =	vst v63  }
0xb8: {  	s31 =	simm.s32 $0x8380  }
0xb9: {  	[tilespmem:s31], [sflag:$0x3] =	stream.indirect_vreg.gather [hbm4b:s1+s4], $0x80, v3, vm0, $0xb8;
	[tilespmem:$0x17E00] =	vst v63  }
0xba: {  	v3 =	vld [tilespmem:$0x27D0];
	_ =	sdelay $0x4  }
0xbb: {  	v57 =	vshll.u32 v3, $0x1  }
0xbc: {  	v3 =	vand.u32 $0x7, v3;
	v4 =	vand.u32 $0xFFFFFFF0, v57  }
0xbd: {  	v3 =	vor.u32 v3, v4  }
0xbe: {  	v4 =	vperm.xlane v3, v0;
	_ =	sdelay $0x1  }
0xbf: {  	v3 =	vperm.xlane v3, v2;
	v4 =	vadd.s32 v1, v4;
	_ =	sdelay $0x1  }
0xc0: {  	v3 =	vadd.s32 v1, v3;
	_ =	sdelay $0x1  }
0xc1: {  	s3 =	simm.s32 $0x8B80  }
0xc2: {  	[tilespmem:s3], [sflag:$0x3] =	stream.indirect_vreg.gather [hbm4b:s1+s4], $0x80, v4, vm0, $0xb8;
	[tilespmem:$0x17E00] =	vst v63  }
0xc3: {  	s6 =	simm.s32 $0x9380  }
0xc4: {  	[tilespmem:s6], [sflag:$0x3] =	stream.indirect_vreg.gather [hbm4b:s1+s4], $0x80, v3, vm0, $0xb8;
	[tilespmem:$0x17E00] =	vst v63  }
0xc5: {  	v3 =	vld [tilespmem:$0x31C0];
	_ =	sdelay $0x4  }
0xc6: {  	v58 =	vshll.u32 v3, $0x1  }
0xc7: {  	v3 =	vand.u32 $0x7, v3;
	v4 =	vand.u32 $0xFFFFFFF0, v58  }
0xc8: {  	v3 =	vor.u32 v3, v4  }
0xc9: {  	v4 =	vperm.xlane v3, v0;
	_ =	sdelay $0x1  }
0xca: {  	v3 =	vperm.xlane v3, v2;
	v4 =	vadd.s32 v1, v4;
	_ =	sdelay $0x1  }
0xcb: {  	v3 =	vadd.s32 v1, v3;
	_ =	sdelay $0x2  }
0xcc: {  	[tilespmem:s7], [sflag:$0x3] =	stream.indirect_vreg.gather [hbm4b:s1+s4], $0x80, v4, vm0, $0xb8;
	[tilespmem:$0x17E00] =	vst v63  }
0xcd: {  	s11 =	simm.s32 $0x12380  }
0xce: {  	[tilespmem:s11], [sflag:$0x3] =	stream.indirect_vreg.gather [hbm4b:s1+s4], $0x80, v3, vm0, $0xb8;
	[tilespmem:$0x17E00] =	vst v63  }
0xcf: {  	v3 =	vld [tilespmem:$0x31D0];
	_ =	sdelay $0x4  }
0xd0: {  	v59 =	vshll.u32 v3, $0x1  }
0xd1: {  	v3 =	vand.u32 $0x7, v3;
	v4 =	vand.u32 $0xFFFFFFF0, v59  }
0xd2: {  	v3 =	vor.u32 v3, v4  }
0xd3: {  	v4 =	vperm.xlane v3, v0;
	_ =	sdelay $0x1  }
0xd4: {  	v3 =	vperm.xlane v3, v2;
	v4 =	vadd.s32 v1, v4;
	_ =	sdelay $0x1  }
0xd5: {  	v3 =	vadd.s32 v1, v3;
	_ =	sdelay $0x1  }
0xd6: {  	s14 =	simm.s32 $0x12B80  }
0xd7: {  	[tilespmem:s14], [sflag:$0x3] =	stream.indirect_vreg.gather [hbm4b:s1+s4], $0x80, v4, vm0, $0xb8;
	[tilespmem:$0x17E00] =	vst v63  }
0xd8: {  	s17 =	simm.s32 $0x13380  }
0xd9: {  	[tilespmem:s17], [sflag:$0x3] =	stream.indirect_vreg.gather [hbm4b:s1+s4], $0x80, v3, vm0, $0xb8;
	[tilespmem:$0x17E00] =	vst v63  }
0xda: {  	v3 =	vld [tilespmem:$0x27E0];
	_ =	sdelay $0x4  }
0xdb: {  	v60 =	vshll.u32 v3, $0x1  }
0xdc: {  	v3 =	vand.u32 $0x7, v3;
	v4 =	vand.u32 $0xFFFFFFF0, v60  }
0xdd: {  	v3 =	vor.u32 v3, v4  }
0xde: {  	v4 =	vperm.xlane v3, v0;
	_ =	sdelay $0x1  }
0xdf: {  	v3 =	vperm.xlane v3, v2;
	v4 =	vadd.s32 v1, v4;
	_ =	sdelay $0x1  }
0xe0: {  	v3 =	vadd.s32 v1, v3;
	_ =	sdelay $0x2  }
0xe1: {  	[tilespmem:s13], [sflag:$0x4] =	stream.indirect_vreg.gather [hbm4b:s1+s4], $0x80, v4, vm0, $0xb8;
	[tilespmem:$0x17E00] =	vst v63  }
0xe2: {  	s18 =	simm.s32 $0xA380  }
0xe3: {  	[tilespmem:s18], [sflag:$0x4] =	stream.indirect_vreg.gather [hbm4b:s1+s4], $0x80, v3, vm0, $0xb8;
	[tilespmem:$0x17E00] =	vst v63  }
0xe4: {  	v3 =	vld [tilespmem:$0x27F0];
	_ =	sdelay $0x4  }
0xe5: {  	v61 =	vshll.u32 v3, $0x1  }
0xe6: {  	v3 =	vand.u32 $0x7, v3;
	v4 =	vand.u32 $0xFFFFFFF0, v61  }
0xe7: {  	v3 =	vor.u32 v3, v4  }
0xe8: {  	v4 =	vperm.xlane v3, v0;
	_ =	sdelay $0x1  }
0xe9: {  	v3 =	vperm.xlane v3, v2;
	v4 =	vadd.s32 v1, v4;
	_ =	sdelay $0x1  }
0xea: {  	v3 =	vadd.s32 v1, v3;
	_ =	sdelay $0x1  }
0xeb: {  	s19 =	simm.s32 $0xAB80  }
0xec: {  	[tilespmem:s19], [sflag:$0x4] =	stream.indirect_vreg.gather [hbm4b:s1+s4], $0x80, v4, vm0, $0xb8;
	[tilespmem:$0x17E00] =	vst v63  }
0xed: {  	s22 =	simm.s32 $0xB380  }
0xee: {  	[tilespmem:s22], [sflag:$0x4] =	stream.indirect_vreg.gather [hbm4b:s1+s4], $0x80, v3, vm0, $0xb8;
	[tilespmem:$0x17E00] =	vst v63  }
0xef: {  	v3 =	vld [tilespmem:$0x31E0];
	_ =	sdelay $0x4  }
0xf0: {  	v62 =	vshll.u32 v3, $0x1  }
0xf1: {  	v3 =	vand.u32 $0x7, v3;
	v4 =	vand.u32 $0xFFFFFFF0, v62  }
0xf2: {  	v3 =	vor.u32 v3, v4  }
0xf3: {  	v4 =	vperm.xlane v3, v0;
	_ =	sdelay $0x1  }
0xf4: {  	v3 =	vperm.xlane v3, v2;
	v4 =	vadd.s32 v1, v4;
	_ =	sdelay $0x1  }
0xf5: {  	v3 =	vadd.s32 v1, v3;
	_ =	sdelay $0x2  }
0xf6: {  	[tilespmem:s20], [sflag:$0x4] =	stream.indirect_vreg.gather [hbm4b:s1+s4], $0x80, v4, vm0, $0xb8;
	[tilespmem:$0x17E00] =	vst v63  }
0xf7: {  	s23 =	simm.s32 $0x14380  }
0xf8: {  	[tilespmem:s23], [sflag:$0x4] =	stream.indirect_vreg.gather [hbm4b:s1+s4], $0x80, v3, vm0, $0xb8;
	[tilespmem:$0x17E00] =	vst v63  }
0xf9: {  	v3 =	vld [tilespmem:$0x31F0];
	_ =	sdelay $0x4  }
0xfa: {  	v63 =	vshll.u32 v3, $0x1  }
0xfb: {  	v3 =	vand.u32 $0x7, v3;
	v4 =	vand.u32 $0xFFFFFFF0, v63  }
0xfc: {  	v3 =	vor.u32 v3, v4  }
0xfd: {  	v4 =	vperm.xlane v3, v0;
	_ =	sdelay $0x1  }
0xfe: {  	v3 =	vperm.xlane v3, v2;
	v4 =	vadd.s32 v1, v4  }
0xff: {  	s6 =	rddreg [dreg:$0xa]  }
0x100: {  	s11 =	rddreg [dreg:$0x9];
	v3 =	vadd.s32 v1, v3  }
.Ltmp2:
0x101: {  	s0 =	simm.s32 $0x3290;
	s14 =	rddreg [dreg:$0x8];
	(pc) =	sbr.rel .LBB2_2-.Ltmp2, $4  }
0x102: {  	s26 =	simm.s32 $0x14B80;
	s31 =	simm.s32 $0x15380;
	s17 =	rddreg [dreg:$0xb]  }
0x103: {  	[tilespmem:s26], [sflag:$0x4] =	stream.indirect_vreg.gather [hbm4b:s1+s4], $0x80, v4, vm0, $0xb8;
	[tilespmem:$0x17E00] =	vst v63  }
0x104: {  	s3 =	simm.s32 $0x2810;
	s19 =	rddreg [dreg:$0x7];
	s23 =	simm.s32 $0x0  }
0x105: {  	[tilespmem:s31], [sflag:$0x4] =	stream.indirect_vreg.gather [hbm4b:s1+s4], $0x80, v3, vm0, $0xb8;
	[tilespmem:$0x17E00] =	vst v63  }
.LBB2_10:
0x106: {  	v3 =	vld [tilespmem:s3+$0xFFFFFFF0];
	_ =	sdelay $0x7  }
0x107: {  	v3 =	vld.idx.msk [tilespmem:v3+s4+$0x0], $0xffff;
	_ =	sdelay $0x4  }
0x108: {  	[tilespmem:$0x17D80] =	vst v3  }
0x109: {  	v3 =	vld [tilespmem:s3+$0x0];
	_ =	sdelay $0x7  }
0x10a: {  	v3 =	vld.idx.msk [tilespmem:v3+s4+$0x0], $0xffff;
	_ =	sdelay $0x4  }
0x10b: {  	[tilespmem:$0x17D90] =	vst v3  }
0x10c: {  	_ =	swait.ge [sflag:s21], $0x2000  }
0x10d: {  	[sflag:s21] =	ssyncset.done $0x0  }
0x10e: {  	[sflag:s21] =	ssyncadd.s32 $0xFFFFE000  }
0x10f: {  	_ =	swait.ge [sflag:s21], $0x2000  }
0x110: {  	s18 =	sadd.s32 $0x1000, s18;
	s23 =	sadd.s32 $0x1400, s23;
	[sflag:s21] =	ssyncset.done $0x0  }
0x111: {  	s26 =	sadd.s32 $0x1000, s22;
	p0 =	sne.s32 s23, $0x14000;
	[sflag:s21] =	ssyncadd.s32 $0xFFFFE000  }
0x112: {  	[hbm4b:s18+s4] =	stream.linear.scatter [tilespmem:s25], [sflag:$0xA], $0x2000, $0x38;
	[tilespmem:$0x17E00] =	vst v63  }
.Ltmp3:
0x113: {  	s31 =	simm.s32 $0x17D80;
	s19 =	sadd.s32 $0x14, s19;
	(pc) =	sbr.rel @!p0 .LBB2_11-.Ltmp3, $4  }
0x114: {  	[hbm4b:s26+s4] =	stream.linear.scatter [tilespmem:s2], [sflag:$0xA], $0x2000, $0x38;
	[tilespmem:$0x17E00] =	vst v63  }
0x115: {  	s0 =	sadd.s32 $0xA0, s0;
	s11 =	sadd.s32 $0x14, s11;
	s6 =	sadd.s32 $0x14, s6  }
0x116: {  	[hbm4b:s14+s4] =	stream.linear.scatter [tilespmem:s31], [sflag:$0xA], $0x20, $0x38;
	[tilespmem:$0x17E00] =	vst v63  }
0x117: {  	s17 =	sadd.s32 $0x14, s17;
	s3 =	sadd.s32 $0xA0, s3;
	s14 =	sadd.s32 $0x14, s14  }
.LBB2_2:
0x118: {  	p0 =	seq.s32 s23, $0x0  }
0x119: {  	s18 =	simm.s32 @!p0 $0xA  }
0x11a: {  	_ =	swait.ge @!p0 [sflag:s18], $0x2000  }
0x11b: {  	[sflag:s18] =	ssyncset.done @!p0 $0x0  }
0x11c: {  	[sflag:s18] =	ssyncadd.s32 @!p0 $0xFFFFE000  }
0x11d: {  	_ =	swait.ge @!p0 [sflag:s18], $0x2000  }
0x11e: {  	[sflag:s18] =	ssyncset.done @!p0 $0x0  }
0x11f: {  	[sflag:s18] =	ssyncadd.s32 @!p0 $0xFFFFE000  }
0x120: {  	_ =	swait.ge @!p0 [sflag:s18], $0x20  }
0x121: {  	[sflag:s18] =	ssyncset.done @!p0 $0x0  }
0x122: {  	[sflag:s18] =	ssyncadd.s32 @!p0 $0xFFFFFFE0  }
0x123: {  	v3 =	vld [tilespmem:s3+$0xFFFFFFF0];
	_ =	sdelay $0x4  }
0x124: {  	v4 =	vshll.u32 v3, $0x1  }
0x125: {  	v3 =	vand.u32 $0x7, v3;
	v4 =	vand.u32 $0xFFFFFFF0, v4  }
0x126: {  	v3 =	vor.u32 v3, v4  }
0x127: {  	v4 =	vperm.xlane v3, v0;
	_ =	sdelay $0x1  }
0x128: {  	v3 =	vperm.xlane v3, v2;
	v4 =	vadd.s32 v1, v4;
	_ =	sdelay $0x1  }
0x129: {  	v3 =	vadd.s32 v1, v3;
	_ =	sdelay $0x2  }
0x12a: {  	[tilespmem:s25], [sflag:$0x5] =	stream.indirect_vreg.gather [hbm4b:s1+s4], $0x80, v4, vm0, $0xb8;
	[tilespmem:$0x17E00] =	vst v63  }
0x12b: {  	s31 =	simm.s32 $0xC380  }
0x12c: {  	[tilespmem:s31], [sflag:$0x5] =	stream.indirect_vreg.gather [hbm4b:s1+s4], $0x80, v3, vm0, $0xb8;
	[tilespmem:$0x17E00] =	vst v63  }
0x12d: {  	v3 =	vld [tilespmem:s3+$0x0];
	_ =	sdelay $0x4  }
0x12e: {  	v61 =	vshll.u32 v3, $0x1  }
0x12f: {  	v3 =	vand.u32 $0x7, v3;
	v4 =	vand.u32 $0xFFFFFFF0, v61  }
0x130: {  	v3 =	vor.u32 v3, v4  }
0x131: {  	v4 =	vperm.xlane v3, v0;
	_ =	sdelay $0x1  }
0x132: {  	v3 =	vperm.xlane v3, v2;
	v4 =	vadd.s32 v1, v4;
	_ =	sdelay $0x1  }
0x133: {  	v3 =	vadd.s32 v1, v3;
	_ =	sdelay $0x1  }
0x134: {  	s22 =	simm.s32 $0xCB80  }
0x135: {  	[tilespmem:s22], [sflag:$0x5] =	stream.indirect_vreg.gather [hbm4b:s1+s4], $0x80, v4, vm0, $0xb8;
	[tilespmem:$0x17E00] =	vst v63  }
0x136: {  	s26 =	simm.s32 $0xD380  }
0x137: {  	[tilespmem:s26], [sflag:$0x5] =	stream.indirect_vreg.gather [hbm4b:s1+s4], $0x80, v3, vm0, $0xb8;
	[tilespmem:$0x17E00] =	vst v63  }
0x138: {  	v3 =	vld [tilespmem:s0+$0xFFFFFF70];
	_ =	sdelay $0x4  }
0x139: {  	v62 =	vshll.u32 v3, $0x1  }
0x13a: {  	v3 =	vand.u32 $0x7, v3;
	v4 =	vand.u32 $0xFFFFFFF0, v62  }
0x13b: {  	v3 =	vor.u32 v3, v4  }
0x13c: {  	v4 =	vperm.xlane v3, v0;
	_ =	sdelay $0x1  }
0x13d: {  	v3 =	vperm.xlane v3, v2;
	v4 =	vadd.s32 v1, v4;
	_ =	sdelay $0x1  }
0x13e: {  	v3 =	vadd.s32 v1, v3;
	_ =	sdelay $0x2  }
0x13f: {  	[tilespmem:s2], [sflag:$0x5] =	stream.indirect_vreg.gather [hbm4b:s1+s4], $0x80, v4, vm0, $0xb8;
	[tilespmem:$0x17E00] =	vst v63  }
0x140: {  	s31 =	simm.s32 $0x16380  }
0x141: {  	[tilespmem:s31], [sflag:$0x5] =	stream.indirect_vreg.gather [hbm4b:s1+s4], $0x80, v3, vm0, $0xb8;
	[tilespmem:$0x17E00] =	vst v63  }
0x142: {  	v3 =	vld [tilespmem:s0+$0xFFFFFF80];
	_ =	sdelay $0x4  }
0x143: {  	v63 =	vshll.u32 v3, $0x1  }
0x144: {  	v3 =	vand.u32 $0x7, v3;
	v4 =	vand.u32 $0xFFFFFFF0, v63  }
0x145: {  	v3 =	vor.u32 v3, v4  }
0x146: {  	v4 =	vperm.xlane v3, v0;
	_ =	sdelay $0x1  }
0x147: {  	v3 =	vperm.xlane v3, v2;
	v4 =	vadd.s32 v1, v4;
	_ =	sdelay $0x1  }
0x148: {  	v3 =	vadd.s32 v1, v3;
	_ =	sdelay $0x1  }
0x149: {  	s22 =	simm.s32 $0x16B80  }
0x14a: {  	[tilespmem:s22], [sflag:$0x5] =	stream.indirect_vreg.gather [hbm4b:s1+s4], $0x80, v4, vm0, $0xb8;
	[tilespmem:$0x17E00] =	vst v63  }
0x14b: {  	s26 =	simm.s32 $0x17380  }
0x14c: {  	[tilespmem:s26], [sflag:$0x5] =	stream.indirect_vreg.gather [hbm4b:s1+s4], $0x80, v3, vm0, $0xb8;
	[tilespmem:$0x17E00] =	vst v63  }
0x14d: {  	v3 =	vld [tilespmem:s3+$0xFFFFFF70];
	_ =	sdelay $0x7  }
0x14e: {  	v3 =	vld.idx.msk [tilespmem:v3+s4+$0x0], $0xffff;
	_ =	sdelay $0x4  }
0x14f: {  	[tilespmem:$0x17B80] =	vst v3  }
0x150: {  	v3 =	vld [tilespmem:s3+$0xFFFFFF80];
	_ =	sdelay $0x7  }
0x151: {  	v3 =	vld.idx.msk [tilespmem:v3+s4+$0x0], $0xffff;
	_ =	sdelay $0x4  }
0x152: {  	[tilespmem:$0x17B90] =	vst v3  }
0x153: {  	_ =	swait.ge [sflag:s5], $0x2000  }
0x154: {  	[sflag:s5] =	ssyncset.done $0x0  }
0x155: {  	[sflag:s5] =	ssyncadd.s32 $0xFFFFE000  }
0x156: {  	_ =	swait.ge [sflag:s5], $0x2000  }
0x157: {  	s18 =	sadd.s32 s23, s8;
	[sflag:s5] =	ssyncset.done $0x0  }
0x158: {  	p0 =	seq.s32 s23, $0x12C00;
	s22 =	simm.s32 $0x3B80;
	[sflag:s5] =	ssyncadd.s32 $0xFFFFE000  }
0x159: {  	[hbm4b:s18+s4] =	stream.linear.scatter [tilespmem:s22], [sflag:$0x6], $0x2000, $0x38;
	[tilespmem:$0x17E00] =	vst v63  }
.Ltmp4:
0x15a: {  	_ = 	snop;
	(pc) =	sbr.rel @p0 .LBB2_4-.Ltmp4, $4  }
0x15b: {  	s26 =	simm.s32 $0xDB80;
	s22 =	sadd.s32 s23, s9  }
0x15c: {  	[hbm4b:s22+s4] =	stream.linear.scatter [tilespmem:s26], [sflag:$0x6], $0x2000, $0x38;
	[tilespmem:$0x17E00] =	vst v63  }
0x15d: {  	s31 =	simm.s32 $0x17B80  }
0x15e: {  	[hbm4b:s19+s4] =	stream.linear.scatter [tilespmem:s31], [sflag:$0x6], $0x20, $0x38;
	[tilespmem:$0x17E00] =	vst v63  }
0x15f: {  	_ =	swait.ge [sflag:s24], $0x2000  }
0x160: {  	[sflag:s24] =	ssyncset.done $0x0  }
0x161: {  	[sflag:s24] =	ssyncadd.s32 $0xFFFFE000  }
0x162: {  	_ =	swait.ge [sflag:s24], $0x2000  }
0x163: {  	[sflag:s24] =	ssyncset.done $0x0  }
0x164: {  	[sflag:s24] =	ssyncadd.s32 $0xFFFFE000  }
0x165: {  	_ =	swait.ge [sflag:s24], $0x20  }
0x166: {  	[sflag:s24] =	ssyncset.done $0x0  }
0x167: {  	[sflag:s24] =	ssyncadd.s32 $0xFFFFFFE0  }
0x168: {  	v3 =	vld [tilespmem:s3+$0x10];
	_ =	sdelay $0x4  }
0x169: {  	v4 =	vshll.u32 v3, $0x1  }
0x16a: {  	v3 =	vand.u32 $0x7, v3;
	v4 =	vand.u32 $0xFFFFFFF0, v4  }
0x16b: {  	v3 =	vor.u32 v3, v4  }
0x16c: {  	v4 =	vperm.xlane v3, v0;
	_ =	sdelay $0x1  }
0x16d: {  	v3 =	vperm.xlane v3, v2;
	v4 =	vadd.s32 v1, v4;
	_ =	sdelay $0x1  }
0x16e: {  	v3 =	vadd.s32 v1, v3;
	_ =	sdelay $0x1  }
0x16f: {  	s26 =	simm.s32 $0x3B80  }
0x170: {  	[tilespmem:s26], [sflag:$0x1] =	stream.indirect_vreg.gather [hbm4b:s1+s4], $0x80, v4, vm0, $0xb8;
	[tilespmem:$0x17E00] =	vst v63  }
0x171: {  	s31 =	simm.s32 $0x4380  }
0x172: {  	[tilespmem:s31], [sflag:$0x1] =	stream.indirect_vreg.gather [hbm4b:s1+s4], $0x80, v3, vm0, $0xb8;
	[tilespmem:$0x17E00] =	vst v63  }
0x173: {  	v3 =	vld [tilespmem:s3+$0x20];
	_ =	sdelay $0x4  }
0x174: {  	v61 =	vshll.u32 v3, $0x1  }
0x175: {  	v3 =	vand.u32 $0x7, v3;
	v4 =	vand.u32 $0xFFFFFFF0, v61  }
0x176: {  	v3 =	vor.u32 v3, v4  }
0x177: {  	v4 =	vperm.xlane v3, v0;
	_ =	sdelay $0x1  }
0x178: {  	v3 =	vperm.xlane v3, v2;
	v4 =	vadd.s32 v1, v4;
	_ =	sdelay $0x1  }
0x179: {  	v3 =	vadd.s32 v1, v3;
	_ =	sdelay $0x1  }
0x17a: {  	s31 =	simm.s32 $0x4B80  }
0x17b: {  	[tilespmem:s31], [sflag:$0x1] =	stream.indirect_vreg.gather [hbm4b:s1+s4], $0x80, v4, vm0, $0xb8;
	[tilespmem:$0x17E00] =	vst v63  }
0x17c: {  	s31 =	simm.s32 $0x5380  }
0x17d: {  	[tilespmem:s31], [sflag:$0x1] =	stream.indirect_vreg.gather [hbm4b:s1+s4], $0x80, v3, vm0, $0xb8;
	[tilespmem:$0x17E00] =	vst v63  }
0x17e: {  	v3 =	vld [tilespmem:s0+$0xFFFFFF90];
	_ =	sdelay $0x4  }
0x17f: {  	v62 =	vshll.u32 v3, $0x1  }
0x180: {  	v3 =	vand.u32 $0x7, v3;
	v4 =	vand.u32 $0xFFFFFFF0, v62  }
0x181: {  	v3 =	vor.u32 v3, v4  }
0x182: {  	v4 =	vperm.xlane v3, v0;
	_ =	sdelay $0x1  }
0x183: {  	v3 =	vperm.xlane v3, v2;
	v4 =	vadd.s32 v1, v4;
	_ =	sdelay $0x1  }
0x184: {  	v3 =	vadd.s32 v1, v3;
	_ =	sdelay $0x1  }
0x185: {  	s31 =	simm.s32 $0xDB80  }
0x186: {  	[tilespmem:s31], [sflag:$0x1] =	stream.indirect_vreg.gather [hbm4b:s1+s4], $0x80, v4, vm0, $0xb8;
	[tilespmem:$0x17E00] =	vst v63  }
0x187: {  	s31 =	simm.s32 $0xE380  }
0x188: {  	[tilespmem:s31], [sflag:$0x1] =	stream.indirect_vreg.gather [hbm4b:s1+s4], $0x80, v3, vm0, $0xb8;
	[tilespmem:$0x17E00] =	vst v63  }
0x189: {  	v3 =	vld [tilespmem:s0+$0xFFFFFFA0];
	_ =	sdelay $0x4  }
0x18a: {  	v63 =	vshll.u32 v3, $0x1  }
0x18b: {  	v3 =	vand.u32 $0x7, v3;
	v4 =	vand.u32 $0xFFFFFFF0, v63  }
0x18c: {  	v3 =	vor.u32 v3, v4  }
0x18d: {  	v4 =	vperm.xlane v3, v0;
	_ =	sdelay $0x1  }
0x18e: {  	v3 =	vperm.xlane v3, v2;
	v4 =	vadd.s32 v1, v4;
	_ =	sdelay $0x1  }
0x18f: {  	v3 =	vadd.s32 v1, v3;
	_ =	sdelay $0x1  }
0x190: {  	s31 =	simm.s32 $0xEB80  }
0x191: {  	[tilespmem:s31], [sflag:$0x1] =	stream.indirect_vreg.gather [hbm4b:s1+s4], $0x80, v4, vm0, $0xb8;
	[tilespmem:$0x17E00] =	vst v63  }
0x192: {  	s31 =	simm.s32 $0xF380  }
0x193: {  	[tilespmem:s31], [sflag:$0x1] =	stream.indirect_vreg.gather [hbm4b:s1+s4], $0x80, v3, vm0, $0xb8;
	[tilespmem:$0x17E00] =	vst v63  }
.LBB2_4:
0x194: {  	v3 =	vld [tilespmem:s3+$0xFFFFFF90];
	_ =	sdelay $0x7  }
0x195: {  	v3 =	vld.idx.msk [tilespmem:v3+s4+$0x0], $0xffff;
	_ =	sdelay $0x4  }
0x196: {  	[tilespmem:$0x17C00] =	vst v3  }
0x197: {  	v3 =	vld [tilespmem:s3+$0xFFFFFFA0];
	_ =	sdelay $0x7  }
0x198: {  	v3 =	vld.idx.msk [tilespmem:v3+s4+$0x0], $0xffff;
	_ =	sdelay $0x4  }
0x199: {  	[tilespmem:$0x17C10] =	vst v3  }
0x19a: {  	_ =	swait.ge [sflag:s10], $0x2000  }
0x19b: {  	[sflag:s10] =	ssyncset.done $0x0  }
0x19c: {  	[sflag:s10] =	ssyncadd.s32 $0xFFFFE000  }
0x19d: {  	_ =	swait.ge [sflag:s10], $0x2000  }
0x19e: {  	[sflag:s10] =	ssyncset.done $0x0  }
0x19f: {  	s26 =	sadd.s32 $0x400, s18;
	s31 =	simm.s32 $0x5B80;
	[sflag:s10] =	ssyncadd.s32 $0xFFFFE000  }
0x1a0: {  	[hbm4b:s26+s4] =	stream.linear.scatter [tilespmem:s31], [sflag:$0x7], $0x2000, $0x38;
	[tilespmem:$0x17E00] =	vst v63  }
.Ltmp5:
0x1a1: {  	_ = 	snop;
	(pc) =	sbr.rel @p0 .LBB2_6-.Ltmp5, $4  }
0x1a2: {  	s26 =	sadd.s32 $0x400, s22;
	s31 =	simm.s32 $0xFB80  }
0x1a3: {  	[hbm4b:s26+s4] =	stream.linear.scatter [tilespmem:s31], [sflag:$0x7], $0x2000, $0x38;
	[tilespmem:$0x17E00] =	vst v63  }
0x1a4: {  	s31 =	simm.s32 $0x17C00  }
0x1a5: {  	[hbm4b:s6+s4] =	stream.linear.scatter [tilespmem:s31], [sflag:$0x7], $0x20, $0x38;
	[tilespmem:$0x17E00] =	vst v63  }
0x1a6: {  	_ =	swait.ge [sflag:s28], $0x2000  }
0x1a7: {  	[sflag:s28] =	ssyncset.done $0x0  }
0x1a8: {  	[sflag:s28] =	ssyncadd.s32 $0xFFFFE000  }
0x1a9: {  	_ =	swait.ge [sflag:s28], $0x2000  }
0x1aa: {  	[sflag:s28] =	ssyncset.done $0x0  }
0x1ab: {  	[sflag:s28] =	ssyncadd.s32 $0xFFFFE000  }
0x1ac: {  	_ =	swait.ge [sflag:s28], $0x20  }
0x1ad: {  	[sflag:s28] =	ssyncset.done $0x0  }
0x1ae: {  	[sflag:s28] =	ssyncadd.s32 $0xFFFFFFE0  }
0x1af: {  	v3 =	vld [tilespmem:s3+$0x30];
	_ =	sdelay $0x4  }
0x1b0: {  	v4 =	vshll.u32 v3, $0x1  }
0x1b1: {  	v3 =	vand.u32 $0x7, v3;
	v4 =	vand.u32 $0xFFFFFFF0, v4  }
0x1b2: {  	v3 =	vor.u32 v3, v4  }
0x1b3: {  	v4 =	vperm.xlane v3, v0;
	_ =	sdelay $0x1  }
0x1b4: {  	v3 =	vperm.xlane v3, v2;
	v4 =	vadd.s32 v1, v4;
	_ =	sdelay $0x1  }
0x1b5: {  	v3 =	vadd.s32 v1, v3;
	_ =	sdelay $0x1  }
0x1b6: {  	s26 =	simm.s32 $0x5B80  }
0x1b7: {  	[tilespmem:s26], [sflag:$0x2] =	stream.indirect_vreg.gather [hbm4b:s1+s4], $0x80, v4, vm0, $0xb8;
	[tilespmem:$0x17E00] =	vst v63  }
0x1b8: {  	s31 =	simm.s32 $0x6380  }
0x1b9: {  	[tilespmem:s31], [sflag:$0x2] =	stream.indirect_vreg.gather [hbm4b:s1+s4], $0x80, v3, vm0, $0xb8;
	[tilespmem:$0x17E00] =	vst v63  }
0x1ba: {  	v3 =	vld [tilespmem:s3+$0x40];
	_ =	sdelay $0x4  }
0x1bb: {  	v61 =	vshll.u32 v3, $0x1  }
0x1bc: {  	v3 =	vand.u32 $0x7, v3;
	v4 =	vand.u32 $0xFFFFFFF0, v61  }
0x1bd: {  	v3 =	vor.u32 v3, v4  }
0x1be: {  	v4 =	vperm.xlane v3, v0;
	_ =	sdelay $0x1  }
0x1bf: {  	v3 =	vperm.xlane v3, v2;
	v4 =	vadd.s32 v1, v4;
	_ =	sdelay $0x1  }
0x1c0: {  	v3 =	vadd.s32 v1, v3;
	_ =	sdelay $0x1  }
0x1c1: {  	s31 =	simm.s32 $0x6B80  }
0x1c2: {  	[tilespmem:s31], [sflag:$0x2] =	stream.indirect_vreg.gather [hbm4b:s1+s4], $0x80, v4, vm0, $0xb8;
	[tilespmem:$0x17E00] =	vst v63  }
0x1c3: {  	s31 =	simm.s32 $0x7380  }
0x1c4: {  	[tilespmem:s31], [sflag:$0x2] =	stream.indirect_vreg.gather [hbm4b:s1+s4], $0x80, v3, vm0, $0xb8;
	[tilespmem:$0x17E00] =	vst v63  }
0x1c5: {  	v3 =	vld [tilespmem:s0+$0xFFFFFFB0];
	_ =	sdelay $0x4  }
0x1c6: {  	v62 =	vshll.u32 v3, $0x1  }
0x1c7: {  	v3 =	vand.u32 $0x7, v3;
	v4 =	vand.u32 $0xFFFFFFF0, v62  }
0x1c8: {  	v3 =	vor.u32 v3, v4  }
0x1c9: {  	v4 =	vperm.xlane v3, v0;
	_ =	sdelay $0x1  }
0x1ca: {  	v3 =	vperm.xlane v3, v2;
	v4 =	vadd.s32 v1, v4;
	_ =	sdelay $0x1  }
0x1cb: {  	v3 =	vadd.s32 v1, v3;
	_ =	sdelay $0x1  }
0x1cc: {  	s31 =	simm.s32 $0xFB80  }
0x1cd: {  	[tilespmem:s31], [sflag:$0x2] =	stream.indirect_vreg.gather [hbm4b:s1+s4], $0x80, v4, vm0, $0xb8;
	[tilespmem:$0x17E00] =	vst v63  }
0x1ce: {  	s31 =	simm.s32 $0x10380  }
0x1cf: {  	[tilespmem:s31], [sflag:$0x2] =	stream.indirect_vreg.gather [hbm4b:s1+s4], $0x80, v3, vm0, $0xb8;
	[tilespmem:$0x17E00] =	vst v63  }
0x1d0: {  	v3 =	vld [tilespmem:s0+$0xFFFFFFC0];
	_ =	sdelay $0x4  }
0x1d1: {  	v63 =	vshll.u32 v3, $0x1  }
0x1d2: {  	v3 =	vand.u32 $0x7, v3;
	v4 =	vand.u32 $0xFFFFFFF0, v63  }
0x1d3: {  	v3 =	vor.u32 v3, v4  }
0x1d4: {  	v4 =	vperm.xlane v3, v0;
	_ =	sdelay $0x1  }
0x1d5: {  	v3 =	vperm.xlane v3, v2;
	v4 =	vadd.s32 v1, v4;
	_ =	sdelay $0x1  }
0x1d6: {  	v3 =	vadd.s32 v1, v3;
	_ =	sdelay $0x1  }
0x1d7: {  	s31 =	simm.s32 $0x10B80  }
0x1d8: {  	[tilespmem:s31], [sflag:$0x2] =	stream.indirect_vreg.gather [hbm4b:s1+s4], $0x80, v4, vm0, $0xb8;
	[tilespmem:$0x17E00] =	vst v63  }
0x1d9: {  	s31 =	simm.s32 $0x11380  }
0x1da: {  	[tilespmem:s31], [sflag:$0x2] =	stream.indirect_vreg.gather [hbm4b:s1+s4], $0x80, v3, vm0, $0xb8;
	[tilespmem:$0x17E00] =	vst v63  }
.LBB2_6:
0x1db: {  	v3 =	vld [tilespmem:s3+$0xFFFFFFB0];
	_ =	sdelay $0x7  }
0x1dc: {  	v3 =	vld.idx.msk [tilespmem:v3+s4+$0x0], $0xffff;
	_ =	sdelay $0x4  }
0x1dd: {  	[tilespmem:$0x17C80] =	vst v3  }
0x1de: {  	v3 =	vld [tilespmem:s3+$0xFFFFFFC0];
	_ =	sdelay $0x7  }
0x1df: {  	v3 =	vld.idx.msk [tilespmem:v3+s4+$0x0], $0xffff;
	_ =	sdelay $0x4  }
0x1e0: {  	[tilespmem:$0x17C90] =	vst v3  }
0x1e1: {  	_ =	swait.ge [sflag:s12], $0x2000  }
0x1e2: {  	[sflag:s12] =	ssyncset.done $0x0  }
0x1e3: {  	[sflag:s12] =	ssyncadd.s32 $0xFFFFE000  }
0x1e4: {  	_ =	swait.ge [sflag:s12], $0x2000  }
0x1e5: {  	[sflag:s12] =	ssyncset.done $0x0  }
0x1e6: {  	s26 =	sadd.s32 $0x800, s18;
	[sflag:s12] =	ssyncadd.s32 $0xFFFFE000  }
0x1e7: {  	[hbm4b:s26+s4] =	stream.linear.scatter [tilespmem:s16], [sflag:$0x8], $0x2000, $0x38;
	[tilespmem:$0x17E00] =	vst v63  }
.Ltmp6:
0x1e8: {  	_ = 	snop;
	(pc) =	sbr.rel @p0 .LBB2_8-.Ltmp6, $4  }
0x1e9: {  	s31 =	sadd.s32 $0x800, s22  }
0x1ea: {  	[hbm4b:s31+s4] =	stream.linear.scatter [tilespmem:s7], [sflag:$0x8], $0x2000, $0x38;
	[tilespmem:$0x17E00] =	vst v63  }
0x1eb: {  	s31 =	simm.s32 $0x17C80  }
0x1ec: {  	[hbm4b:s17+s4] =	stream.linear.scatter [tilespmem:s31], [sflag:$0x8], $0x20, $0x38;
	[tilespmem:$0x17E00] =	vst v63  }
0x1ed: {  	_ =	swait.ge [sflag:s29], $0x2000  }
0x1ee: {  	[sflag:s29] =	ssyncset.done $0x0  }
0x1ef: {  	[sflag:s29] =	ssyncadd.s32 $0xFFFFE000  }
0x1f0: {  	_ =	swait.ge [sflag:s29], $0x2000  }
0x1f1: {  	[sflag:s29] =	ssyncset.done $0x0  }
0x1f2: {  	[sflag:s29] =	ssyncadd.s32 $0xFFFFE000  }
0x1f3: {  	_ =	swait.ge [sflag:s29], $0x20  }
0x1f4: {  	[sflag:s29] =	ssyncset.done $0x0  }
0x1f5: {  	[sflag:s29] =	ssyncadd.s32 $0xFFFFFFE0  }
0x1f6: {  	v3 =	vld [tilespmem:s3+$0x50];
	_ =	sdelay $0x4  }
0x1f7: {  	v4 =	vshll.u32 v3, $0x1  }
0x1f8: {  	v3 =	vand.u32 $0x7, v3;
	v4 =	vand.u32 $0xFFFFFFF0, v4  }
0x1f9: {  	v3 =	vor.u32 v3, v4  }
0x1fa: {  	v4 =	vperm.xlane v3, v0;
	_ =	sdelay $0x1  }
0x1fb: {  	v3 =	vperm.xlane v3, v2;
	v4 =	vadd.s32 v1, v4;
	_ =	sdelay $0x1  }
0x1fc: {  	v3 =	vadd.s32 v1, v3;
	_ =	sdelay $0x2  }
0x1fd: {  	[tilespmem:s16], [sflag:$0x3] =	stream.indirect_vreg.gather [hbm4b:s1+s4], $0x80, v4, vm0, $0xb8;
	[tilespmem:$0x17E00] =	vst v63  }
0x1fe: {  	s26 =	simm.s32 $0x8380  }
0x1ff: {  	[tilespmem:s26], [sflag:$0x3] =	stream.indirect_vreg.gather [hbm4b:s1+s4], $0x80, v3, vm0, $0xb8;
	[tilespmem:$0x17E00] =	vst v63  }
0x200: {  	v3 =	vld [tilespmem:s3+$0x60];
	_ =	sdelay $0x4  }
0x201: {  	v61 =	vshll.u32 v3, $0x1  }
0x202: {  	v3 =	vand.u32 $0x7, v3;
	v4 =	vand.u32 $0xFFFFFFF0, v61  }
0x203: {  	v3 =	vor.u32 v3, v4  }
0x204: {  	v4 =	vperm.xlane v3, v0;
	_ =	sdelay $0x1  }
0x205: {  	v3 =	vperm.xlane v3, v2;
	v4 =	vadd.s32 v1, v4;
	_ =	sdelay $0x1  }
0x206: {  	v3 =	vadd.s32 v1, v3;
	_ =	sdelay $0x1  }
0x207: {  	s31 =	simm.s32 $0x8B80  }
0x208: {  	[tilespmem:s31], [sflag:$0x3] =	stream.indirect_vreg.gather [hbm4b:s1+s4], $0x80, v4, vm0, $0xb8;
	[tilespmem:$0x17E00] =	vst v63  }
0x209: {  	s31 =	simm.s32 $0x9380  }
0x20a: {  	[tilespmem:s31], [sflag:$0x3] =	stream.indirect_vreg.gather [hbm4b:s1+s4], $0x80, v3, vm0, $0xb8;
	[tilespmem:$0x17E00] =	vst v63  }
0x20b: {  	v3 =	vld [tilespmem:s0+$0xFFFFFFD0];
	_ =	sdelay $0x4  }
0x20c: {  	v62 =	vshll.u32 v3, $0x1  }
0x20d: {  	v3 =	vand.u32 $0x7, v3;
	v4 =	vand.u32 $0xFFFFFFF0, v62  }
0x20e: {  	v3 =	vor.u32 v3, v4  }
0x20f: {  	v4 =	vperm.xlane v3, v0;
	_ =	sdelay $0x1  }
0x210: {  	v3 =	vperm.xlane v3, v2;
	v4 =	vadd.s32 v1, v4;
	_ =	sdelay $0x1  }
0x211: {  	v3 =	vadd.s32 v1, v3;
	_ =	sdelay $0x2  }
0x212: {  	[tilespmem:s7], [sflag:$0x3] =	stream.indirect_vreg.gather [hbm4b:s1+s4], $0x80, v4, vm0, $0xb8;
	[tilespmem:$0x17E00] =	vst v63  }
0x213: {  	s31 =	simm.s32 $0x12380  }
0x214: {  	[tilespmem:s31], [sflag:$0x3] =	stream.indirect_vreg.gather [hbm4b:s1+s4], $0x80, v3, vm0, $0xb8;
	[tilespmem:$0x17E00] =	vst v63  }
0x215: {  	v3 =	vld [tilespmem:s0+$0xFFFFFFE0];
	_ =	sdelay $0x4  }
0x216: {  	v63 =	vshll.u32 v3, $0x1  }
0x217: {  	v3 =	vand.u32 $0x7, v3;
	v4 =	vand.u32 $0xFFFFFFF0, v63  }
0x218: {  	v3 =	vor.u32 v3, v4  }
0x219: {  	v4 =	vperm.xlane v3, v0;
	_ =	sdelay $0x1  }
0x21a: {  	v3 =	vperm.xlane v3, v2;
	v4 =	vadd.s32 v1, v4;
	_ =	sdelay $0x1  }
0x21b: {  	v3 =	vadd.s32 v1, v3;
	_ =	sdelay $0x1  }
0x21c: {  	s31 =	simm.s32 $0x12B80  }
0x21d: {  	[tilespmem:s31], [sflag:$0x3] =	stream.indirect_vreg.gather [hbm4b:s1+s4], $0x80, v4, vm0, $0xb8;
	[tilespmem:$0x17E00] =	vst v63  }
0x21e: {  	s31 =	simm.s32 $0x13380  }
0x21f: {  	[tilespmem:s31], [sflag:$0x3] =	stream.indirect_vreg.gather [hbm4b:s1+s4], $0x80, v3, vm0, $0xb8;
	[tilespmem:$0x17E00] =	vst v63  }
.LBB2_8:
0x220: {  	v3 =	vld [tilespmem:s3+$0xFFFFFFD0];
	_ =	sdelay $0x7  }
0x221: {  	v3 =	vld.idx.msk [tilespmem:v3+s4+$0x0], $0xffff;
	_ =	sdelay $0x4  }
0x222: {  	[tilespmem:$0x17D00] =	vst v3  }
0x223: {  	v3 =	vld [tilespmem:s3+$0xFFFFFFE0];
	_ =	sdelay $0x7  }
0x224: {  	v3 =	vld.idx.msk [tilespmem:v3+s4+$0x0], $0xffff;
	_ =	sdelay $0x4  }
0x225: {  	[tilespmem:$0x17D10] =	vst v3  }
0x226: {  	_ =	swait.ge [sflag:s15], $0x2000  }
0x227: {  	[sflag:s15] =	ssyncset.done $0x0  }
0x228: {  	[sflag:s15] =	ssyncadd.s32 $0xFFFFE000  }
0x229: {  	_ =	swait.ge [sflag:s15], $0x2000  }
0x22a: {  	[sflag:s15] =	ssyncset.done $0x0  }
0x22b: {  	s26 =	sadd.s32 $0xC00, s18;
	[sflag:s15] =	ssyncadd.s32 $0xFFFFE000  }
0x22c: {  	[hbm4b:s26+s4] =	stream.linear.scatter [tilespmem:s13], [sflag:$0x9], $0x2000, $0x38;
	[tilespmem:$0x17E00] =	vst v63  }
.Ltmp7:
0x22d: {  	_ = 	snop;
	(pc) =	sbr.rel @p0 .LBB2_10-.Ltmp7, $4  }
0x22e: {  	s31 =	sadd.s32 $0xC00, s22  }
0x22f: {  	[hbm4b:s31+s4] =	stream.linear.scatter [tilespmem:s20], [sflag:$0x9], $0x2000, $0x38;
	[tilespmem:$0x17E00] =	vst v63  }
0x230: {  	s31 =	simm.s32 $0x17D00  }
0x231: {  	[hbm4b:s11+s4] =	stream.linear.scatter [tilespmem:s31], [sflag:$0x9], $0x20, $0x38;
	[tilespmem:$0x17E00] =	vst v63  }
0x232: {  	_ =	swait.ge [sflag:s30], $0x2000  }
0x233: {  	[sflag:s30] =	ssyncset.done $0x0  }
0x234: {  	[sflag:s30] =	ssyncadd.s32 $0xFFFFE000  }
0x235: {  	_ =	swait.ge [sflag:s30], $0x2000  }
0x236: {  	[sflag:s30] =	ssyncset.done $0x0  }
0x237: {  	[sflag:s30] =	ssyncadd.s32 $0xFFFFE000  }
0x238: {  	_ =	swait.ge [sflag:s30], $0x20  }
0x239: {  	[sflag:s30] =	ssyncset.done $0x0  }
0x23a: {  	[sflag:s30] =	ssyncadd.s32 $0xFFFFFFE0  }
0x23b: {  	v3 =	vld [tilespmem:s3+$0x70];
	_ =	sdelay $0x4  }
0x23c: {  	v4 =	vshll.u32 v3, $0x1  }
0x23d: {  	v3 =	vand.u32 $0x7, v3;
	v4 =	vand.u32 $0xFFFFFFF0, v4  }
0x23e: {  	v3 =	vor.u32 v3, v4  }
0x23f: {  	v4 =	vperm.xlane v3, v0;
	_ =	sdelay $0x1  }
0x240: {  	v3 =	vperm.xlane v3, v2;
	v4 =	vadd.s32 v1, v4;
	_ =	sdelay $0x1  }
0x241: {  	v3 =	vadd.s32 v1, v3;
	_ =	sdelay $0x2  }
0x242: {  	[tilespmem:s13], [sflag:$0x4] =	stream.indirect_vreg.gather [hbm4b:s1+s4], $0x80, v4, vm0, $0xb8;
	[tilespmem:$0x17E00] =	vst v63  }
0x243: {  	s26 =	simm.s32 $0xA380  }
0x244: {  	[tilespmem:s26], [sflag:$0x4] =	stream.indirect_vreg.gather [hbm4b:s1+s4], $0x80, v3, vm0, $0xb8;
	[tilespmem:$0x17E00] =	vst v63  }
0x245: {  	v3 =	vld [tilespmem:s3+$0x80];
	_ =	sdelay $0x4  }
0x246: {  	v61 =	vshll.u32 v3, $0x1  }
0x247: {  	v3 =	vand.u32 $0x7, v3;
	v4 =	vand.u32 $0xFFFFFFF0, v61  }
0x248: {  	v3 =	vor.u32 v3, v4  }
0x249: {  	v4 =	vperm.xlane v3, v0;
	_ =	sdelay $0x1  }
0x24a: {  	v3 =	vperm.xlane v3, v2;
	v4 =	vadd.s32 v1, v4;
	_ =	sdelay $0x1  }
0x24b: {  	v3 =	vadd.s32 v1, v3;
	_ =	sdelay $0x1  }
0x24c: {  	s31 =	simm.s32 $0xAB80  }
0x24d: {  	[tilespmem:s31], [sflag:$0x4] =	stream.indirect_vreg.gather [hbm4b:s1+s4], $0x80, v4, vm0, $0xb8;
	[tilespmem:$0x17E00] =	vst v63  }
0x24e: {  	s31 =	simm.s32 $0xB380  }
0x24f: {  	[tilespmem:s31], [sflag:$0x4] =	stream.indirect_vreg.gather [hbm4b:s1+s4], $0x80, v3, vm0, $0xb8;
	[tilespmem:$0x17E00] =	vst v63  }
0x250: {  	v3 =	vld [tilespmem:s0+$0xFFFFFFF0];
	_ =	sdelay $0x4  }
0x251: {  	v62 =	vshll.u32 v3, $0x1  }
0x252: {  	v3 =	vand.u32 $0x7, v3;
	v4 =	vand.u32 $0xFFFFFFF0, v62  }
0x253: {  	v3 =	vor.u32 v3, v4  }
0x254: {  	v4 =	vperm.xlane v3, v0;
	_ =	sdelay $0x1  }
0x255: {  	v3 =	vperm.xlane v3, v2;
	v4 =	vadd.s32 v1, v4;
	_ =	sdelay $0x1  }
0x256: {  	v3 =	vadd.s32 v1, v3;
	_ =	sdelay $0x2  }
0x257: {  	[tilespmem:s20], [sflag:$0x4] =	stream.indirect_vreg.gather [hbm4b:s1+s4], $0x80, v4, vm0, $0xb8;
	[tilespmem:$0x17E00] =	vst v63  }
0x258: {  	s31 =	simm.s32 $0x14380  }
0x259: {  	[tilespmem:s31], [sflag:$0x4] =	stream.indirect_vreg.gather [hbm4b:s1+s4], $0x80, v3, vm0, $0xb8;
	[tilespmem:$0x17E00] =	vst v63  }
0x25a: {  	v3 =	vld [tilespmem:s0+$0x0];
	_ =	sdelay $0x4  }
0x25b: {  	v63 =	vshll.u32 v3, $0x1  }
0x25c: {  	v3 =	vand.u32 $0x7, v3;
	v4 =	vand.u32 $0xFFFFFFF0, v63  }
0x25d: {  	v3 =	vor.u32 v3, v4  }
0x25e: {  	v4 =	vperm.xlane v3, v0;
	_ =	sdelay $0x1  }
0x25f: {  	v3 =	vperm.xlane v3, v2;
	v4 =	vadd.s32 v1, v4;
	_ =	sdelay $0x1  }
0x260: {  	v3 =	vadd.s32 v1, v3  }
.Ltmp8:
0x261: {  	_ = 	snop;
	(pc) =	sbr.rel .LBB2_10-.Ltmp8, $4  }
0x262: {  	s31 =	simm.s32 $0x14B80  }
0x263: {  	[tilespmem:s31], [sflag:$0x4] =	stream.indirect_vreg.gather [hbm4b:s1+s4], $0x80, v4, vm0, $0xb8;
	[tilespmem:$0x17E00] =	vst v63  }
0x264: {  	s31 =	simm.s32 $0x15380  }
0x265: {  	[tilespmem:s31], [sflag:$0x4] =	stream.indirect_vreg.gather [hbm4b:s1+s4], $0x80, v3, vm0, $0xb8;
	[tilespmem:$0x17E00] =	vst v63  }
.LBB2_12:
0x266: {  	_ =	sfence.sel $0x180000  }
0x267: {  	[bflag:$0x0] =	sbarrier.arrive $0xFFFF  }
0x268: {  	_ =	strace $0x9000004A  }
0x269: {  	s0 =	stileid.u32;
	[bflag:$0x2] =	sbarrier.arrive $0xFFFF  }
0x26a: {  	p0 =	sne.s32 s0, $0x0;
	s0 =	rddreg [dreg:$0x3]  }
0x26b: {  	s0 =	sadd.s32 @!p0 $0x100000, s0  }
0x26c: {  	[sflag:s0] =	ssyncadd.tile.s32 @!p0 $0x1;
	_ =	shalt  }
.Lfunc_end2:
_tile_overlayer_lowered:
.L_overlay_start_2:
0x26d: {  	(tag) =	ssettag $0x2  }
0x26e: {  	s0 =	rddreg [dreg:$0x0];
	s2 =	stileid.u32  }
0x26f: {  	s1 =	rddreg [dreg:$0x1];
	p0 =	sne.s32 s2, $0x0  }
0x270: {  	s3 =	rddreg [dreg:$0x2];
	[bflag:$0x3] =	sbarrier.arrive $0xFFFF;
	s2 =	simm.s32 @!p0 $0x1C0B  }
0x271: {  	[timem:s3], [sflag:s2] =	dma.local @!p0 [hbm:s0], s1  }
0x272: {  	s0 =	simm.s32 @!p0 $0xB  }
0x273: {  	_ =	swait.ge @!p0 [sflag:s0], s1  }
0x274: {  	s1 =	ssub.s32 @!p0 $0x0, s1;
	[sflag:s0] =	ssyncset.done @!p0 $0x0  }
0x275: {  	[sflag:s0] =	ssyncadd.s32 @!p0 s1  }
0x276: {  	[bflag:$0x3] =	sbarrier.arrive $0xFFFF  }
0x277: {  	_ =	shalt  }

// kernel: kernel.7.cloned.1.call-start
scs
__scs_entry_jumppad:
0x0: {  	(pc) =	sbr.rel $0x88, $3  }
0x1: {  	(tag) =	ssettag $0x0;
	lr =	simm.s32 $0x1  }
0x2: {  	[smem:$0x3F96] =	sst lr;
	_ =	strace $0xD0000000  }
0x3: {  	_ = 	snop  }
0x4: {  	_ = 	snop  }
0x5: {  	_ = 	snop  }
0x6: {  	_ = 	snop  }
0x7: {  	_ = 	snop  }
__scs_overlays_trampoline_lowered:
0x8: {  	[smem:$0x3FA5] =	sst s0  }
0x9: {  	[smem:$0x3FA6] =	sst s1  }
0xa: {  	[smem:$0x3FA7] =	sst s2  }
0xb: {  	[smem:$0x3FA8] =	sst s3  }
0xc: {  	[smem:$0x3FA9] =	sst s4  }
0xd: {  	[smem:$0x3FAA] =	sst s5  }
0xe: {  	[smem:$0x3FAB] =	sst s6  }
0xf: {  	[smem:$0x3FAC] =	sst s7  }
0x10: {  	[smem:$0x3FAD] =	sst s8  }
0x11: {  	[smem:$0x3FAE] =	sst s9;
	s0 =	simm.s32 @!p0 $0x0  }
0x12: {  	s1 =	sld [smem:$0x3F94];
	s0 =	simm.s32 @p0 $0x1  }
0x13: {  	[smem:$0x3FAF] =	sst s0;
	s0 =	simm.s32 @!p1 $0x0  }
0x14: {  	s2 =	sld [smem:$0x3F93];
	s0 =	simm.s32 @p1 $0x1  }
0x15: {  	[smem:$0x3FB0] =	sst s0;
	s0 =	simm.s32 @!p2 $0x0  }
0x16: {  	s3 =	sld [smem:$0x3FDB];
	s0 =	simm.s32 @p2 $0x1  }
0x17: {  	s4 =	simm.s32 $0x1BF5;
	[smem:$0x3FB2] =	sst s0  }
0x18: {  	s0 =	sld [smem:$0x3F95];
	_ =	swait.ge [sflag:s4], $0x0  }
0x19: {  	s7 =	sld [smem:$0x3F96]  }
0x1a: {  	s8 =	sadd.s32 $0xFFFFE003, lr  }
0x1b: {  	s9 =	sadd.s32 $0xFFFFFEF7, lr;
	s5 =	simm.s32 $0xFFFFFFFF;
	p2 =	slt.u32 s8, $0xFFFFF086  }
0x1c: {  	p1 =	slt.u32 s9, $0xF7A;
	s5 =	simm.s32 @!p2 $0x0  }
0x1d: {  	s5 =	simm.s32 @p1 $0x1;
	p0 =	seq.s32 s7, s2  }
0x1e: {  	s7 =	smul.u32 @!p0 $0xF7A, s2;
	p2 =	seq.s32 @!p0 s5, $0x0  }
0x1f: {  	s9 =	smul.u32 $0xF7A, s1;
	s8 =	simm.s32 @!p0 $0x1BF5;
	p2 =	por !p2, p0  }
0x20: {  	[sflag:s8] =	ssyncset.s32 @!p0 $0xFFFFF086;
	s6 =	sadd.s32 @!p0 s3, s7;
	s7 =	simm.s32 @!p0 $0x108  }
0x21: {  	s3 =	sadd.s32 s3, s9;
	s6 =	sadd.s32 @!p0 $0x88, s6;
	s7 =	simm.s32 @p2 $0x1082  }
0x22: {  	[simem:s7], [sflag:s8] =	dma.local @!p0 [hbm:s6], $0xF7A  }
0x23: {  	s9 =	sor.u32 $0xD0000000, s2;
	s6 =	simm.s32 $0x108;
	_ =	swait.ge @!p0 [sflag:s8], $0x0  }
0x24: {  	s3 =	sadd.s32 $0x88, s3;
	s6 =	simm.s32 @!p1 $0x1082;
	[sflag:s4] =	ssyncset.s32 $0xFFFFF086  }
0x25: {  	[simem:s6], [sflag:s4] =	dma.local [hbm:s3], $0xF7A  }
0x26: {  	[smem:$0x3F96] =	sst s1;
	(tag) =	ssettag s2;
	_ =	strace s9  }
0x27: {  	s1 =	sld [smem:$0x3FA6]  }
0x28: {  	s2 =	sld [smem:$0x3FA7]  }
0x29: {  	s4 =	sld [smem:$0x3FA9]  }
0x2a: {  	p0 =	seq.s32 s5, $0x0;
	s5 =	sld [smem:$0x3FAA]  }
0x2b: {  	s6 =	sld [smem:$0x3FAB]  }
0x2c: {  	s7 =	sld [smem:$0x3FAC]  }
0x2d: {  	s3 =	simm.s32 $0x108;
	s8 =	sld [smem:$0x3FAD]  }
0x2e: {  	s3 =	simm.s32 @!p0 $0x1082;
	s9 =	sld [smem:$0x3FAE]  }
0x2f: {  	lr =	sadd.s32 s0, s3;
	s0 =	sld [smem:$0x3FA5]  }
0x30: {  	s3 =	sld [smem:$0x3FA8]  }
0x31: {  	[smem:$0x3FB1] =	sst s10  }
0x32: {  	s10 =	sld [smem:$0x3FAF];
	_ =	sdelay $0x3  }
0x33: {  	p0 =	seq.s32 s10, $0x1;
	s10 =	sld [smem:$0x3FB1];
	_ =	sdelay $0x3  }
0x34: {  	[smem:$0x3FB1] =	sst s10  }
0x35: {  	s10 =	sld [smem:$0x3FB0];
	_ =	sdelay $0x3  }
0x36: {  	p1 =	seq.s32 s10, $0x1;
	s10 =	sld [smem:$0x3FB1];
	_ =	sdelay $0x3  }
0x37: {  	[smem:$0x3FB1] =	sst s10  }
0x38: {  	s10 =	sld [smem:$0x3FB2]  }
0x39: {  	_ = 	snop;
	(pc) =	sbr.ind lr, $3  }
0x3a: {  	_ = 	snop  }
0x3b: {  	_ = 	snop  }
0x3c: {  	p2 =	seq.s32 s10, $0x1;
	s10 =	sld [smem:$0x3FB1]  }
0x3d: {  	_ =	shalt  }
0x3e: {  	_ =	shalt  }
0x3f: {  	_ =	shalt  }
0x40: {  	_ =	shalt  }
0x41: {  	_ =	shalt  }
0x42: {  	_ =	shalt  }
0x43: {  	_ =	shalt  }
0x44: {  	_ =	shalt  }
0x45: {  	_ =	shalt  }
0x46: {  	_ =	shalt  }
0x47: {  	_ =	shalt  }
0x48: {  	_ =	shalt  }
0x49: {  	_ =	shalt  }
0x4a: {  	_ =	shalt  }
0x4b: {  	_ =	shalt  }
0x4c: {  	_ =	shalt  }
0x4d: {  	_ =	shalt  }
0x4e: {  	_ =	shalt  }
0x4f: {  	_ =	shalt  }
0x50: {  	_ =	shalt  }
0x51: {  	_ =	shalt  }
0x52: {  	_ =	shalt  }
0x53: {  	_ =	shalt  }
0x54: {  	_ =	shalt  }
0x55: {  	_ =	shalt  }
0x56: {  	_ =	shalt  }
0x57: {  	_ =	shalt  }
0x58: {  	_ =	shalt  }
0x59: {  	_ =	shalt  }
0x5a: {  	_ =	shalt  }
0x5b: {  	_ =	shalt  }
0x5c: {  	_ =	shalt  }
0x5d: {  	_ =	shalt  }
0x5e: {  	_ =	shalt  }
0x5f: {  	_ =	shalt  }
0x60: {  	_ =	shalt  }
0x61: {  	_ =	shalt  }
0x62: {  	_ =	shalt  }
0x63: {  	_ =	shalt  }
0x64: {  	_ =	shalt  }
0x65: {  	_ =	shalt  }
0x66: {  	_ =	shalt  }
0x67: {  	_ =	shalt  }
0x68: {  	_ =	shalt  }
0x69: {  	_ =	shalt  }
0x6a: {  	_ =	shalt  }
0x6b: {  	_ =	shalt  }
0x6c: {  	_ =	shalt  }
0x6d: {  	_ =	shalt  }
0x6e: {  	_ =	shalt  }
0x6f: {  	_ =	shalt  }
0x70: {  	_ =	shalt  }
0x71: {  	_ =	shalt  }
0x72: {  	_ =	shalt  }
0x73: {  	_ =	shalt  }
0x74: {  	_ =	shalt  }
0x75: {  	_ =	shalt  }
0x76: {  	_ =	shalt  }
0x77: {  	_ =	shalt  }
0x78: {  	_ =	shalt  }
0x79: {  	_ =	shalt  }
0x7a: {  	_ =	shalt  }
0x7b: {  	_ =	shalt  }
0x7c: {  	_ =	shalt  }
0x7d: {  	_ =	shalt  }
0x7e: {  	_ =	shalt  }
0x7f: {  	_ =	shalt  }
0x80: {  	_ =	shalt  }
0x81: {  	_ =	shalt  }
0x82: {  	_ =	shalt  }
0x83: {  	_ =	shalt  }
0x84: {  	_ =	shalt  }
0x85: {  	_ =	shalt  }
0x86: {  	_ =	shalt  }
0x87: {  	_ =	shalt  }
.Lfunc_end0:
.L_simem_size_0:
called_computation_lowered:
.L_overlay_start_0:
0x88: {  	s2 =	sld [smem:$0x3FD9]  }
0x89: {  	s3 =	sld [smem:$0x3FFE];
	_ =	sdelay $0x1  }
0x8a: {  	s1 =	srdreg.scid  }
0x8b: {  	s0 =	sand.u32 $0x1, s1  }
0x8c: {  	s17 =	sshll.u32 s0, $0xA;
	s2 =	sadd.s32 s3, s2  }
0x8d: {  	s2 =	sadd.s32 s2, s17  }
0x8e: {  	[smem:$0x3FBD] =	sst s2  }
0x8f: {  	_ = 	snop  }
0x90: {  	s2 =	sld [smem:$0x3FC9]  }
0x91: {  	s18 =	sld [smem:$0x3FC7];
	(tm) =	ssettm $0x1  }
0x92: {  	s4 =	sld [smem:$0x3FFB];
	_ =	sdelay $0x3  }
0x93: {  	_ =	strace s4  }
0x94: {  	s4 =	sld [smem:$0x3FFC];
	_ =	sdelay $0x3  }
0x95: {  	_ =	strace s4  }
0x96: {  	s4 =	sld [smem:$0x3FFD];
	_ =	sdelay $0x3  }
0x97: {  	_ =	strace s4  }
0x98: {  	_ =	strace $0x8FFFFFFF  }
0x99: {  	s19 =	sld [smem:$0x3FDB];
	_ =	sdelay $0x1  }
0x9a: {  	s5 =	simm.s32 $_scs_section_size  }
0x9b: {  	s6 =	simm.s32 $_size__tile_overlayer_lowered;
	s7 =	simm.s32 $_tile_overlayer_lowered  }
0x9c: {  	s22 =	simm.s32 $0x1BFF;
	s21 =	sshll.u32 s7, $0x1;
	s4 =	sadd.s32 s5, s19  }
0x9d: {  	s8 =	simm.s32 $0x0;
	s20 =	sshll.u32 s6, $0x1;
	s6 =	sadd.s32 s21, s4  }
0x9e: {  	[timem:s8], [sflag:s22] =	dma.local [hbm:s6], s20  }
0x9f: {  	_ =	swait.ge [sflag:s22], s20  }
0xa0: {  	s5 =	ssub.s32 $0x0, s20;
	[sflag:s22] =	ssyncset.done $0x0  }
0xa1: {  	[sflag:s22] =	ssyncadd.s32 s5;
	_ =	sdelay $0x1  }
0xa2: {  	s23 =	simm.s32 $0x1B8B  }
0xa3: {  	_ =	swait.ge [sflag:s23], $0x1  }
0xa4: {  	[sflag:s23] =	ssyncset.done $0x0  }
0xa5: {  	s25 =	simm.s32 $0x1B8E;
	s24 =	sld [smem:$0x3FFE];
	[sflag:s23] =	ssyncadd.s32 $0xFFFFFFFF  }
0xa6: {  	s26 =	simm.s32 $execute0_lowered;
	[smem:$0x3FD2] =	sst s25  }
0xa7: {  	s6 =	sshll.u32 s26, $0x1;
	_ =	strace $0x80000046;
	[dreg:$0x1] =	wrdreg $0xFFFFFFFF  }
0xa8: {  	s28 =	simm.s32 $_size_execute0_lowered;
	s4 =	sadd.s32 s4, s6;
	[dreg:$0x0] =	wrdreg $0x0  }
0xa9: {  	s6 =	sshll.u32 s28, $0x1;
	[dreg:$0x2] =	wrdreg s4  }
0xaa: {  	[dreg:$0x3] =	wrdreg s6  }
0xab: {  	[dreg:$0x4] =	wrdreg $0xC0  }
0xac: {  	_ =	task [dreg:s8], $0x5FFFF  }
0xad: {  	[dreg:$0x1] =	wrdreg $0xFFFFFFFF  }
0xae: {  	[dreg:$0x0] =	wrdreg $0x60  }
0xaf: {  	[dreg:$0x2] =	wrdreg s2  }
0xb0: {  	[dreg:$0x3] =	wrdreg s24  }
0xb1: {  	[dreg:$0x4] =	wrdreg s18  }
0xb2: {  	[dreg:$0x5] =	wrdreg $0x9  }
0xb3: {  	_ =	task.clear_ibuf [dreg:s8], $0x6FFFF;
	_ =	strace $0x90000046  }
0xb4: {  	s29 =	simm.s32 $0x9;
	_ =	strace $0x80000048  }
0xb5: {  	_ =	swait.ge [sflag:s29], $0x1  }
0xb6: {  	[sflag:s29] =	ssyncadd.s32 $0xFFFFFFFF  }
0xb7: {  	_ =	strace $0x90000048  }
0xb8: {  	_ =	sfence  }
0xb9: {  	s30 =	sld [smem:$0x0];
	_ =	sdelay $0x2  }
0xba: {  	s31 =	sshll.u32 s1, $0xD;
	s1 =	sshrl.u32 s1, $0x2  }
0xbb: {  	s3 =	sand.u32 $0x4000, s31;
	s1 =	sadd.s32 s1, s30  }
0xbc: {  	s0 =	sor.u32 s3, s0;
	s1 =	sshll.u32 s1, $0x11  }
0xbd: {  	s0 =	sor.u32 s1, s0  }
0xbe: {  	s0 =	sadd.s32 $0x8F2B, s0  }
0xbf: {  	[sflag:s0] =	ssyncadd.remote.s32 $0x1  }
0xc0: {  	_ =	sfence.sel $0xFFFF  }
0xc1: {  	[dreg:$0x0] =	wrdreg $0xFFFFFFFF;
	(pc) =	sbr.abs _section_cstart, $3  }
0xc2: {  	[dreg:$0x1] =	wrdreg $0xFFFFFFFF  }
0xc3: {  	_ =	task.clear_ibuf [dreg:s8], $0x2FFFF;
	_ =	strace $0x9FFFFFFF  }
0xc4: {  	(tm) =	ssettm $0x7FFFFFFF  }
0xc5: {  	_ =	shalt  }
tec
execute0_lowered:
.L_overlay_start_1:
0x0: {  	(tag) =	ssettag $0x1  }
0x1: {  	s0 =	srdreg.scid;
	s1 =	rddreg [dreg:$0x0]  }
0x2: {  	s8 =	stileid.u32;
	s3 =	rddreg [dreg:$0x1];
	s4 =	simm.s32 $0x0  }
0x3: {  	s16 =	simm.s32 $0x7B80;
	s13 =	simm.s32 $0x9B80;
	s10 =	simm.s32 $0x2  }
0x4: {  	s12 =	simm.s32 $0x3;
	s15 =	simm.s32 $0x4;
	s28 =	simm.s32 $0x7  }
0x5: {  	s29 =	simm.s32 $0x8;
	s30 =	simm.s32 $0x9;
	s5 =	smul.u32 $0x28000, s8  }
0x6: {  	s0 =	sand.u32 $0x1, s0;
	s2 =	sshll.u32 s8, $0x1;
	s8 =	smul.u32 $0x1400, s8  }
0x7: {  	[smem:$0x7FF] =	sst s4;
	s2 =	sor.u32 s0, s2;
	s6 =	smul.u32 $0x14000, s0  }
0x8: {  	_ =	strace $0x80000047;
	s7 =	ssub.s32 $0x2, s0;
	s0 =	smul.u32 $0xA00, s0  }
0x9: {  	s2 =	smul.u32 $0xA00, s2;
	s5 =	sadd.s32 s5, s3;
	s9 =	sshrl.u32 s7, $0x1  }
0xa: {  	s7 =	ssub.s32 s7, s9;
	s20 =	sadd.s32 s6, s5;
	s0 =	sadd.s32 s0, s8  }
0xb: {  	s6 =	simm.s32 $0x0;
	s2 =	sshrl.u32 s2, $0x3;
	s19 =	smax.u32 s7, $0x1  }
0xc: {  	s8 =	sadd.s32 $0xA200, s20;
	s21 =	sshrl.u32 s0, $0x3;
	s22 =	sor.u32 $0x80, s0  }
0xd: {  	s9 =	sadd.s32 $0x28A200, s20;
	s25 =	sor.u32 $0x60, s0;
	s26 =	sor.u32 $0x20, s0  }
0xe: {  	s0 =	sor.u32 $0x40, s0;
	s7 =	simm.s32 $0x11B80;
	s20 =	simm.s32 $0x13B80  }
0xf: {  	s2 =	sadd.s32 s2, s3;
	s3 =	sadd.s32 $0x7A00, s3;
	[dreg:$0x6] =	wrdreg s19  }
0x10: {  	s24 =	sshrl.u32 s22, $0x3;
	s5 =	sshrl.u32 s26, $0x3;
	s18 =	sadd.s32 $0x5200, s2  }
0x11: {  	s0 =	sshrl.u32 s0, $0x3;
	s2 =	sadd.s32 $0x2A00, s2;
	[dreg:$0x4] =	wrdreg s18  }
0x12: {  	s23 =	sadd.s32 s21, s3;
	s31 =	sadd.s32 s5, s3;
	[dreg:$0x5] =	wrdreg s2  }
.Ltmp0:
0x13: {  	s0 =	sadd.s32 s0, s3;
	[dreg:$0x7] =	wrdreg s23;
	(pc) =	sbr.rel .LBB2_1-.Ltmp0, $4  }
0x14: {  	s5 =	simm.s32 $0x1;
	s2 =	sadd.s32 s24, s3;
	[dreg:$0xa] =	wrdreg s31  }
0x15: {  	v2 =	vlaneseq.u32;
	s21 =	simm.s32 $0x5;
	[dreg:$0x8] =	wrdreg s2;
	s2 =	sshrl.u32 s25, $0x3  }
0x16: {  	vm0 =	vmmov $0xffff;
	v1 =	vshrl.u32 v2, $0x3;
	[dreg:$0xb] =	wrdreg s0;
	s24 =	simm.s32 $0x6;
	s2 =	sadd.s32 s2, s3  }
0x17: {  	v0 =	vand.u32 $0x7, v2;
	v2 =	vor.u32 $0x8, v2;
	v1 =	vmul.u32 $0x8, v1;
	s25 =	simm.s32 $0xBB80;
	[dreg:$0x9] =	wrdreg s2;
	s2 =	simm.s32 $0x15B80  }
.LBB2_11:
0x18: {  	_ =	swait.ge [sflag:s24], $0x2000  }
0x19: {  	[sflag:s24] =	ssyncset.done $0x0  }
0x1a: {  	[sflag:s24] =	ssyncadd.s32 $0xFFFFE000  }
0x1b: {  	_ =	swait.ge [sflag:s24], $0x2000  }
0x1c: {  	[sflag:s24] =	ssyncset.done $0x0  }
0x1d: {  	[sflag:s24] =	ssyncadd.s32 $0xFFFFE000  }
0x1e: {  	_ =	swait.ge [sflag:s24], $0x20  }
0x1f: {  	[sflag:s24] =	ssyncset.done $0x0  }
0x20: {  	[sflag:s24] =	ssyncadd.s32 $0xFFFFFFE0  }
0x21: {  	_ =	swait.ge [sflag:s28], $0x2000  }
0x22: {  	[sflag:s28] =	ssyncset.done $0x0  }
0x23: {  	[sflag:s28] =	ssyncadd.s32 $0xFFFFE000  }
0x24: {  	_ =	swait.ge [sflag:s28], $0x2000  }
0x25: {  	[sflag:s28] =	ssyncset.done $0x0  }
0x26: {  	[sflag:s28] =	ssyncadd.s32 $0xFFFFE000  }
0x27: {  	_ =	swait.ge [sflag:s28], $0x20  }
0x28: {  	[sflag:s28] =	ssyncset.done $0x0  }
0x29: {  	[sflag:s28] =	ssyncadd.s32 $0xFFFFFFE0  }
0x2a: {  	_ =	swait.ge [sflag:s29], $0x2000  }
0x2b: {  	[sflag:s29] =	ssyncset.done $0x0  }
0x2c: {  	[sflag:s29] =	ssyncadd.s32 $0xFFFFE000  }
0x2d: {  	_ =	swait.ge [sflag:s29], $0x2000  }
0x2e: {  	[sflag:s29] =	ssyncset.done $0x0  }
0x2f: {  	[sflag:s29] =	ssyncadd.s32 $0xFFFFE000  }
0x30: {  	_ =	swait.ge [sflag:s29], $0x20  }
0x31: {  	[sflag:s29] =	ssyncset.done $0x0  }
0x32: {  	[sflag:s29] =	ssyncadd.s32 $0xFFFFFFE0  }
0x33: {  	_ =	swait.ge [sflag:s30], $0x2000  }
0x34: {  	[sflag:s30] =	ssyncset.done $0x0  }
0x35: {  	[sflag:s30] =	ssyncadd.s32 $0xFFFFE000  }
0x36: {  	_ =	swait.ge [sflag:s30], $0x2000  }
0x37: {  	[sflag:s30] =	ssyncset.done $0x0  }
0x38: {  	[sflag:s30] =	ssyncadd.s32 $0xFFFFE000  }
0x39: {  	_ =	swait.ge [sflag:s30], $0x20  }
0x3a: {  	[sflag:s30] =	ssyncset.done $0x0  }
0x3b: {  	s3 =	simm.s32 $0xA;
	[sflag:s30] =	ssyncadd.s32 $0xFFFFFFE0  }
0x3c: {  	_ =	swait.ge [sflag:s3], $0x2000  }
0x3d: {  	[sflag:s3] =	ssyncset.done $0x0  }
0x3e: {  	[sflag:s3] =	ssyncadd.s32 $0xFFFFE000  }
0x3f: {  	_ =	swait.ge [sflag:s3], $0x2000  }
0x40: {  	[sflag:s3] =	ssyncset.done $0x0  }
0x41: {  	[sflag:s3] =	ssyncadd.s32 $0xFFFFE000  }
0x42: {  	_ =	swait.ge [sflag:s3], $0x20  }
0x43: {  	s6 =	rddreg [dreg:$0xc]  }
0x44: {  	s0 =	rddreg [dreg:$0x6];
	s6 =	sadd.s32 $0x1, s6  }
0x45: {  	p0 =	sne.s32 s6, s0  }
.Ltmp1:
0x46: {  	_ = 	snop;
	(pc) =	sbr.rel @!p0 .LBB2_12-.Ltmp1, $3  }
0x47: {  	_ =	sdelay $0x1  }
0x48: {  	[sflag:s3] =	ssyncset.done $0x0  }
0x49: {  	[sflag:s3] =	ssyncadd.s32 $0xFFFFFFE0  }
.LBB2_1:
0x4a: {  	[dreg:$0xc] =	wrdreg s6  }
0x4b: {  	s0 =	rddreg [dreg:$0x2];
	s3 =	simm.s32 $0xB  }
0x4c: {  	[tilespmem:s4], [sflag:$0xB] =	stream.linear.gather [hbm4b:s0+s4], $0x2780, $0x38;
	[tilespmem:$0x17E00] =	vst v63  }
0x4d: {  	_ =	swait.ge [sflag:s3], $0x2780  }
0x4e: {  	[sflag:s3] =	ssyncset.done $0x0  }
0x4f: {  	s11 =	simm.s32 $0x2780;
	s6 =	rddreg [dreg:$0x4];
	[sflag:s3] =	ssyncadd.s32 $0xFFFFD880  }
0x50: {  	[tilespmem:s11], [sflag:$0xB] =	stream.linear.gather [hbm4b:s6+s4], $0xA00, $0x38;
	[tilespmem:$0x17E00] =	vst v63  }
0x51: {  	_ =	swait.ge [sflag:s3], $0xA00  }
0x52: {  	[sflag:s3] =	ssyncset.done $0x0  }
0x53: {  	s17 =	simm.s32 $0x3180;
	s14 =	rddreg [dreg:$0x5];
	[sflag:s3] =	ssyncadd.s32 $0xFFFFF600  }
0x54: {  	[tilespmem:s17], [sflag:$0xB] =	stream.linear.gather [hbm4b:s14+s4], $0xA00, $0x38;
	[tilespmem:$0x17E00] =	vst v63  }
0x55: {  	_ =	swait.ge [sflag:s3], $0xA00  }
0x56: {  	[sflag:s3] =	ssyncset.done $0x0  }
0x57: {  	[sflag:s3] =	ssyncadd.s32 $0xFFFFF600  }
0x58: {  	v3 =	vld [tilespmem:$0x2780];
	_ =	sdelay $0x4  }
0x59: {  	v4 =	vshll.u32 v3, $0x1  }
0x5a: {  	v3 =	vand.u32 $0x7, v3;
	v4 =	vand.u32 $0xFFFFFFF0, v4  }
0x5b: {  	v3 =	vor.u32 v3, v4  }
0x5c: {  	v4 =	vperm.xlane v3, v0;
	_ =	sdelay $0x1  }
0x5d: {  	v3 =	vperm.xlane v3, v2;
	v4 =	vadd.s32 v1, v4;
	_ =	sdelay $0x1  }
0x5e: {  	v3 =	vadd.s32 v1, v3;
	_ =	sdelay $0x1  }
0x5f: {  	s18 =	simm.s32 $0x3B80  }
0x60: {  	[tilespmem:s18], [sflag:$0x1] =	stream.indirect_vreg.gather [hbm4b:s1+s4], $0x80, v4, vm0, $0xb8;
	[tilespmem:$0x17E00] =	vst v63  }
0x61: {  	s19 =	simm.s32 $0x4380  }
0x62: {  	[tilespmem:s19], [sflag:$0x1] =	stream.indirect_vreg.gather [hbm4b:s1+s4], $0x80, v3, vm0, $0xb8;
	[tilespmem:$0x17E00] =	vst v63  }
0x63: {  	v3 =	vld [tilespmem:$0x2790];
	_ =	sdelay $0x4  }
0x64: {  	v49 =	vshll.u32 v3, $0x1  }
0x65: {  	v3 =	vand.u32 $0x7, v3;
	v4 =	vand.u32 $0xFFFFFFF0, v49  }
0x66: {  	v3 =	vor.u32 v3, v4  }
0x67: {  	v4 =	vperm.xlane v3, v0;
	_ =	sdelay $0x1  }
0x68: {  	v3 =	vperm.xlane v3, v2;
	v4 =	vadd.s32 v1, v4;
	_ =	sdelay $0x1  }
0x69: {  	v3 =	vadd.s32 v1, v3;
	_ =	sdelay $0x1  }
0x6a: {  	s22 =	simm.s32 $0x4B80  }
0x6b: {  	[tilespmem:s22], [sflag:$0x1] =	stream.indirect_vreg.gather [hbm4b:s1+s4], $0x80, v4, vm0, $0xb8;
	[tilespmem:$0x17E00] =	vst v63  }
0x6c: {  	s23 =	simm.s32 $0x5380  }
0x6d: {  	[tilespmem:s23], [sflag:$0x1] =	stream.indirect_vreg.gather [hbm4b:s1+s4], $0x80, v3, vm0, $0xb8;
	[tilespmem:$0x17E00] =	vst v63  }
0x6e: {  	v3 =	vld [tilespmem:$0x3180];
	_ =	sdelay $0x4  }
0x6f: {  	v50 =	vshll.u32 v3, $0x1  }
0x70: {  	v3 =	vand.u32 $0x7, v3;
	v4 =	vand.u32 $0xFFFFFFF0, v50  }
0x71: {  	v3 =	vor.u32 v3, v4  }
0x72: {  	v4 =	vperm.xlane v3, v0;
	_ =	sdelay $0x1  }
0x73: {  	v3 =	vperm.xlane v3, v2;
	v4 =	vadd.s32 v1, v4;
	_ =	sdelay $0x1  }
0x74: {  	v3 =	vadd.s32 v1, v3;
	_ =	sdelay $0x1  }
0x75: {  	s26 =	simm.s32 $0xDB80  }
0x76: {  	[tilespmem:s26], [sflag:$0x1] =	stream.indirect_vreg.gather [hbm4b:s1+s4], $0x80, v4, vm0, $0xb8;
	[tilespmem:$0x17E00] =	vst v63  }
0x77: {  	s31 =	simm.s32 $0xE380  }
0x78: {  	[tilespmem:s31], [sflag:$0x1] =	stream.indirect_vreg.gather [hbm4b:s1+s4], $0x80, v3, vm0, $0xb8;
	[tilespmem:$0x17E00] =	vst v63  }
0x79: {  	v3 =	vld [tilespmem:$0x3190];
	_ =	sdelay $0x4  }
0x7a: {  	v51 =	vshll.u32 v3, $0x1  }
0x7b: {  	v3 =	vand.u32 $0x7, v3;
	v4 =	vand.u32 $0xFFFFFFF0, v51  }
0x7c: {  	v3 =	vor.u32 v3, v4  }
0x7d: {  	v4 =	vperm.xlane v3, v0;
	_ =	sdelay $0x1  }
0x7e: {  	v3 =	vperm.xlane v3, v2;
	v4 =	vadd.s32 v1, v4;
	_ =	sdelay $0x1  }
0x7f: {  	v3 =	vadd.s32 v1, v3;
	_ =	sdelay $0x1  }
0x80: {  	s3 =	simm.s32 $0xEB80  }
0x81: {  	[tilespmem:s3], [sflag:$0x1] =	stream.indirect_vreg.gather [hbm4b:s1+s4], $0x80, v4, vm0, $0xb8;
	[tilespmem:$0x17E00] =	vst v63  }
0x82: {  	s6 =	simm.s32 $0xF380  }
0x83: {  	[tilespmem:s6], [sflag:$0x1] =	stream.indirect_vreg.gather [hbm4b:s1+s4], $0x80, v3, vm0, $0xb8;
	[tilespmem:$0x17E00] =	vst v63  }
0x84: {  	v3 =	vld [tilespmem:$0x27A0];
	_ =	sdelay $0x4  }
0x85: {  	v52 =	vshll.u32 v3, $0x1  }
0x86: {  	v3 =	vand.u32 $0x7, v3;
	v4 =	vand.u32 $0xFFFFFFF0, v52  }
0x87: {  	v3 =	vor.u32 v3, v4  }
0x88: {  	v4 =	vperm.xlane v3, v0;
	_ =	sdelay $0x1  }
0x89: {  	v3 =	vperm.xlane v3, v2;
	v4 =	vadd.s32 v1, v4;
	_ =	sdelay $0x1  }
0x8a: {  	v3 =	vadd.s32 v1, v3;
	_ =	sdelay $0x1  }
0x8b: {  	s11 =	simm.s32 $0x5B80  }
0x8c: {  	[tilespmem:s11], [sflag:$0x2] =	stream.indirect_vreg.gather [hbm4b:s1+s4], $0x80, v4, vm0, $0xb8;
	[tilespmem:$0x17E00] =	vst v63  }
0x8d: {  	s14 =	simm.s32 $0x6380  }
0x8e: {  	[tilespmem:s14], [sflag:$0x2] =	stream.indirect_vreg.gather [hbm4b:s1+s4], $0x80, v3, vm0, $0xb8;
	[tilespmem:$0x17E00] =	vst v63  }
0x8f: {  	v3 =	vld [tilespmem:$0x27B0];
	_ =	sdelay $0x4  }
0x90: {  	v53 =	vshll.u32 v3, $0x1  }
0x91: {  	v3 =	vand.u32 $0x7, v3;
	v4 =	vand.u32 $0xFFFFFFF0, v53  }
0x92: {  	v3 =	vor.u32 v3, v4  }
0x93: {  	v4 =	vperm.xlane v3, v0;
	_ =	sdelay $0x1  }
0x94: {  	v3 =	vperm.xlane v3, v2;
	v4 =	vadd.s32 v1, v4;
	_ =	sdelay $0x1  }
0x95: {  	v3 =	vadd.s32 v1, v3;
	_ =	sdelay $0x1  }
0x96: {  	s17 =	simm.s32 $0x6B80  }
0x97: {  	[tilespmem:s17], [sflag:$0x2] =	stream.indirect_vreg.gather [hbm4b:s1+s4], $0x80, v4, vm0, $0xb8;
	[tilespmem:$0x17E00] =	vst v63  }
0x98: {  	s18 =	simm.s32 $0x7380  }
0x99: {  	[tilespmem:s18], [sflag:$0x2] =	stream.indirect_vreg.gather [hbm4b:s1+s4], $0x80, v3, vm0, $0xb8;
	[tilespmem:$0x17E00] =	vst v63  }
0x9a: {  	v3 =	vld [tilespmem:$0x31A0];
	_ =	sdelay $0x4  }
0x9b: {  	v54 =	vshll.u32 v3, $0x1  }
0x9c: {  	v3 =	vand.u32 $0x7, v3;
	v4 =	vand.u32 $0xFFFFFFF0, v54  }
0x9d: {  	v3 =	vor.u32 v3, v4  }
0x9e: {  	v4 =	vperm.xlane v3, v0;
	_ =	sdelay $0x1  }
0x9f: {  	v3 =	vperm.xlane v3, v2;
	v4 =	vadd.s32 v1, v4;
	_ =	sdelay $0x1  }
0xa0: {  	v3 =	vadd.s32 v1, v3;
	_ =	sdelay $0x1  }
0xa1: {  	s19 =	simm.s32 $0xFB80  }
0xa2: {  	[tilespmem:s19], [sflag:$0x2] =	stream.indirect_vreg.gather [hbm4b:s1+s4], $0x80, v4, vm0, $0xb8;
	[tilespmem:$0x17E00] =	vst v63  }
0xa3: {  	s22 =	simm.s32 $0x10380  }
0xa4: {  	[tilespmem:s22], [sflag:$0x2] =	stream.indirect_vreg.gather [hbm4b:s1+s4], $0x80, v3, vm0, $0xb8;
	[tilespmem:$0x17E00] =	vst v63  }
0xa5: {  	v3 =	vld [tilespmem:$0x31B0];
	_ =	sdelay $0x4  }
0xa6: {  	v55 =	vshll.u32 v3, $0x1  }
0xa7: {  	v3 =	vand.u32 $0x7, v3;
	v4 =	vand.u32 $0xFFFFFFF0, v55  }
0xa8: {  	v3 =	vor.u32 v3, v4  }
0xa9: {  	v4 =	vperm.xlane v3, v0;
	_ =	sdelay $0x1  }
0xaa: {  	v3 =	vperm.xlane v3, v2;
	v4 =	vadd.s32 v1, v4;
	_ =	sdelay $0x1  }
0xab: {  	v3 =	vadd.s32 v1, v3;
	_ =	sdelay $0x1  }
0xac: {  	s23 =	simm.s32 $0x10B80  }
0xad: {  	[tilespmem:s23], [sflag:$0x2] =	stream.indirect_vreg.gather [hbm4b:s1+s4], $0x80, v4, vm0, $0xb8;
	[tilespmem:$0x17E00] =	vst v63  }
0xae: {  	s26 =	simm.s32 $0x11380  }
0xaf: {  	[tilespmem:s26], [sflag:$0x2] =	stream.indirect_vreg.gather [hbm4b:s1+s4], $0x80, v3, vm0, $0xb8;
	[tilespmem:$0x17E00] =	vst v63  }
0xb0: {  	v3 =	vld [tilespmem:$0x27C0];
	_ =	sdelay $0x4  }
0xb1: {  	v56 =	vshll.u32 v3, $0x1  }
0xb2: {  	v3 =	vand.u32 $0x7, v3;
	v4 =	vand.u32 $0xFFFFFFF0, v56  }
0xb3: {  	v3 =	vor.u32 v3, v4  }
0xb4: {  	v4 =	vperm.xlane v3, v0;
	_ =	sdelay $0x1  }
0xb5: {  	v3 =	vperm.xlane v3, v2;
	v4 =	vadd.s32 v1, v4;
	_ =	sdelay $0x1  }
0xb6: {  	v3 =	vadd.s32 v1, v3;
	_ =	sdelay $0x2  }
0xb7: {  	[tilespmem:s16], [sflag:$0x3] =	stream.indirect_vreg.gather [hbm4b:s1+s4], $0x80, v4, vm0, $0xb8;
	[tilespmem:$0x17E00] =	vst v63  }
0xb8: {  	s31 =	simm.s32 $0x8380  }
0xb9: {  	[tilespmem:s31], [sflag:$0x3] =	stream.indirect_vreg.gather [hbm4b:s1+s4], $0x80, v3, vm0, $0xb8;
	[tilespmem:$0x17E00] =	vst v63  }
0xba: {  	v3 =	vld [tilespmem:$0x27D0];
	_ =	sdelay $0x4  }
0xbb: {  	v57 =	vshll.u32 v3, $0x1  }
0xbc: {  	v3 =	vand.u32 $0x7, v3;
	v4 =	vand.u32 $0xFFFFFFF0, v57  }
0xbd: {  	v3 =	vor.u32 v3, v4  }
0xbe: {  	v4 =	vperm.xlane v3, v0;
	_ =	sdelay $0x1  }
0xbf: {  	v3 =	vperm.xlane v3, v2;
	v4 =	vadd.s32 v1, v4;
	_ =	sdelay $0x1  }
0xc0: {  	v3 =	vadd.s32 v1, v3;
	_ =	sdelay $0x1  }
0xc1: {  	s3 =	simm.s32 $0x8B80  }
0xc2: {  	[tilespmem:s3], [sflag:$0x3] =	stream.indirect_vreg.gather [hbm4b:s1+s4], $0x80, v4, vm0, $0xb8;
	[tilespmem:$0x17E00] =	vst v63  }
0xc3: {  	s6 =	simm.s32 $0x9380  }
0xc4: {  	[tilespmem:s6], [sflag:$0x3] =	stream.indirect_vreg.gather [hbm4b:s1+s4], $0x80, v3, vm0, $0xb8;
	[tilespmem:$0x17E00] =	vst v63  }
0xc5: {  	v3 =	vld [tilespmem:$0x31C0];
	_ =	sdelay $0x4  }
0xc6: {  	v58 =	vshll.u32 v3, $0x1  }
0xc7: {  	v3 =	vand.u32 $0x7, v3;
	v4 =	vand.u32 $0xFFFFFFF0, v58  }
0xc8: {  	v3 =	vor.u32 v3, v4  }
0xc9: {  	v4 =	vperm.xlane v3, v0;
	_ =	sdelay $0x1  }
0xca: {  	v3 =	vperm.xlane v3, v2;
	v4 =	vadd.s32 v1, v4;
	_ =	sdelay $0x1  }
0xcb: {  	v3 =	vadd.s32 v1, v3;
	_ =	sdelay $0x2  }
0xcc: {  	[tilespmem:s7], [sflag:$0x3] =	stream.indirect_vreg.gather [hbm4b:s1+s4], $0x80, v4, vm0, $0xb8;
	[tilespmem:$0x17E00] =	vst v63  }
0xcd: {  	s11 =	simm.s32 $0x12380  }
0xce: {  	[tilespmem:s11], [sflag:$0x3] =	stream.indirect_vreg.gather [hbm4b:s1+s4], $0x80, v3, vm0, $0xb8;
	[tilespmem:$0x17E00] =	vst v63  }
0xcf: {  	v3 =	vld [tilespmem:$0x31D0];
	_ =	sdelay $0x4  }
0xd0: {  	v59 =	vshll.u32 v3, $0x1  }
0xd1: {  	v3 =	vand.u32 $0x7, v3;
	v4 =	vand.u32 $0xFFFFFFF0, v59  }
0xd2: {  	v3 =	vor.u32 v3, v4  }
0xd3: {  	v4 =	vperm.xlane v3, v0;
	_ =	sdelay $0x1  }
0xd4: {  	v3 =	vperm.xlane v3, v2;
	v4 =	vadd.s32 v1, v4;
	_ =	sdelay $0x1  }
0xd5: {  	v3 =	vadd.s32 v1, v3;
	_ =	sdelay $0x1  }
0xd6: {  	s14 =	simm.s32 $0x12B80  }
0xd7: {  	[tilespmem:s14], [sflag:$0x3] =	stream.indirect_vreg.gather [hbm4b:s1+s4], $0x80, v4, vm0, $0xb8;
	[tilespmem:$0x17E00] =	vst v63  }
0xd8: {  	s17 =	simm.s32 $0x13380  }
0xd9: {  	[tilespmem:s17], [sflag:$0x3] =	stream.indirect_vreg.gather [hbm4b:s1+s4], $0x80, v3, vm0, $0xb8;
	[tilespmem:$0x17E00] =	vst v63  }
0xda: {  	v3 =	vld [tilespmem:$0x27E0];
	_ =	sdelay $0x4  }
0xdb: {  	v60 =	vshll.u32 v3, $0x1  }
0xdc: {  	v3 =	vand.u32 $0x7, v3;
	v4 =	vand.u32 $0xFFFFFFF0, v60  }
0xdd: {  	v3 =	vor.u32 v3, v4  }
0xde: {  	v4 =	vperm.xlane v3, v0;
	_ =	sdelay $0x1  }
0xdf: {  	v3 =	vperm.xlane v3, v2;
	v4 =	vadd.s32 v1, v4;
	_ =	sdelay $0x1  }
0xe0: {  	v3 =	vadd.s32 v1, v3;
	_ =	sdelay $0x2  }
0xe1: {  	[tilespmem:s13], [sflag:$0x4] =	stream.indirect_vreg.gather [hbm4b:s1+s4], $0x80, v4, vm0, $0xb8;
	[tilespmem:$0x17E00] =	vst v63  }
0xe2: {  	s18 =	simm.s32 $0xA380  }
0xe3: {  	[tilespmem:s18], [sflag:$0x4] =	stream.indirect_vreg.gather [hbm4b:s1+s4], $0x80, v3, vm0, $0xb8;
	[tilespmem:$0x17E00] =	vst v63  }
0xe4: {  	v3 =	vld [tilespmem:$0x27F0];
	_ =	sdelay $0x4  }
0xe5: {  	v61 =	vshll.u32 v3, $0x1  }
0xe6: {  	v3 =	vand.u32 $0x7, v3;
	v4 =	vand.u32 $0xFFFFFFF0, v61  }
0xe7: {  	v3 =	vor.u32 v3, v4  }
0xe8: {  	v4 =	vperm.xlane v3, v0;
	_ =	sdelay $0x1  }
0xe9: {  	v3 =	vperm.xlane v3, v2;
	v4 =	vadd.s32 v1, v4;
	_ =	sdelay $0x1  }
0xea: {  	v3 =	vadd.s32 v1, v3;
	_ =	sdelay $0x1  }
0xeb: {  	s19 =	simm.s32 $0xAB80  }
0xec: {  	[tilespmem:s19], [sflag:$0x4] =	stream.indirect_vreg.gather [hbm4b:s1+s4], $0x80, v4, vm0, $0xb8;
	[tilespmem:$0x17E00] =	vst v63  }
0xed: {  	s22 =	simm.s32 $0xB380  }
0xee: {  	[tilespmem:s22], [sflag:$0x4] =	stream.indirect_vreg.gather [hbm4b:s1+s4], $0x80, v3, vm0, $0xb8;
	[tilespmem:$0x17E00] =	vst v63  }
0xef: {  	v3 =	vld [tilespmem:$0x31E0];
	_ =	sdelay $0x4  }
0xf0: {  	v62 =	vshll.u32 v3, $0x1  }
0xf1: {  	v3 =	vand.u32 $0x7, v3;
	v4 =	vand.u32 $0xFFFFFFF0, v62  }
0xf2: {  	v3 =	vor.u32 v3, v4  }
0xf3: {  	v4 =	vperm.xlane v3, v0;
	_ =	sdelay $0x1  }
0xf4: {  	v3 =	vperm.xlane v3, v2;
	v4 =	vadd.s32 v1, v4;
	_ =	sdelay $0x1  }
0xf5: {  	v3 =	vadd.s32 v1, v3;
	_ =	sdelay $0x2  }
0xf6: {  	[tilespmem:s20], [sflag:$0x4] =	stream.indirect_vreg.gather [hbm4b:s1+s4], $0x80, v4, vm0, $0xb8;
	[tilespmem:$0x17E00] =	vst v63  }
0xf7: {  	s23 =	simm.s32 $0x14380  }
0xf8: {  	[tilespmem:s23], [sflag:$0x4] =	stream.indirect_vreg.gather [hbm4b:s1+s4], $0x80, v3, vm0, $0xb8;
	[tilespmem:$0x17E00] =	vst v63  }
0xf9: {  	v3 =	vld [tilespmem:$0x31F0];
	_ =	sdelay $0x4  }
0xfa: {  	v63 =	vshll.u32 v3, $0x1  }
0xfb: {  	v3 =	vand.u32 $0x7, v3;
	v4 =	vand.u32 $0xFFFFFFF0, v63  }
0xfc: {  	v3 =	vor.u32 v3, v4  }
0xfd: {  	v4 =	vperm.xlane v3, v0;
	_ =	sdelay $0x1  }
0xfe: {  	v3 =	vperm.xlane v3, v2;
	v4 =	vadd.s32 v1, v4  }
0xff: {  	s6 =	rddreg [dreg:$0xa]  }
0x100: {  	s11 =	rddreg [dreg:$0x9];
	v3 =	vadd.s32 v1, v3  }
.Ltmp2:
0x101: {  	s0 =	simm.s32 $0x3290;
	s14 =	rddreg [dreg:$0x8];
	(pc) =	sbr.rel .LBB2_2-.Ltmp2, $4  }
0x102: {  	s26 =	simm.s32 $0x14B80;
	s31 =	simm.s32 $0x15380;
	s17 =	rddreg [dreg:$0xb]  }
0x103: {  	[tilespmem:s26], [sflag:$0x4] =	stream.indirect_vreg.gather [hbm4b:s1+s4], $0x80, v4, vm0, $0xb8;
	[tilespmem:$0x17E00] =	vst v63  }
0x104: {  	s3 =	simm.s32 $0x2810;
	s19 =	rddreg [dreg:$0x7];
	s23 =	simm.s32 $0x0  }
0x105: {  	[tilespmem:s31], [sflag:$0x4] =	stream.indirect_vreg.gather [hbm4b:s1+s4], $0x80, v3, vm0, $0xb8;
	[tilespmem:$0x17E00] =	vst v63  }
.LBB2_10:
0x106: {  	v3 =	vld [tilespmem:s3+$0xFFFFFFF0];
	_ =	sdelay $0x7  }
0x107: {  	v3 =	vld.idx.msk [tilespmem:v3+s4+$0x0], $0xffff;
	_ =	sdelay $0x4  }
0x108: {  	[tilespmem:$0x17D80] =	vst v3  }
0x109: {  	v3 =	vld [tilespmem:s3+$0x0];
	_ =	sdelay $0x7  }
0x10a: {  	v3 =	vld.idx.msk [tilespmem:v3+s4+$0x0], $0xffff;
	_ =	sdelay $0x4  }
0x10b: {  	[tilespmem:$0x17D90] =	vst v3  }
0x10c: {  	_ =	swait.ge [sflag:s21], $0x2000  }
0x10d: {  	[sflag:s21] =	ssyncset.done $0x0  }
0x10e: {  	[sflag:s21] =	ssyncadd.s32 $0xFFFFE000  }
0x10f: {  	_ =	swait.ge [sflag:s21], $0x2000  }
0x110: {  	s18 =	sadd.s32 $0x1000, s18;
	s23 =	sadd.s32 $0x1400, s23;
	[sflag:s21] =	ssyncset.done $0x0  }
0x111: {  	s26 =	sadd.s32 $0x1000, s22;
	p0 =	sne.s32 s23, $0x14000;
	[sflag:s21] =	ssyncadd.s32 $0xFFFFE000  }
0x112: {  	[hbm4b:s18+s4] =	stream.linear.scatter [tilespmem:s25], [sflag:$0xA], $0x2000, $0x38;
	[tilespmem:$0x17E00] =	vst v63  }
.Ltmp3:
0x113: {  	s31 =	simm.s32 $0x17D80;
	s19 =	sadd.s32 $0x14, s19;
	(pc) =	sbr.rel @!p0 .LBB2_11-.Ltmp3, $4  }
0x114: {  	[hbm4b:s26+s4] =	stream.linear.scatter [tilespmem:s2], [sflag:$0xA], $0x2000, $0x38;
	[tilespmem:$0x17E00] =	vst v63  }
0x115: {  	s0 =	sadd.s32 $0xA0, s0;
	s11 =	sadd.s32 $0x14, s11;
	s6 =	sadd.s32 $0x14, s6  }
0x116: {  	[hbm4b:s14+s4] =	stream.linear.scatter [tilespmem:s31], [sflag:$0xA], $0x20, $0x38;
	[tilespmem:$0x17E00] =	vst v63  }
0x117: {  	s17 =	sadd.s32 $0x14, s17;
	s3 =	sadd.s32 $0xA0, s3;
	s14 =	sadd.s32 $0x14, s14  }
.LBB2_2:
0x118: {  	p0 =	seq.s32 s23, $0x0  }
0x119: {  	s18 =	simm.s32 @!p0 $0xA  }
0x11a: {  	_ =	swait.ge @!p0 [sflag:s18], $0x2000  }
0x11b: {  	[sflag:s18] =	ssyncset.done @!p0 $0x0  }
0x11c: {  	[sflag:s18] =	ssyncadd.s32 @!p0 $0xFFFFE000  }
0x11d: {  	_ =	swait.ge @!p0 [sflag:s18], $0x2000  }
0x11e: {  	[sflag:s18] =	ssyncset.done @!p0 $0x0  }
0x11f: {  	[sflag:s18] =	ssyncadd.s32 @!p0 $0xFFFFE000  }
0x120: {  	_ =	swait.ge @!p0 [sflag:s18], $0x20  }
0x121: {  	[sflag:s18] =	ssyncset.done @!p0 $0x0  }
0x122: {  	[sflag:s18] =	ssyncadd.s32 @!p0 $0xFFFFFFE0  }
0x123: {  	v3 =	vld [tilespmem:s3+$0xFFFFFFF0];
	_ =	sdelay $0x4  }
0x124: {  	v4 =	vshll.u32 v3, $0x1  }
0x125: {  	v3 =	vand.u32 $0x7, v3;
	v4 =	vand.u32 $0xFFFFFFF0, v4  }
0x126: {  	v3 =	vor.u32 v3, v4  }
0x127: {  	v4 =	vperm.xlane v3, v0;
	_ =	sdelay $0x1  }
0x128: {  	v3 =	vperm.xlane v3, v2;
	v4 =	vadd.s32 v1, v4;
	_ =	sdelay $0x1  }
0x129: {  	v3 =	vadd.s32 v1, v3;
	_ =	sdelay $0x2  }
0x12a: {  	[tilespmem:s25], [sflag:$0x5] =	stream.indirect_vreg.gather [hbm4b:s1+s4], $0x80, v4, vm0, $0xb8;
	[tilespmem:$0x17E00] =	vst v63  }
0x12b: {  	s31 =	simm.s32 $0xC380  }
0x12c: {  	[tilespmem:s31], [sflag:$0x5] =	stream.indirect_vreg.gather [hbm4b:s1+s4], $0x80, v3, vm0, $0xb8;
	[tilespmem:$0x17E00] =	vst v63  }
0x12d: {  	v3 =	vld [tilespmem:s3+$0x0];
	_ =	sdelay $0x4  }
0x12e: {  	v61 =	vshll.u32 v3, $0x1  }
0x12f: {  	v3 =	vand.u32 $0x7, v3;
	v4 =	vand.u32 $0xFFFFFFF0, v61  }
0x130: {  	v3 =	vor.u32 v3, v4  }
0x131: {  	v4 =	vperm.xlane v3, v0;
	_ =	sdelay $0x1  }
0x132: {  	v3 =	vperm.xlane v3, v2;
	v4 =	vadd.s32 v1, v4;
	_ =	sdelay $0x1  }
0x133: {  	v3 =	vadd.s32 v1, v3;
	_ =	sdelay $0x1  }
0x134: {  	s22 =	simm.s32 $0xCB80  }
0x135: {  	[tilespmem:s22], [sflag:$0x5] =	stream.indirect_vreg.gather [hbm4b:s1+s4], $0x80, v4, vm0, $0xb8;
	[tilespmem:$0x17E00] =	vst v63  }
0x136: {  	s26 =	simm.s32 $0xD380  }
0x137: {  	[tilespmem:s26], [sflag:$0x5] =	stream.indirect_vreg.gather [hbm4b:s1+s4], $0x80, v3, vm0, $0xb8;
	[tilespmem:$0x17E00] =	vst v63  }
0x138: {  	v3 =	vld [tilespmem:s0+$0xFFFFFF70];
	_ =	sdelay $0x4  }
0x139: {  	v62 =	vshll.u32 v3, $0x1  }
0x13a: {  	v3 =	vand.u32 $0x7, v3;
	v4 =	vand.u32 $0xFFFFFFF0, v62  }
0x13b: {  	v3 =	vor.u32 v3, v4  }
0x13c: {  	v4 =	vperm.xlane v3, v0;
	_ =	sdelay $0x1  }
0x13d: {  	v3 =	vperm.xlane v3, v2;
	v4 =	vadd.s32 v1, v4;
	_ =	sdelay $0x1  }
0x13e: {  	v3 =	vadd.s32 v1, v3;
	_ =	sdelay $0x2  }
0x13f: {  	[tilespmem:s2], [sflag:$0x5] =	stream.indirect_vreg.gather [hbm4b:s1+s4], $0x80, v4, vm0, $0xb8;
	[tilespmem:$0x17E00] =	vst v63  }
0x140: {  	s31 =	simm.s32 $0x16380  }
0x141: {  	[tilespmem:s31], [sflag:$0x5] =	stream.indirect_vreg.gather [hbm4b:s1+s4], $0x80, v3, vm0, $0xb8;
	[tilespmem:$0x17E00] =	vst v63  }
0x142: {  	v3 =	vld [tilespmem:s0+$0xFFFFFF80];
	_ =	sdelay $0x4  }
0x143: {  	v63 =	vshll.u32 v3, $0x1  }
0x144: {  	v3 =	vand.u32 $0x7, v3;
	v4 =	vand.u32 $0xFFFFFFF0, v63  }
0x145: {  	v3 =	vor.u32 v3, v4  }
0x146: {  	v4 =	vperm.xlane v3, v0;
	_ =	sdelay $0x1  }
0x147: {  	v3 =	vperm.xlane v3, v2;
	v4 =	vadd.s32 v1, v4;
	_ =	sdelay $0x1  }
0x148: {  	v3 =	vadd.s32 v1, v3;
	_ =	sdelay $0x1  }
0x149: {  	s22 =	simm.s32 $0x16B80  }
0x14a: {  	[tilespmem:s22], [sflag:$0x5] =	stream.indirect_vreg.gather [hbm4b:s1+s4], $0x80, v4, vm0, $0xb8;
	[tilespmem:$0x17E00] =	vst v63  }
0x14b: {  	s26 =	simm.s32 $0x17380  }
0x14c: {  	[tilespmem:s26], [sflag:$0x5] =	stream.indirect_vreg.gather [hbm4b:s1+s4], $0x80, v3, vm0, $0xb8;
	[tilespmem:$0x17E00] =	vst v63  }
0x14d: {  	v3 =	vld [tilespmem:s3+$0xFFFFFF70];
	_ =	sdelay $0x7  }
0x14e: {  	v3 =	vld.idx.msk [tilespmem:v3+s4+$0x0], $0xffff;
	_ =	sdelay $0x4  }
0x14f: {  	[tilespmem:$0x17B80] =	vst v3  }
0x150: {  	v3 =	vld [tilespmem:s3+$0xFFFFFF80];
	_ =	sdelay $0x7  }
0x151: {  	v3 =	vld.idx.msk [tilespmem:v3+s4+$0x0], $0xffff;
	_ =	sdelay $0x4  }
0x152: {  	[tilespmem:$0x17B90] =	vst v3  }
0x153: {  	_ =	swait.ge [sflag:s5], $0x2000  }
0x154: {  	[sflag:s5] =	ssyncset.done $0x0  }
0x155: {  	[sflag:s5] =	ssyncadd.s32 $0xFFFFE000  }
0x156: {  	_ =	swait.ge [sflag:s5], $0x2000  }
0x157: {  	s18 =	sadd.s32 s23, s8;
	[sflag:s5] =	ssyncset.done $0x0  }
0x158: {  	p0 =	seq.s32 s23, $0x12C00;
	s22 =	simm.s32 $0x3B80;
	[sflag:s5] =	ssyncadd.s32 $0xFFFFE000  }
0x159: {  	[hbm4b:s18+s4] =	stream.linear.scatter [tilespmem:s22], [sflag:$0x6], $0x2000, $0x38;
	[tilespmem:$0x17E00] =	vst v63  }
.Ltmp4:
0x15a: {  	_ = 	snop;
	(pc) =	sbr.rel @p0 .LBB2_4-.Ltmp4, $4  }
0x15b: {  	s26 =	simm.s32 $0xDB80;
	s22 =	sadd.s32 s23, s9  }
0x15c: {  	[hbm4b:s22+s4] =	stream.linear.scatter [tilespmem:s26], [sflag:$0x6], $0x2000, $0x38;
	[tilespmem:$0x17E00] =	vst v63  }
0x15d: {  	s31 =	simm.s32 $0x17B80  }
0x15e: {  	[hbm4b:s19+s4] =	stream.linear.scatter [tilespmem:s31], [sflag:$0x6], $0x20, $0x38;
	[tilespmem:$0x17E00] =	vst v63  }
0x15f: {  	_ =	swait.ge [sflag:s24], $0x2000  }
0x160: {  	[sflag:s24] =	ssyncset.done $0x0  }
0x161: {  	[sflag:s24] =	ssyncadd.s32 $0xFFFFE000  }
0x162: {  	_ =	swait.ge [sflag:s24], $0x2000  }
0x163: {  	[sflag:s24] =	ssyncset.done $0x0  }
0x164: {  	[sflag:s24] =	ssyncadd.s32 $0xFFFFE000  }
0x165: {  	_ =	swait.ge [sflag:s24], $0x20  }
0x166: {  	[sflag:s24] =	ssyncset.done $0x0  }
0x167: {  	[sflag:s24] =	ssyncadd.s32 $0xFFFFFFE0  }
0x168: {  	v3 =	vld [tilespmem:s3+$0x10];
	_ =	sdelay $0x4  }
0x169: {  	v4 =	vshll.u32 v3, $0x1  }
0x16a: {  	v3 =	vand.u32 $0x7, v3;
	v4 =	vand.u32 $0xFFFFFFF0, v4  }
0x16b: {  	v3 =	vor.u32 v3, v4  }
0x16c: {  	v4 =	vperm.xlane v3, v0;
	_ =	sdelay $0x1  }
0x16d: {  	v3 =	vperm.xlane v3, v2;
	v4 =	vadd.s32 v1, v4;
	_ =	sdelay $0x1  }
0x16e: {  	v3 =	vadd.s32 v1, v3;
	_ =	sdelay $0x1  }
0x16f: {  	s26 =	simm.s32 $0x3B80  }
0x170: {  	[tilespmem:s26], [sflag:$0x1] =	stream.indirect_vreg.gather [hbm4b:s1+s4], $0x80, v4, vm0, $0xb8;
	[tilespmem:$0x17E00] =	vst v63  }
0x171: {  	s31 =	simm.s32 $0x4380  }
0x172: {  	[tilespmem:s31], [sflag:$0x1] =	stream.indirect_vreg.gather [hbm4b:s1+s4], $0x80, v3, vm0, $0xb8;
	[tilespmem:$0x17E00] =	vst v63  }
0x173: {  	v3 =	vld [tilespmem:s3+$0x20];
	_ =	sdelay $0x4  }
0x174: {  	v61 =	vshll.u32 v3, $0x1  }
0x175: {  	v3 =	vand.u32 $0x7, v3;
	v4 =	vand.u32 $0xFFFFFFF0, v61  }
0x176: {  	v3 =	vor.u32 v3, v4  }
0x177: {  	v4 =	vperm.xlane v3, v0;
	_ =	sdelay $0x1  }
0x178: {  	v3 =	vperm.xlane v3, v2;
	v4 =	vadd.s32 v1, v4;
	_ =	sdelay $0x1  }
0x179: {  	v3 =	vadd.s32 v1, v3;
	_ =	sdelay $0x1  }
0x17a: {  	s31 =	simm.s32 $0x4B80  }
0x17b: {  	[tilespmem:s31], [sflag:$0x1] =	stream.indirect_vreg.gather [hbm4b:s1+s4], $0x80, v4, vm0, $0xb8;
	[tilespmem:$0x17E00] =	vst v63  }
0x17c: {  	s31 =	simm.s32 $0x5380  }
0x17d: {  	[tilespmem:s31], [sflag:$0x1] =	stream.indirect_vreg.gather [hbm4b:s1+s4], $0x80, v3, vm0, $0xb8;
	[tilespmem:$0x17E00] =	vst v63  }
0x17e: {  	v3 =	vld [tilespmem:s0+$0xFFFFFF90];
	_ =	sdelay $0x4  }
0x17f: {  	v62 =	vshll.u32 v3, $0x1  }
0x180: {  	v3 =	vand.u32 $0x7, v3;
	v4 =	vand.u32 $0xFFFFFFF0, v62  }
0x181: {  	v3 =	vor.u32 v3, v4  }
0x182: {  	v4 =	vperm.xlane v3, v0;
	_ =	sdelay $0x1  }
0x183: {  	v3 =	vperm.xlane v3, v2;
	v4 =	vadd.s32 v1, v4;
	_ =	sdelay $0x1  }
0x184: {  	v3 =	vadd.s32 v1, v3;
	_ =	sdelay $0x1  }
0x185: {  	s31 =	simm.s32 $0xDB80  }
0x186: {  	[tilespmem:s31], [sflag:$0x1] =	stream.indirect_vreg.gather [hbm4b:s1+s4], $0x80, v4, vm0, $0xb8;
	[tilespmem:$0x17E00] =	vst v63  }
0x187: {  	s31 =	simm.s32 $0xE380  }
0x188: {  	[tilespmem:s31], [sflag:$0x1] =	stream.indirect_vreg.gather [hbm4b:s1+s4], $0x80, v3, vm0, $0xb8;
	[tilespmem:$0x17E00] =	vst v63  }
0x189: {  	v3 =	vld [tilespmem:s0+$0xFFFFFFA0];
	_ =	sdelay $0x4  }
0x18a: {  	v63 =	vshll.u32 v3, $0x1  }
0x18b: {  	v3 =	vand.u32 $0x7, v3;
	v4 =	vand.u32 $0xFFFFFFF0, v63  }
0x18c: {  	v3 =	vor.u32 v3, v4  }
0x18d: {  	v4 =	vperm.xlane v3, v0;
	_ =	sdelay $0x1  }
0x18e: {  	v3 =	vperm.xlane v3, v2;
	v4 =	vadd.s32 v1, v4;
	_ =	sdelay $0x1  }
0x18f: {  	v3 =	vadd.s32 v1, v3;
	_ =	sdelay $0x1  }
0x190: {  	s31 =	simm.s32 $0xEB80  }
0x191: {  	[tilespmem:s31], [sflag:$0x1] =	stream.indirect_vreg.gather [hbm4b:s1+s4], $0x80, v4, vm0, $0xb8;
	[tilespmem:$0x17E00] =	vst v63  }
0x192: {  	s31 =	simm.s32 $0xF380  }
0x193: {  	[tilespmem:s31], [sflag:$0x1] =	stream.indirect_vreg.gather [hbm4b:s1+s4], $0x80, v3, vm0, $0xb8;
	[tilespmem:$0x17E00] =	vst v63  }
.LBB2_4:
0x194: {  	v3 =	vld [tilespmem:s3+$0xFFFFFF90];
	_ =	sdelay $0x7  }
0x195: {  	v3 =	vld.idx.msk [tilespmem:v3+s4+$0x0], $0xffff;
	_ =	sdelay $0x4  }
0x196: {  	[tilespmem:$0x17C00] =	vst v3  }
0x197: {  	v3 =	vld [tilespmem:s3+$0xFFFFFFA0];
	_ =	sdelay $0x7  }
0x198: {  	v3 =	vld.idx.msk [tilespmem:v3+s4+$0x0], $0xffff;
	_ =	sdelay $0x4  }
0x199: {  	[tilespmem:$0x17C10] =	vst v3  }
0x19a: {  	_ =	swait.ge [sflag:s10], $0x2000  }
0x19b: {  	[sflag:s10] =	ssyncset.done $0x0  }
0x19c: {  	[sflag:s10] =	ssyncadd.s32 $0xFFFFE000  }
0x19d: {  	_ =	swait.ge [sflag:s10], $0x2000  }
0x19e: {  	[sflag:s10] =	ssyncset.done $0x0  }
0x19f: {  	s26 =	sadd.s32 $0x400, s18;
	s31 =	simm.s32 $0x5B80;
	[sflag:s10] =	ssyncadd.s32 $0xFFFFE000  }
0x1a0: {  	[hbm4b:s26+s4] =	stream.linear.scatter [tilespmem:s31], [sflag:$0x7], $0x2000, $0x38;
	[tilespmem:$0x17E00] =	vst v63  }
.Ltmp5:
0x1a1: {  	_ = 	snop;
	(pc) =	sbr.rel @p0 .LBB2_6-.Ltmp5, $4  }
0x1a2: {  	s26 =	sadd.s32 $0x400, s22;
	s31 =	simm.s32 $0xFB80  }
0x1a3: {  	[hbm4b:s26+s4] =	stream.linear.scatter [tilespmem:s31], [sflag:$0x7], $0x2000, $0x38;
	[tilespmem:$0x17E00] =	vst v63  }
0x1a4: {  	s31 =	simm.s32 $0x17C00  }
0x1a5: {  	[hbm4b:s6+s4] =	stream.linear.scatter [tilespmem:s31], [sflag:$0x7], $0x20, $0x38;
	[tilespmem:$0x17E00] =	vst v63  }
0x1a6: {  	_ =	swait.ge [sflag:s28], $0x2000  }
0x1a7: {  	[sflag:s28] =	ssyncset.done $0x0  }
0x1a8: {  	[sflag:s28] =	ssyncadd.s32 $0xFFFFE000  }
0x1a9: {  	_ =	swait.ge [sflag:s28], $0x2000  }
0x1aa: {  	[sflag:s28] =	ssyncset.done $0x0  }
0x1ab: {  	[sflag:s28] =	ssyncadd.s32 $0xFFFFE000  }
0x1ac: {  	_ =	swait.ge [sflag:s28], $0x20  }
0x1ad: {  	[sflag:s28] =	ssyncset.done $0x0  }
0x1ae: {  	[sflag:s28] =	ssyncadd.s32 $0xFFFFFFE0  }
0x1af: {  	v3 =	vld [tilespmem:s3+$0x30];
	_ =	sdelay $0x4  }
0x1b0: {  	v4 =	vshll.u32 v3, $0x1  }
0x1b1: {  	v3 =	vand.u32 $0x7, v3;
	v4 =	vand.u32 $0xFFFFFFF0, v4  }
0x1b2: {  	v3 =	vor.u32 v3, v4  }
0x1b3: {  	v4 =	vperm.xlane v3, v0;
	_ =	sdelay $0x1  }
0x1b4: {  	v3 =	vperm.xlane v3, v2;
	v4 =	vadd.s32 v1, v4;
	_ =	sdelay $0x1  }
0x1b5: {  	v3 =	vadd.s32 v1, v3;
	_ =	sdelay $0x1  }
0x1b6: {  	s26 =	simm.s32 $0x5B80  }
0x1b7: {  	[tilespmem:s26], [sflag:$0x2] =	stream.indirect_vreg.gather [hbm4b:s1+s4], $0x80, v4, vm0, $0xb8;
	[tilespmem:$0x17E00] =	vst v63  }
0x1b8: {  	s31 =	simm.s32 $0x6380  }
0x1b9: {  	[tilespmem:s31], [sflag:$0x2] =	stream.indirect_vreg.gather [hbm4b:s1+s4], $0x80, v3, vm0, $0xb8;
	[tilespmem:$0x17E00] =	vst v63  }
0x1ba: {  	v3 =	vld [tilespmem:s3+$0x40];
	_ =	sdelay $0x4  }
0x1bb: {  	v61 =	vshll.u32 v3, $0x1  }
0x1bc: {  	v3 =	vand.u32 $0x7, v3;
	v4 =	vand.u32 $0xFFFFFFF0, v61  }
0x1bd: {  	v3 =	vor.u32 v3, v4  }
0x1be: {  	v4 =	vperm.xlane v3, v0;
	_ =	sdelay $0x1  }
0x1bf: {  	v3 =	vperm.xlane v3, v2;
	v4 =	vadd.s32 v1, v4;
	_ =	sdelay $0x1  }
0x1c0: {  	v3 =	vadd.s32 v1, v3;
	_ =	sdelay $0x1  }
0x1c1: {  	s31 =	simm.s32 $0x6B80  }
0x1c2: {  	[tilespmem:s31], [sflag:$0x2] =	stream.indirect_vreg.gather [hbm4b:s1+s4], $0x80, v4, vm0, $0xb8;
	[tilespmem:$0x17E00] =	vst v63  }
0x1c3: {  	s31 =	simm.s32 $0x7380  }
0x1c4: {  	[tilespmem:s31], [sflag:$0x2] =	stream.indirect_vreg.gather [hbm4b:s1+s4], $0x80, v3, vm0, $0xb8;
	[tilespmem:$0x17E00] =	vst v63  }
0x1c5: {  	v3 =	vld [tilespmem:s0+$0xFFFFFFB0];
	_ =	sdelay $0x4  }
0x1c6: {  	v62 =	vshll.u32 v3, $0x1  }
0x1c7: {  	v3 =	vand.u32 $0x7, v3;
	v4 =	vand.u32 $0xFFFFFFF0, v62  }
0x1c8: {  	v3 =	vor.u32 v3, v4  }
0x1c9: {  	v4 =	vperm.xlane v3, v0;
	_ =	sdelay $0x1  }
0x1ca: {  	v3 =	vperm.xlane v3, v2;
	v4 =	vadd.s32 v1, v4;
	_ =	sdelay $0x1  }
0x1cb: {  	v3 =	vadd.s32 v1, v3;
	_ =	sdelay $0x1  }
0x1cc: {  	s31 =	simm.s32 $0xFB80  }
0x1cd: {  	[tilespmem:s31], [sflag:$0x2] =	stream.indirect_vreg.gather [hbm4b:s1+s4], $0x80, v4, vm0, $0xb8;
	[tilespmem:$0x17E00] =	vst v63  }
0x1ce: {  	s31 =	simm.s32 $0x10380  }
0x1cf: {  	[tilespmem:s31], [sflag:$0x2] =	stream.indirect_vreg.gather [hbm4b:s1+s4], $0x80, v3, vm0, $0xb8;
	[tilespmem:$0x17E00] =	vst v63  }
0x1d0: {  	v3 =	vld [tilespmem:s0+$0xFFFFFFC0];
	_ =	sdelay $0x4  }
0x1d1: {  	v63 =	vshll.u32 v3, $0x1  }
0x1d2: {  	v3 =	vand.u32 $0x7, v3;
	v4 =	vand.u32 $0xFFFFFFF0, v63  }
0x1d3: {  	v3 =	vor.u32 v3, v4  }
0x1d4: {  	v4 =	vperm.xlane v3, v0;
	_ =	sdelay $0x1  }
0x1d5: {  	v3 =	vperm.xlane v3, v2;
	v4 =	vadd.s32 v1, v4;
	_ =	sdelay $0x1  }
0x1d6: {  	v3 =	vadd.s32 v1, v3;
	_ =	sdelay $0x1  }
0x1d7: {  	s31 =	simm.s32 $0x10B80  }
0x1d8: {  	[tilespmem:s31], [sflag:$0x2] =	stream.indirect_vreg.gather [hbm4b:s1+s4], $0x80, v4, vm0, $0xb8;
	[tilespmem:$0x17E00] =	vst v63  }
0x1d9: {  	s31 =	simm.s32 $0x11380  }
0x1da: {  	[tilespmem:s31], [sflag:$0x2] =	stream.indirect_vreg.gather [hbm4b:s1+s4], $0x80, v3, vm0, $0xb8;
	[tilespmem:$0x17E00] =	vst v63  }
.LBB2_6:
0x1db: {  	v3 =	vld [tilespmem:s3+$0xFFFFFFB0];
	_ =	sdelay $0x7  }
0x1dc: {  	v3 =	vld.idx.msk [tilespmem:v3+s4+$0x0], $0xffff;
	_ =	sdelay $0x4  }
0x1dd: {  	[tilespmem:$0x17C80] =	vst v3  }
0x1de: {  	v3 =	vld [tilespmem:s3+$0xFFFFFFC0];
	_ =	sdelay $0x7  }
0x1df: {  	v3 =	vld.idx.msk [tilespmem:v3+s4+$0x0], $0xffff;
	_ =	sdelay $0x4  }
0x1e0: {  	[tilespmem:$0x17C90] =	vst v3  }
0x1e1: {  	_ =	swait.ge [sflag:s12], $0x2000  }
0x1e2: {  	[sflag:s12] =	ssyncset.done $0x0  }
0x1e3: {  	[sflag:s12] =	ssyncadd.s32 $0xFFFFE000  }
0x1e4: {  	_ =	swait.ge [sflag:s12], $0x2000  }
0x1e5: {  	[sflag:s12] =	ssyncset.done $0x0  }
0x1e6: {  	s26 =	sadd.s32 $0x800, s18;
	[sflag:s12] =	ssyncadd.s32 $0xFFFFE000  }
0x1e7: {  	[hbm4b:s26+s4] =	stream.linear.scatter [tilespmem:s16], [sflag:$0x8], $0x2000, $0x38;
	[tilespmem:$0x17E00] =	vst v63  }
.Ltmp6:
0x1e8: {  	_ = 	snop;
	(pc) =	sbr.rel @p0 .LBB2_8-.Ltmp6, $4  }
0x1e9: {  	s31 =	sadd.s32 $0x800, s22  }
0x1ea: {  	[hbm4b:s31+s4] =	stream.linear.scatter [tilespmem:s7], [sflag:$0x8], $0x2000, $0x38;
	[tilespmem:$0x17E00] =	vst v63  }
0x1eb: {  	s31 =	simm.s32 $0x17C80  }
0x1ec: {  	[hbm4b:s17+s4] =	stream.linear.scatter [tilespmem:s31], [sflag:$0x8], $0x20, $0x38;
	[tilespmem:$0x17E00] =	vst v63  }
0x1ed: {  	_ =	swait.ge [sflag:s29], $0x2000  }
0x1ee: {  	[sflag:s29] =	ssyncset.done $0x0  }
0x1ef: {  	[sflag:s29] =	ssyncadd.s32 $0xFFFFE000  }
0x1f0: {  	_ =	swait.ge [sflag:s29], $0x2000  }
0x1f1: {  	[sflag:s29] =	ssyncset.done $0x0  }
0x1f2: {  	[sflag:s29] =	ssyncadd.s32 $0xFFFFE000  }
0x1f3: {  	_ =	swait.ge [sflag:s29], $0x20  }
0x1f4: {  	[sflag:s29] =	ssyncset.done $0x0  }
0x1f5: {  	[sflag:s29] =	ssyncadd.s32 $0xFFFFFFE0  }
0x1f6: {  	v3 =	vld [tilespmem:s3+$0x50];
	_ =	sdelay $0x4  }
0x1f7: {  	v4 =	vshll.u32 v3, $0x1  }
0x1f8: {  	v3 =	vand.u32 $0x7, v3;
	v4 =	vand.u32 $0xFFFFFFF0, v4  }
0x1f9: {  	v3 =	vor.u32 v3, v4  }
0x1fa: {  	v4 =	vperm.xlane v3, v0;
	_ =	sdelay $0x1  }
0x1fb: {  	v3 =	vperm.xlane v3, v2;
	v4 =	vadd.s32 v1, v4;
	_ =	sdelay $0x1  }
0x1fc: {  	v3 =	vadd.s32 v1, v3;
	_ =	sdelay $0x2  }
0x1fd: {  	[tilespmem:s16], [sflag:$0x3] =	stream.indirect_vreg.gather [hbm4b:s1+s4], $0x80, v4, vm0, $0xb8;
	[tilespmem:$0x17E00] =	vst v63  }
0x1fe: {  	s26 =	simm.s32 $0x8380  }
0x1ff: {  	[tilespmem:s26], [sflag:$0x3] =	stream.indirect_vreg.gather [hbm4b:s1+s4], $0x80, v3, vm0, $0xb8;
	[tilespmem:$0x17E00] =	vst v63  }
0x200: {  	v3 =	vld [tilespmem:s3+$0x60];
	_ =	sdelay $0x4  }
0x201: {  	v61 =	vshll.u32 v3, $0x1  }
0x202: {  	v3 =	vand.u32 $0x7, v3;
	v4 =	vand.u32 $0xFFFFFFF0, v61  }
0x203: {  	v3 =	vor.u32 v3, v4  }
0x204: {  	v4 =	vperm.xlane v3, v0;
	_ =	sdelay $0x1  }
0x205: {  	v3 =	vperm.xlane v3, v2;
	v4 =	vadd.s32 v1, v4;
	_ =	sdelay $0x1  }
0x206: {  	v3 =	vadd.s32 v1, v3;
	_ =	sdelay $0x1  }
0x207: {  	s31 =	simm.s32 $0x8B80  }
0x208: {  	[tilespmem:s31], [sflag:$0x3] =	stream.indirect_vreg.gather [hbm4b:s1+s4], $0x80, v4, vm0, $0xb8;
	[tilespmem:$0x17E00] =	vst v63  }
0x209: {  	s31 =	simm.s32 $0x9380  }
0x20a: {  	[tilespmem:s31], [sflag:$0x3] =	stream.indirect_vreg.gather [hbm4b:s1+s4], $0x80, v3, vm0, $0xb8;
	[tilespmem:$0x17E00] =	vst v63  }
0x20b: {  	v3 =	vld [tilespmem:s0+$0xFFFFFFD0];
	_ =	sdelay $0x4  }
0x20c: {  	v62 =	vshll.u32 v3, $0x1  }
0x20d: {  	v3 =	vand.u32 $0x7, v3;
	v4 =	vand.u32 $0xFFFFFFF0, v62  }
0x20e: {  	v3 =	vor.u32 v3, v4  }
0x20f: {  	v4 =	vperm.xlane v3, v0;
	_ =	sdelay $0x1  }
0x210: {  	v3 =	vperm.xlane v3, v2;
	v4 =	vadd.s32 v1, v4;
	_ =	sdelay $0x1  }
0x211: {  	v3 =	vadd.s32 v1, v3;
	_ =	sdelay $0x2  }
0x212: {  	[tilespmem:s7], [sflag:$0x3] =	stream.indirect_vreg.gather [hbm4b:s1+s4], $0x80, v4, vm0, $0xb8;
	[tilespmem:$0x17E00] =	vst v63  }
0x213: {  	s31 =	simm.s32 $0x12380  }
0x214: {  	[tilespmem:s31], [sflag:$0x3] =	stream.indirect_vreg.gather [hbm4b:s1+s4], $0x80, v3, vm0, $0xb8;
	[tilespmem:$0x17E00] =	vst v63  }
0x215: {  	v3 =	vld [tilespmem:s0+$0xFFFFFFE0];
	_ =	sdelay $0x4  }
0x216: {  	v63 =	vshll.u32 v3, $0x1  }
0x217: {  	v3 =	vand.u32 $0x7, v3;
	v4 =	vand.u32 $0xFFFFFFF0, v63  }
0x218: {  	v3 =	vor.u32 v3, v4  }
0x219: {  	v4 =	vperm.xlane v3, v0;
	_ =	sdelay $0x1  }
0x21a: {  	v3 =	vperm.xlane v3, v2;
	v4 =	vadd.s32 v1, v4;
	_ =	sdelay $0x1  }
0x21b: {  	v3 =	vadd.s32 v1, v3;
	_ =	sdelay $0x1  }
0x21c: {  	s31 =	simm.s32 $0x12B80  }
0x21d: {  	[tilespmem:s31], [sflag:$0x3] =	stream.indirect_vreg.gather [hbm4b:s1+s4], $0x80, v4, vm0, $0xb8;
	[tilespmem:$0x17E00] =	vst v63  }
0x21e: {  	s31 =	simm.s32 $0x13380  }
0x21f: {  	[tilespmem:s31], [sflag:$0x3] =	stream.indirect_vreg.gather [hbm4b:s1+s4], $0x80, v3, vm0, $0xb8;
	[tilespmem:$0x17E00] =	vst v63  }
.LBB2_8:
0x220: {  	v3 =	vld [tilespmem:s3+$0xFFFFFFD0];
	_ =	sdelay $0x7  }
0x221: {  	v3 =	vld.idx.msk [tilespmem:v3+s4+$0x0], $0xffff;
	_ =	sdelay $0x4  }
0x222: {  	[tilespmem:$0x17D00] =	vst v3  }
0x223: {  	v3 =	vld [tilespmem:s3+$0xFFFFFFE0];
	_ =	sdelay $0x7  }
0x224: {  	v3 =	vld.idx.msk [tilespmem:v3+s4+$0x0], $0xffff;
	_ =	sdelay $0x4  }
0x225: {  	[tilespmem:$0x17D10] =	vst v3  }
0x226: {  	_ =	swait.ge [sflag:s15], $0x2000  }
0x227: {  	[sflag:s15] =	ssyncset.done $0x0  }
0x228: {  	[sflag:s15] =	ssyncadd.s32 $0xFFFFE000  }
0x229: {  	_ =	swait.ge [sflag:s15], $0x2000  }
0x22a: {  	[sflag:s15] =	ssyncset.done $0x0  }
0x22b: {  	s26 =	sadd.s32 $0xC00, s18;
	[sflag:s15] =	ssyncadd.s32 $0xFFFFE000  }
0x22c: {  	[hbm4b:s26+s4] =	stream.linear.scatter [tilespmem:s13], [sflag:$0x9], $0x2000, $0x38;
	[tilespmem:$0x17E00] =	vst v63  }
.Ltmp7:
0x22d: {  	_ = 	snop;
	(pc) =	sbr.rel @p0 .LBB2_10-.Ltmp7, $4  }
0x22e: {  	s31 =	sadd.s32 $0xC00, s22  }
0x22f: {  	[hbm4b:s31+s4] =	stream.linear.scatter [tilespmem:s20], [sflag:$0x9], $0x2000, $0x38;
	[tilespmem:$0x17E00] =	vst v63  }
0x230: {  	s31 =	simm.s32 $0x17D00  }
0x231: {  	[hbm4b:s11+s4] =	stream.linear.scatter [tilespmem:s31], [sflag:$0x9], $0x20, $0x38;
	[tilespmem:$0x17E00] =	vst v63  }
0x232: {  	_ =	swait.ge [sflag:s30], $0x2000  }
0x233: {  	[sflag:s30] =	ssyncset.done $0x0  }
0x234: {  	[sflag:s30] =	ssyncadd.s32 $0xFFFFE000  }
0x235: {  	_ =	swait.ge [sflag:s30], $0x2000  }
0x236: {  	[sflag:s30] =	ssyncset.done $0x0  }
0x237: {  	[sflag:s30] =	ssyncadd.s32 $0xFFFFE000  }
0x238: {  	_ =	swait.ge [sflag:s30], $0x20  }
0x239: {  	[sflag:s30] =	ssyncset.done $0x0  }
0x23a: {  	[sflag:s30] =	ssyncadd.s32 $0xFFFFFFE0  }
0x23b: {  	v3 =	vld [tilespmem:s3+$0x70];
	_ =	sdelay $0x4  }
0x23c: {  	v4 =	vshll.u32 v3, $0x1  }
0x23d: {  	v3 =	vand.u32 $0x7, v3;
	v4 =	vand.u32 $0xFFFFFFF0, v4  }
0x23e: {  	v3 =	vor.u32 v3, v4  }
0x23f: {  	v4 =	vperm.xlane v3, v0;
	_ =	sdelay $0x1  }
0x240: {  	v3 =	vperm.xlane v3, v2;
	v4 =	vadd.s32 v1, v4;
	_ =	sdelay $0x1  }
0x241: {  	v3 =	vadd.s32 v1, v3;
	_ =	sdelay $0x2  }
0x242: {  	[tilespmem:s13], [sflag:$0x4] =	stream.indirect_vreg.gather [hbm4b:s1+s4], $0x80, v4, vm0, $0xb8;
	[tilespmem:$0x17E00] =	vst v63  }
0x243: {  	s26 =	simm.s32 $0xA380  }
0x244: {  	[tilespmem:s26], [sflag:$0x4] =	stream.indirect_vreg.gather [hbm4b:s1+s4], $0x80, v3, vm0, $0xb8;
	[tilespmem:$0x17E00] =	vst v63  }
0x245: {  	v3 =	vld [tilespmem:s3+$0x80];
	_ =	sdelay $0x4  }
0x246: {  	v61 =	vshll.u32 v3, $0x1  }
0x247: {  	v3 =	vand.u32 $0x7, v3;
	v4 =	vand.u32 $0xFFFFFFF0, v61  }
0x248: {  	v3 =	vor.u32 v3, v4  }
0x249: {  	v4 =	vperm.xlane v3, v0;
	_ =	sdelay $0x1  }
0x24a: {  	v3 =	vperm.xlane v3, v2;
	v4 =	vadd.s32 v1, v4;
	_ =	sdelay $0x1  }
0x24b: {  	v3 =	vadd.s32 v1, v3;
	_ =	sdelay $0x1  }
0x24c: {  	s31 =	simm.s32 $0xAB80  }
0x24d: {  	[tilespmem:s31], [sflag:$0x4] =	stream.indirect_vreg.gather [hbm4b:s1+s4], $0x80, v4, vm0, $0xb8;
	[tilespmem:$0x17E00] =	vst v63  }
0x24e: {  	s31 =	simm.s32 $0xB380  }
0x24f: {  	[tilespmem:s31], [sflag:$0x4] =	stream.indirect_vreg.gather [hbm4b:s1+s4], $0x80, v3, vm0, $0xb8;
	[tilespmem:$0x17E00] =	vst v63  }
0x250: {  	v3 =	vld [tilespmem:s0+$0xFFFFFFF0];
	_ =	sdelay $0x4  }
0x251: {  	v62 =	vshll.u32 v3, $0x1  }
0x252: {  	v3 =	vand.u32 $0x7, v3;
	v4 =	vand.u32 $0xFFFFFFF0, v62  }
0x253: {  	v3 =	vor.u32 v3, v4  }
0x254: {  	v4 =	vperm.xlane v3, v0;
	_ =	sdelay $0x1  }
0x255: {  	v3 =	vperm.xlane v3, v2;
	v4 =	vadd.s32 v1, v4;
	_ =	sdelay $0x1  }
0x256: {  	v3 =	vadd.s32 v1, v3;
	_ =	sdelay $0x2  }
0x257: {  	[tilespmem:s20], [sflag:$0x4] =	stream.indirect_vreg.gather [hbm4b:s1+s4], $0x80, v4, vm0, $0xb8;
	[tilespmem:$0x17E00] =	vst v63  }
0x258: {  	s31 =	simm.s32 $0x14380  }
0x259: {  	[tilespmem:s31], [sflag:$0x4] =	stream.indirect_vreg.gather [hbm4b:s1+s4], $0x80, v3, vm0, $0xb8;
	[tilespmem:$0x17E00] =	vst v63  }
0x25a: {  	v3 =	vld [tilespmem:s0+$0x0];
	_ =	sdelay $0x4  }
0x25b: {  	v63 =	vshll.u32 v3, $0x1  }
0x25c: {  	v3 =	vand.u32 $0x7, v3;
	v4 =	vand.u32 $0xFFFFFFF0, v63  }
0x25d: {  	v3 =	vor.u32 v3, v4  }
0x25e: {  	v4 =	vperm.xlane v3, v0;
	_ =	sdelay $0x1  }
0x25f: {  	v3 =	vperm.xlane v3, v2;
	v4 =	vadd.s32 v1, v4;
	_ =	sdelay $0x1  }
0x260: {  	v3 =	vadd.s32 v1, v3  }
.Ltmp8:
0x261: {  	_ = 	snop;
	(pc) =	sbr.rel .LBB2_10-.Ltmp8, $4  }
0x262: {  	s31 =	simm.s32 $0x14B80  }
0x263: {  	[tilespmem:s31], [sflag:$0x4] =	stream.indirect_vreg.gather [hbm4b:s1+s4], $0x80, v4, vm0, $0xb8;
	[tilespmem:$0x17E00] =	vst v63  }
0x264: {  	s31 =	simm.s32 $0x15380  }
0x265: {  	[tilespmem:s31], [sflag:$0x4] =	stream.indirect_vreg.gather [hbm4b:s1+s4], $0x80, v3, vm0, $0xb8;
	[tilespmem:$0x17E00] =	vst v63  }
.LBB2_12:
0x266: {  	_ =	sfence.sel $0x180000  }
0x267: {  	[bflag:$0x0] =	sbarrier.arrive $0xFFFF  }
0x268: {  	_ =	strace $0x90000047  }
0x269: {  	s0 =	stileid.u32;
	[bflag:$0x2] =	sbarrier.arrive $0xFFFF  }
0x26a: {  	p0 =	sne.s32 s0, $0x0;
	s0 =	rddreg [dreg:$0x3]  }
0x26b: {  	s0 =	sadd.s32 @!p0 $0x100000, s0  }
0x26c: {  	[sflag:s0] =	ssyncadd.tile.s32 @!p0 $0x1;
	_ =	shalt  }
.Lfunc_end2:
_tile_overlayer_lowered:
.L_overlay_start_2:
0x26d: {  	(tag) =	ssettag $0x2  }
0x26e: {  	s0 =	rddreg [dreg:$0x0];
	s2 =	stileid.u32  }
0x26f: {  	s1 =	rddreg [dreg:$0x1];
	p0 =	sne.s32 s2, $0x0  }
0x270: {  	s3 =	rddreg [dreg:$0x2];
	[bflag:$0x3] =	sbarrier.arrive $0xFFFF;
	s2 =	simm.s32 @!p0 $0x1C0B  }
0x271: {  	[timem:s3], [sflag:s2] =	dma.local @!p0 [hbm:s0], s1  }
0x272: {  	s0 =	simm.s32 @!p0 $0xB  }
0x273: {  	_ =	swait.ge @!p0 [sflag:s0], s1  }
0x274: {  	s1 =	ssub.s32 @!p0 $0x0, s1;
	[sflag:s0] =	ssyncset.done @!p0 $0x0  }
0x275: {  	[sflag:s0] =	ssyncadd.s32 @!p0 s1  }
0x276: {  	[bflag:$0x3] =	sbarrier.arrive $0xFFFF  }
0x277: {  	_ =	shalt  }

</sc_bundles>
